<compile_context>
chip_gen: v7x
topology: tpu7x:2x2x1
jax: 0.10.2.dev20260603
libtpu: 0.0.44.dev20260713+nightly
codegen_flags: <defaults>
</compile_context>

<pallas_src>
import jax
import jax.numpy as jnp
from jax import lax
from jax.experimental import pallas as pl
from jax.experimental.pallas import tpu as pltpu
from jax.experimental.pallas import tpu_sc as plsc

N = 10000
D = 128
NP = 10240
DUMMY = N
NC, NS, CB = 2, 16, 128
CBP = 64
RPT = NP // NS
BK = 1024

_mesh = plsc.VectorSubcoreMesh(
    core_axis_name="c", subcore_axis_name="s", num_cores=NC, num_subcores=NS)
_no_layout = pltpu.CompilerParams(needs_layout_passes=False)


def _fill_zero(ref, rows):
  v = jnp.zeros((16,), jnp.float32)
  w = ref.shape[1]

  def row(i, _):
    for g in range(w // 16):
      ref[i, pl.ds(g * 16, 16)] = v
    return 0

  lax.fori_loop(0, rows, row, 0)


def _fill_zero1(ref):
  v = jnp.zeros((16,), jnp.float32)

  def row(i, _):
    ref[pl.ds(i * 16, 16)] = v
    return 0

  lax.fori_loop(0, ref.shape[0] // 16, row, 0)


def _zero_acc(acc_s, buf, s):
  rows = buf.shape[0]
  _fill_zero(buf, rows)
  for k in range(RPT // rows):
    pltpu.sync_copy(buf, acc_s.at[pl.ds(s * RPT + k * rows, rows)])


def _scal1_body(gr, rows3, cols3, out_o,
                ridx, cidx, grt, adeg, aagg, aod):
  c = lax.axis_index("c")
  s = lax.axis_index("s")
  pltpu.sync_copy(gr, grt)
  _fill_zero1(adeg)
  _fill_zero1(aagg)
  _fill_zero1(aod)
  nch = rows3.shape[2]
  ones16 = jnp.ones((16,), jnp.float32)

  def chunk(j, _):
    pltpu.sync_copy(rows3.at[c, s, j], ridx)
    pltpu.sync_copy(cols3.at[c, s, j], cidx)

    def grp(k, _):
      r16 = ridx[pl.ds(k * 16, 16)]
      c16 = cidx[pl.ds(k * 16, 16)]
      g = plsc.load_gather(grt, [r16])
      plsc.addupdate_scatter(aagg, [c16], g)
      plsc.addupdate_scatter(adeg, [c16], ones16)
      plsc.addupdate_scatter(aod, [r16], ones16)
      return 0

    lax.fori_loop(0, CB // 16, grp, 0)
    return 0

  lax.fori_loop(0, nch, chunk, 0)
  base = ((c * NS) + s) * 3
  pltpu.sync_copy(adeg, out_o.at[pl.ds((base + 0) * NP, NP)])
  pltpu.sync_copy(aagg, out_o.at[pl.ds((base + 1) * NP, NP)])
  pltpu.sync_copy(aod, out_o.at[pl.ds((base + 2) * NP, NP)])


def _scal1(gr, rows3, cols3):
  f = pl.kernel(
      _scal1_body,
      out_type=jax.ShapeDtypeStruct((NC * NS * 3 * NP,), jnp.float32),
      mesh=_mesh,
      compiler_params=_no_layout,
      scratch_types=[
          pltpu.VMEM((CB,), jnp.int32), pltpu.VMEM((CB,), jnp.int32),
          pltpu.VMEM((NP,), jnp.float32),
          pltpu.VMEM((NP,), jnp.float32), pltpu.VMEM((NP,), jnp.float32),
          pltpu.VMEM((NP,), jnp.float32),
      ])
  return f(gr, rows3, cols3)


def _scal2_body(uk, uq, rows3, cols3, out_o,
                ridx, cidx, ukt, uqt, adk, adq):
  c = lax.axis_index("c")
  s = lax.axis_index("s")
  pltpu.sync_copy(uk, ukt)
  pltpu.sync_copy(uq, uqt)
  _fill_zero1(adk)
  _fill_zero1(adq)
  nch = rows3.shape[2]

  def chunk(j, _):
    pltpu.sync_copy(rows3.at[c, s, j], ridx)
    pltpu.sync_copy(cols3.at[c, s, j], cidx)

    def grp(k, _):
      r16 = ridx[pl.ds(k * 16, 16)]
      c16 = cidx[pl.ds(k * 16, 16)]
      plsc.addupdate_scatter(adk, [r16], plsc.load_gather(ukt, [c16]))
      plsc.addupdate_scatter(adq, [r16], plsc.load_gather(uqt, [c16]))
      return 0

    lax.fori_loop(0, CB // 16, grp, 0)
    return 0

  lax.fori_loop(0, nch, chunk, 0)
  base = ((c * NS) + s) * 2
  pltpu.sync_copy(adk, out_o.at[pl.ds((base + 0) * NP, NP)])
  pltpu.sync_copy(adq, out_o.at[pl.ds((base + 1) * NP, NP)])


def _scal2(uk, uq, rows3, cols3):
  f = pl.kernel(
      _scal2_body,
      out_type=jax.ShapeDtypeStruct((NC * NS * 2 * NP,), jnp.float32),
      mesh=_mesh,
      compiler_params=_no_layout,
      scratch_types=[
          pltpu.VMEM((CB,), jnp.int32), pltpu.VMEM((CB,), jnp.int32),
          pltpu.VMEM((NP,), jnp.float32), pltpu.VMEM((NP,), jnp.float32),
          pltpu.VMEM((NP,), jnp.float32), pltpu.VMEM((NP,), jnp.float32),
      ])
  return f(uk, uq, rows3, cols3)


def _gs_body(table, idxa3, idxb3, acc_o, aidx, bidx, rows_v, acc_s, sem):
  c = lax.axis_index("c")
  s = lax.axis_index("s")
  _zero_acc(acc_s, rows_v, s)
  plsc.subcore_barrier()
  nch = idxa3.shape[2]

  def chunk(j, _):
    pltpu.sync_copy(idxa3.at[c, s, j], aidx)
    pltpu.sync_copy(idxb3.at[c, s, j], bidx)
    pltpu.async_copy(table.at[aidx], rows_v, sem).wait()
    pltpu.sync_copy(rows_v, acc_s.at[bidx], add=True)
    return 0

  lax.fori_loop(0, nch, chunk, 0)
  plsc.subcore_barrier()
  pltpu.sync_copy(acc_s.at[pl.ds(s * RPT, RPT)], acc_o.at[c, pl.ds(s * RPT, RPT)])


def _gs(table, idxa3, idxb3):
  f = pl.kernel(
      _gs_body,
      out_type=jax.ShapeDtypeStruct((NC, NP, D), jnp.float32),
      mesh=_mesh,
      scratch_types=[
          pltpu.VMEM((CB,), jnp.int32), pltpu.VMEM((CB,), jnp.int32),
          pltpu.VMEM((CB, D), jnp.float32),
          pltpu.VMEM_SHARED((NP, D), jnp.float32),
          pltpu.SemaphoreType.DMA,
      ])
  return f(table, idxa3, idxb3)


def _p2_run(table, acc_s, rows2, cols2, ridx, cidx, rows_v, sem, s):
  nch = rows2.shape[1]

  def chunk(j, _):
    pltpu.sync_copy(cols2.at[s, j], cidx)
    pltpu.sync_copy(rows2.at[s, j], ridx)
    pltpu.async_copy(table.at[cidx], rows_v, sem).wait()
    pltpu.sync_copy(rows_v, acc_s.at[ridx], add=True)
    return 0

  lax.fori_loop(0, nch, chunk, 0)


def _p2_body(tk, tq, rows2, cols2, acc_o, ridx, cidx, rows_v, acc_s, sem):
  c = lax.axis_index("c")
  s = lax.axis_index("s")
  _zero_acc(acc_s, rows_v, s)
  plsc.subcore_barrier()

  @pl.when(c == 0)
  def _():
    _p2_run(tk, acc_s, rows2, cols2, ridx, cidx, rows_v, sem, s)

  @pl.when(c == 1)
  def _():
    _p2_run(tq, acc_s, rows2, cols2, ridx, cidx, rows_v, sem, s)

  plsc.subcore_barrier()
  pltpu.sync_copy(acc_s.at[pl.ds(s * RPT, RPT)], acc_o.at[c, pl.ds(s * RPT, RPT)])


def _p2(tk, tq, rows2, cols2):
  f = pl.kernel(
      _p2_body,
      out_type=jax.ShapeDtypeStruct((NC, NP, D), jnp.float32),
      mesh=_mesh,
      scratch_types=[
          pltpu.VMEM((CB,), jnp.int32), pltpu.VMEM((CB,), jnp.int32),
          pltpu.VMEM((CB, D), jnp.float32),
          pltpu.VMEM_SHARED((NP, D), jnp.float32),
          pltpu.SemaphoreType.DMA,
      ])
  return f(tk, tq, rows2, cols2)


def _p4_body(xrq, xt, rows4, cols4, ss_o,
             ridx, cidx, a_v, b_v, cbuf, acc_s, sem, sem2):
  c = lax.axis_index("c")
  s = lax.axis_index("s")
  _zero_acc(acc_s, cbuf, s)
  plsc.subcore_barrier()
  nch = rows4.shape[2]

  def chunk(j, _):
    pltpu.sync_copy(rows4.at[c, s, j], ridx)
    pltpu.sync_copy(cols4.at[c, s, j], cidx)
    d1 = pltpu.async_copy(xrq.at[ridx], a_v, sem)
    d2 = pltpu.async_copy(xt.at[cidx], b_v, sem2)
    d1.wait()
    d2.wait()

    def edge(i, _):
      for g in range(D // 16):
        sl = pl.ds(g * 16, 16)
        cbuf[i, sl] = jnp.abs(a_v[i, sl] - b_v[i, sl])
      return 0

    lax.fori_loop(0, CBP, edge, 0)
    pltpu.sync_copy(cbuf, acc_s.at[ridx], add=True)
    return 0

  lax.fori_loop(0, nch, chunk, 0)
  plsc.subcore_barrier()
  pltpu.sync_copy(acc_s.at[pl.ds(s * RPT, RPT)], ss_o.at[c, pl.ds(s * RPT, RPT)])


def _p4(xrq, xt, rows4, cols4):
  f = pl.kernel(
      _p4_body,
      out_type=jax.ShapeDtypeStruct((NC, NP, D), jnp.float32),
      mesh=_mesh,
      scratch_types=[
          pltpu.VMEM((CBP,), jnp.int32), pltpu.VMEM((CBP,), jnp.int32),
          pltpu.VMEM((CBP, D), jnp.float32), pltpu.VMEM((CBP, D), jnp.float32),
          pltpu.VMEM((CBP, D), jnp.float32),
          pltpu.VMEM_SHARED((NP, D), jnp.float32),
          pltpu.SemaphoreType.DMA, pltpu.SemaphoreType.DMA,
      ])
  return f(xrq, xt, rows4, cols4)


def _k1_body(x_ref, wg_ref, wr_ref, wroot_ref, bgr_ref, xw_ref, gr_ref, fit_ref):
  xb = x_ref[...]
  xw = jnp.dot(xb, wg_ref[...], preferred_element_type=jnp.float32)
  gr = jnp.dot(xb, wr_ref[...], preferred_element_type=jnp.float32)
  groot = jnp.dot(xb, wroot_ref[...], preferred_element_type=jnp.float32)
  xw_ref[...] = xw
  gr_ref[...] = gr
  fit_ref[...] = gr + groot + bgr_ref[0, 0]


def _k1(xp, w_gcn, wg_rel, wg_root, bg_rel):
  grid = NP // BK
  return pl.pallas_call(
      _k1_body,
      grid=(grid,),
      in_specs=[
          pl.BlockSpec((BK, D), lambda i: (i, 0)),
          pl.BlockSpec((D, D), lambda i: (0, 0)),
          pl.BlockSpec((D, 1), lambda i: (0, 0)),
          pl.BlockSpec((D, 1), lambda i: (0, 0)),
          pl.BlockSpec((1, 1), lambda i: (0, 0)),
      ],
      out_specs=[
          pl.BlockSpec((BK, D), lambda i: (i, 0)),
          pl.BlockSpec((BK, 1), lambda i: (i, 0)),
          pl.BlockSpec((BK, 1), lambda i: (i, 0)),
      ],
      out_shape=[
          jax.ShapeDtypeStruct((NP, D), jnp.float32),
          jax.ShapeDtypeStruct((NP, 1), jnp.float32),
          jax.ShapeDtypeStruct((NP, 1), jnp.float32),
      ])(xp, w_gcn, wg_rel, wg_root, bg_rel)


def _k2_body(a1_ref, xw_ref, fit_ref, y_ref, dinv_ref, fitness_ref):
  a = a1_ref[...]
  deg = 1.0 + jnp.sum(a[:, :, 0, :], axis=(0, 1))[:, None]
  agg = jnp.sum(a[:, :, 1, :], axis=(0, 1))[:, None]
  dinv = lax.rsqrt(deg)
  y_ref[...] = dinv * xw_ref[...]
  dinv_ref[...] = dinv
  fitness_ref[...] = jax.nn.sigmoid(agg + fit_ref[...])


def _k2(s1, xw, fit):
  grid = NP // BK
  return pl.pallas_call(
      _k2_body,
      grid=(grid,),
      in_specs=[
          pl.BlockSpec((NC, NS, 3, BK), lambda i: (0, 0, 0, i)),
          pl.BlockSpec((BK, D), lambda i: (i, 0)),
          pl.BlockSpec((BK, 1), lambda i: (i, 0)),
      ],
      out_specs=[
          pl.BlockSpec((BK, D), lambda i: (i, 0)),
          pl.BlockSpec((BK, 1), lambda i: (i, 0)),
          pl.BlockSpec((BK, 1), lambda i: (i, 0)),
      ],
      out_shape=[
          jax.ShapeDtypeStruct((NP, D), jnp.float32),
          jax.ShapeDtypeStruct((NP, 1), jnp.float32),
          jax.ShapeDtypeStruct((NP, 1), jnp.float32),
      ])(s1, xw, fit)


def _leaky(z):
  return jnp.where(z >= 0, z, 0.01 * z)


def _k3_body(t_ref, dinv_ref, xw_ref, bgcn_ref, wk_ref, bk_ref, wq_ref, bq_ref,
             xt_ref, tk_ref, tq_ref, uk_ref, uq_ref):
  t = t_ref[...]
  dinv = dinv_ref[...]
  xt = dinv * (t[0] + t[1]) + (dinv * dinv) * xw_ref[...] + bgcn_ref[...]
  xt_ref[...] = xt
  uk = jnp.exp(_leaky(jnp.dot(xt, wk_ref[...], preferred_element_type=jnp.float32)
                      + bk_ref[0, 0]))
  uq = jnp.exp(_leaky(jnp.dot(xt, wq_ref[...], preferred_element_type=jnp.float32)
                      + bq_ref[0, 0]))
  tk_ref[...] = uk * xt
  tq_ref[...] = uq * xt
  uk_ref[...] = uk
  uq_ref[...] = uq


def _k3(t, dinv, xw, bgcn, wk, bk, wq, bq):
  grid = NP // BK
  return pl.pallas_call(
      _k3_body,
      grid=(grid,),
      in_specs=[
          pl.BlockSpec((NC, BK, D), lambda i: (0, i, 0)),
          pl.BlockSpec((BK, 1), lambda i: (i, 0)),
          pl.BlockSpec((BK, D), lambda i: (i, 0)),
          pl.BlockSpec((1, D), lambda i: (0, 0)),
          pl.BlockSpec((D, 1), lambda i: (0, 0)),
          pl.BlockSpec((1, 1), lambda i: (0, 0)),
          pl.BlockSpec((D, 1), lambda i: (0, 0)),
          pl.BlockSpec((1, 1), lambda i: (0, 0)),
      ],
      out_specs=[
          pl.BlockSpec((BK, D), lambda i: (i, 0)),
          pl.BlockSpec((BK, D), lambda i: (i, 0)),
          pl.BlockSpec((BK, D), lambda i: (i, 0)),
          pl.BlockSpec((BK, 1), lambda i: (i, 0)),
          pl.BlockSpec((BK, 1), lambda i: (i, 0)),
      ],
      out_shape=[
          jax.ShapeDtypeStruct((NP, D), jnp.float32),
          jax.ShapeDtypeStruct((NP, D), jnp.float32),
          jax.ShapeDtypeStruct((NP, D), jnp.float32),
          jax.ShapeDtypeStruct((NP, 1), jnp.float32),
          jax.ShapeDtypeStruct((NP, 1), jnp.float32),
      ])(t, dinv, xw, bgcn, wk, bk, wq, bq)


def _k4_body(p_ref, s2_ref, tk_ref, tq_ref, uk_ref, uq_ref, xt_ref,
             xrq_ref, kerr_ref):
  p = p_ref[...]
  s2 = s2_ref[...]
  tk = tk_ref[...]
  tq = tq_ref[...]
  xt = xt_ref[...]
  dk = jnp.sum(s2[:, :, 0, :], axis=(0, 1))[:, None] + uk_ref[...]
  dq = jnp.sum(s2[:, :, 1, :], axis=(0, 1))[:, None] + uq_ref[...]
  xr_k = (p[0, :, :] + tk) / dk
  xr_q = (p[1, :, :] + tq) / dq
  xrq_ref[...] = xr_q
  kerr_ref[...] = jnp.sum(jnp.abs(xr_k - xt), axis=1, keepdims=True)


def _k4(p2acc, s2, tk, tq, uk, uq, xt):
  grid = NP // BK
  return pl.pallas_call(
      _k4_body,
      grid=(grid,),
      in_specs=[
          pl.BlockSpec((NC, BK, D), lambda i: (0, i, 0)),
          pl.BlockSpec((NC, NS, 2, BK), lambda i: (0, 0, 0, i)),
          pl.BlockSpec((BK, D), lambda i: (i, 0)),
          pl.BlockSpec((BK, D), lambda i: (i, 0)),
          pl.BlockSpec((BK, 1), lambda i: (i, 0)),
          pl.BlockSpec((BK, 1), lambda i: (i, 0)),
          pl.BlockSpec((BK, D), lambda i: (i, 0)),
      ],
      out_specs=[
          pl.BlockSpec((BK, D), lambda i: (i, 0)),
          pl.BlockSpec((BK, 1), lambda i: (i, 0)),
      ],
      out_shape=[
          jax.ShapeDtypeStruct((NP, D), jnp.float32),
          jax.ShapeDtypeStruct((NP, 1), jnp.float32),
      ])(p2acc, s2, tk, tq, uk, uq, xt)


def _k5_body(s1_ref, kerr_ref, ss_ref, fitness_ref, out_ref):
  s1 = s1_ref[...]
  ss = ss_ref[...]
  outdeg = jnp.sum(s1[:, :, 2, :], axis=(0, 1))[:, None]
  sstot = jnp.sum(ss[0] + ss[1], axis=1, keepdims=True)
  out_ref[...] = fitness_ref[...] - 0.1 * (outdeg * kerr_ref[...] - sstot)


def _k5(s1, kerr, ssacc, fitness):
  grid = NP // BK
  return pl.pallas_call(
      _k5_body,
      grid=(grid,),
      in_specs=[
          pl.BlockSpec((NC, NS, 3, BK), lambda i: (0, 0, 0, i)),
          pl.BlockSpec((BK, 1), lambda i: (i, 0)),
          pl.BlockSpec((NC, BK, D), lambda i: (0, i, 0)),
          pl.BlockSpec((BK, 1), lambda i: (i, 0)),
      ],
      out_specs=pl.BlockSpec((BK, 1), lambda i: (i, 0)),
      out_shape=jax.ShapeDtypeStruct((NP, 1), jnp.float32),
      )(s1, kerr, ssacc, fitness)


def _dummy_fill(ea):
  return (N + (jnp.arange(ea, dtype=jnp.int32) % (NP - N))).astype(jnp.int32)


def _pad_edges_split(r, c, e, cb=CB):
  tot = NC * NS * cb
  ch = -(-e // tot)
  ch += ch % 2
  ea = tot * ch
  rp = _dummy_fill(ea).at[:e].set(r)
  cp = _dummy_fill(ea).at[:e].set(c)
  return (rp.reshape(NC, NS, ch, cb), cp.reshape(NC, NS, ch, cb))


def _pad_edges_full(r, c, e):
  tot = NS * CB
  ch = -(-e // tot)
  ea = tot * ch
  rp = _dummy_fill(ea).at[:e].set(r)
  cp = _dummy_fill(ea).at[:e].set(c)
  return (rp.reshape(NS, ch, CB), cp.reshape(NS, ch, CB))


@jax.jit
def kernel(x, edge_index, W_gcn, b_gcn, W_key, b_key, W_query, b_query,
           Wg_rel, bg_rel, Wg_root):
  e = edge_index.shape[1]
  row = edge_index[0].astype(jnp.int32)
  col = edge_index[1].astype(jnp.int32)
  rows3, cols3 = _pad_edges_split(row, col, e)
  rows4, cols4 = _pad_edges_split(row, col, e, CBP)
  rows2, cols2 = _pad_edges_full(row, col, e)

  xp = jnp.pad(x, ((0, NP - N), (0, 0)))
  bgr = bg_rel.reshape(1, 1)
  bkk = b_key.reshape(1, 1)
  bqq = b_query.reshape(1, 1)
  bgcn = b_gcn.reshape(1, D)

  xw, gr1, fit = _k1(xp, W_gcn, Wg_rel, Wg_root, bgr)
  s1 = _scal1(gr1.reshape(-1), rows3, cols3).reshape(NC, NS, 3, NP)
  y, dinv, fitness = _k2(s1, xw, fit)
  t = _gs(y, rows3, cols3)
  xt, tk, tq, uk, uq = _k3(t, dinv, xw, bgcn, W_key, bkk, W_query, bqq)
  p2acc = _p2(tk, tq, rows2, cols2)
  s2 = _scal2(uk.reshape(-1), uq.reshape(-1),
              rows3, cols3).reshape(NC, NS, 2, NP)
  xrq, kerr = _k4(p2acc, s2, tk, tq, uk, uq, xt)
  ssacc = _p4(xrq, xt, rows4, cols4)
  return _k5(s1, kerr, ssacc, fitness).reshape(-1)[:N]

# --- scband reference (transcript-rebuilt; emitter-appended) ---
"""Pipeline reference for scband-red-conv-88656714924912 (READ-ONLY COPY).

The authoritative reference and input builder live on the scoring server;
editing this copy changes nothing except your own understanding.
"""

import jax, jax.numpy as jnp
import numpy as np

N = 10000
E = 320000
D = 128


def segment_softmax(scores, seg, num):
    m = jax.ops.segment_max(scores, seg, num_segments=num)
    m = jnp.where(jnp.isfinite(m), m, 0.0)
    e = jnp.exp(scores - m[seg])
    d = jax.ops.segment_sum(e, seg, num_segments=num)
    return e / (d[seg] + 1e-16)


def setup_inputs(seed: int = 0) -> dict:
    key = jax.random.key(seed)
    ks = jax.random.split(key, 12)
    x = jax.random.normal(ks[0], (N, D), dtype=jnp.float32)
    src = jax.random.randint(ks[1], (E,), 0, N)
    off = jax.random.randint(ks[2], (E,), 1, N)
    dst = (src + off) % N  # no self-loops, so add_remaining_self_loops appends exactly N loops
    edge_index = jnp.stack([src, dst])
    s = 1.0 / np.sqrt(D)
    W_gcn = jax.random.normal(ks[3], (D, D), dtype=jnp.float32) * s
    b_gcn = jnp.zeros((D,), dtype=jnp.float32)
    W_key = jax.random.normal(ks[4], (D, 1), dtype=jnp.float32) * s
    b_key = jnp.zeros((1,), dtype=jnp.float32)
    W_query = jax.random.normal(ks[5], (D, 1), dtype=jnp.float32) * s
    b_query = jnp.zeros((1,), dtype=jnp.float32)
    Wg_rel = jax.random.normal(ks[6], (D, 1), dtype=jnp.float32) * s
    bg_rel = jnp.zeros((1,), dtype=jnp.float32)
    Wg_root = jax.random.normal(ks[7], (D, 1), dtype=jnp.float32) * s
    return {"x": x, "edge_index": edge_index, "W_gcn": W_gcn, "b_gcn": b_gcn,
            "W_key": W_key, "b_key": b_key, "W_query": W_query, "b_query": b_query,
            "Wg_rel": Wg_rel, "bg_rel": bg_rel, "Wg_root": Wg_root}


def reference(x, edge_index, W_gcn, b_gcn, W_key, b_key, W_query, b_query, Wg_rel, bg_rel, Wg_root):
    n = x.shape[0]
    loops = jnp.arange(n, dtype=edge_index.dtype)
    ei = jnp.concatenate([edge_index, jnp.stack([loops, loops])], axis=1)
    row, col = ei[0], ei[1]
    # GCNConv(in, hidden): symmetric gcn_norm (self-loops already present)
    ew = jnp.ones(ei.shape[1], dtype=x.dtype)
    deg = jax.ops.segment_sum(ew, col, num_segments=n)
    dinv = jnp.where(deg > 0, jax.lax.rsqrt(deg), 0.0)
    norm = dinv[row] * dinv[col]
    xw = x @ W_gcn
    x_transform = jax.ops.segment_sum(norm[:, None] * xw[row], col, num_segments=n) + b_gcn
    x_neighbor = x_transform[col]  # edge_index[1]
    key_s = jax.nn.leaky_relu(x_neighbor @ W_key + b_key)  # F.leaky_relu default slope 0.01
    key_s = segment_softmax(key_s, row, n)
    x_reweight_key = jax.ops.segment_sum(x_neighbor * key_s, row, num_segments=n)
    q_s = jax.nn.leaky_relu(x_neighbor @ W_query + b_query)
    q_s = segment_softmax(q_s, row, n)
    x_reweight_query = jax.ops.segment_sum(x_neighbor * q_s, row, num_segments=n)
    ker_error = jnp.sum(jnp.abs(x_reweight_key[row] - x_transform[row]), axis=1)
    query_error = jnp.sum(jnp.abs(x_reweight_query[row] - x_transform[col]), axis=1)
    red_score = ker_error - query_error
    # GraphConv(in, 1): lin_rel(sum_j x_j) + lin_root(x)
    aggr = jax.ops.segment_sum(x[row], col, num_segments=n)
    fitness = jax.nn.sigmoid(aggr @ Wg_rel + bg_rel + x @ Wg_root).reshape(-1)
    red_score = red_score.at[-n:].set(0.0)
    score_sum = jax.ops.segment_sum(red_score, row, num_segments=n)
    final_score = fitness - 0.1 * score_sum
    return final_score

if __name__ == "__main__":
    import jax
    _d = setup_inputs()
    print(jax.jit(kernel)(*tuple(_d.values())))

</pallas_src>

<mosaic_0001>
#map = affine_map<(d0, d1) -> (0, 0)>
#map1 = affine_map<(d0, d1) -> (0, 0, 0)>
module attributes {stable_mosaic.version = 14 : i64} {
  func.func @_p2_body(%arg0: i32, %arg1: i32, %arg2: memref<10240x128xf32, #tpu.memory_space<hbm>>, %arg3: memref<10240x128xf32, #tpu.memory_space<hbm>>, %arg4: memref<16x157x128xi32, #tpu.memory_space<hbm>>, %arg5: memref<16x157x128xi32, #tpu.memory_space<hbm>>, %arg6: memref<2x10240x128xf32, #tpu.memory_space<hbm>>, %arg7: memref<128xi32, #tpu.memory_space<vmem>>, %arg8: memref<128xi32, #tpu.memory_space<vmem>>, %arg9: memref<128x128xf32, #tpu.memory_space<vmem>>, %arg10: memref<10240x128xf32, #tpu.memory_space<vmem_shared>>, %arg11: memref<!tpu.dma_semaphore, #tpu.memory_space<semaphore_mem>>) attributes {dimension_semantics = [#tpu.dimension_semantics<core_parallel>, #tpu.dimension_semantics<subcore_parallel>], iteration_bounds = array<i64: 2, 16>, scalar_prefetch = 0 : i64, scratch_operands = 5 : i64, tpu.core_type = #tpu.core_type<sc_vector_subcore>, window_params = [{transform_indices = #map}, {transform_indices = #map}, {transform_indices = #map1}, {transform_indices = #map1}, {transform_indices = #map1}]} {
    %broadcast_in_dim3A = arith.constant 0.000000e+00 : f32
    %broadcast_in_dim3A_0 = vector.broadcast %broadcast_in_dim3A : f32 to vector<16xf32>
    %scan3A = arith.constant 0 : i32
    %scan3A_1 = arith.constant 0 : i32
    %scan3A_2 = arith.constant 128 : i32
    %scan3A_3 = arith.addi %scan3A_1, %scan3A_2 : i32
    %scan3A_4 = arith.constant 1 : i32
    %scan3A_5 = scf.for %scan3A_37 = %scan3A_1 to %scan3A_3 step %scan3A_4 iter_args(%scan3A_38 = %scan3A) -> (i32)  : i32 {
      %swap3A = arith.index_cast %scan3A_37 : i32 to index
      %swap3A_39 = arith.constant 0 : index
      %swap3A_40 = tpu.vector_load %arg9[%swap3A, %swap3A_39] {strides = array<i32>} : memref<128x128xf32, #tpu.memory_space<vmem>>, vector<1x16xf32>,
      %swap3A_41 = vector.shape_cast %swap3A_40 : vector<1x16xf32> to vector<16xf32>
      %swap3A_42 = vector.shape_cast %broadcast_in_dim3A_0 : vector<16xf32> to vector<1x16xf32>
      tpu.vector_store %arg9[%swap3A, %swap3A_39], %swap3A_42 {strides = array<i32>} : memref<128x128xf32, #tpu.memory_space<vmem>>, vector<1x16xf32>,
      %swap3A_43 = arith.index_cast %scan3A_37 : i32 to index
      %swap3A_44 = arith.constant 16 : index
      %swap3A_45 = tpu.vector_load %arg9[%swap3A_43, %swap3A_44] {strides = array<i32>} : memref<128x128xf32, #tpu.memory_space<vmem>>, vector<1x16xf32>,
      %swap3A_46 = vector.shape_cast %swap3A_45 : vector<1x16xf32> to vector<16xf32>
      %swap3A_47 = vector.shape_cast %broadcast_in_dim3A_0 : vector<16xf32> to vector<1x16xf32>
      tpu.vector_store %arg9[%swap3A_43, %swap3A_44], %swap3A_47 {strides = array<i32>} : memref<128x128xf32, #tpu.memory_space<vmem>>, vector<1x16xf32>,
      %swap3A_48 = arith.index_cast %scan3A_37 : i32 to index
      %swap3A_49 = arith.constant 32 : index
      %swap3A_50 = tpu.vector_load %arg9[%swap3A_48, %swap3A_49] {strides = array<i32>} : memref<128x128xf32, #tpu.memory_space<vmem>>, vector<1x16xf32>,
      %swap3A_51 = vector.shape_cast %swap3A_50 : vector<1x16xf32> to vector<16xf32>
      %swap3A_52 = vector.shape_cast %broadcast_in_dim3A_0 : vector<16xf32> to vector<1x16xf32>
      tpu.vector_store %arg9[%swap3A_48, %swap3A_49], %swap3A_52 {strides = array<i32>} : memref<128x128xf32, #tpu.memory_space<vmem>>, vector<1x16xf32>,
      %swap3A_53 = arith.index_cast %scan3A_37 : i32 to index
      %swap3A_54 = arith.constant 48 : index
      %swap3A_55 = tpu.vector_load %arg9[%swap3A_53, %swap3A_54] {strides = array<i32>} : memref<128x128xf32, #tpu.memory_space<vmem>>, vector<1x16xf32>,
      %swap3A_56 = vector.shape_cast %swap3A_55 : vector<1x16xf32> to vector<16xf32>
      %swap3A_57 = vector.shape_cast %broadcast_in_dim3A_0 : vector<16xf32> to vector<1x16xf32>
      tpu.vector_store %arg9[%swap3A_53, %swap3A_54], %swap3A_57 {strides = array<i32>} : memref<128x128xf32, #tpu.memory_space<vmem>>, vector<1x16xf32>,
      %swap3A_58 = arith.index_cast %scan3A_37 : i32 to index
      %swap3A_59 = arith.constant 64 : index
      %swap3A_60 = tpu.vector_load %arg9[%swap3A_58, %swap3A_59] {strides = array<i32>} : memref<128x128xf32, #tpu.memory_space<vmem>>, vector<1x16xf32>,
      %swap3A_61 = vector.shape_cast %swap3A_60 : vector<1x16xf32> to vector<16xf32>
      %swap3A_62 = vector.shape_cast %broadcast_in_dim3A_0 : vector<16xf32> to vector<1x16xf32>
      tpu.vector_store %arg9[%swap3A_58, %swap3A_59], %swap3A_62 {strides = array<i32>} : memref<128x128xf32, #tpu.memory_space<vmem>>, vector<1x16xf32>,
      %swap3A_63 = arith.index_cast %scan3A_37 : i32 to index
      %swap3A_64 = arith.constant 80 : index
      %swap3A_65 = tpu.vector_load %arg9[%swap3A_63, %swap3A_64] {strides = array<i32>} : memref<128x128xf32, #tpu.memory_space<vmem>>, vector<1x16xf32>,
      %swap3A_66 = vector.shape_cast %swap3A_65 : vector<1x16xf32> to vector<16xf32>
      %swap3A_67 = vector.shape_cast %broadcast_in_dim3A_0 : vector<16xf32> to vector<1x16xf32>
      tpu.vector_store %arg9[%swap3A_63, %swap3A_64], %swap3A_67 {strides = array<i32>} : memref<128x128xf32, #tpu.memory_space<vmem>>, vector<1x16xf32>,
      %swap3A_68 = arith.index_cast %scan3A_37 : i32 to index
      %swap3A_69 = arith.constant 96 : index
      %swap3A_70 = tpu.vector_load %arg9[%swap3A_68, %swap3A_69] {strides = array<i32>} : memref<128x128xf32, #tpu.memory_space<vmem>>, vector<1x16xf32>,
      %swap3A_71 = vector.shape_cast %swap3A_70 : vector<1x16xf32> to vector<16xf32>
      %swap3A_72 = vector.shape_cast %broadcast_in_dim3A_0 : vector<16xf32> to vector<1x16xf32>
      tpu.vector_store %arg9[%swap3A_68, %swap3A_69], %swap3A_72 {strides = array<i32>} : memref<128x128xf32, #tpu.memory_space<vmem>>, vector<1x16xf32>,
      %swap3A_73 = arith.index_cast %scan3A_37 : i32 to index
      %swap3A_74 = arith.constant 112 : index
      %swap3A_75 = tpu.vector_load %arg9[%swap3A_73, %swap3A_74] {strides = array<i32>} : memref<128x128xf32, #tpu.memory_space<vmem>>, vector<1x16xf32>,
      %swap3A_76 = vector.shape_cast %swap3A_75 : vector<1x16xf32> to vector<16xf32>
      %swap3A_77 = vector.shape_cast %broadcast_in_dim3A_0 : vector<16xf32> to vector<1x16xf32>
      tpu.vector_store %arg9[%swap3A_73, %swap3A_74], %swap3A_77 {strides = array<i32>} : memref<128x128xf32, #tpu.memory_space<vmem>>, vector<1x16xf32>,
      %scan3A_78 = arith.constant 0 : i32
      scf.yield %scan3A_78 : i32
    }
    %scan3A_6 = arith.constant 128 : i32
    %mul3A = arith.constant 640 : i32
    %mul3A_7 = arith.muli %arg1, %mul3A : i32
    %add3A = arith.constant 0 : i32
    %add3A_8 = arith.addi %mul3A_7, %add3A : i32
    "tpu.region"() ({
      %run_scoped3A = tpu.sem_alloc : memref<!tpu.dma_semaphore, #tpu.memory_space<semaphore_mem>>
      %dma_start3A = arith.constant 0 : i32
      %dma_start3A_37 = tpu.memref_slice %arg10[%add3A_8, %dma_start3A] : memref<10240x128xf32, #tpu.memory_space<vmem_shared>> -> memref<128x128xf32, #tpu.memory_space<vmem_shared>>
      %dma_start3A_38 = arith.constant 0 : i32
      %dma_start3A_39 = tpu.memref_slice %arg10[%add3A_8, %dma_start3A_38] : memref<10240x128xf32, #tpu.memory_space<vmem_shared>> -> memref<128x128xf32, #tpu.memory_space<vmem_shared>>
      tpu.enqueue_dma source(%arg9 : memref<128x128xf32, #tpu.memory_space<vmem>>) target(%dma_start3A_39 : memref<128x128xf32, #tpu.memory_space<vmem_shared>>) target_semaphore(%run_scoped3A : memref<!tpu.dma_semaphore, #tpu.memory_space<semaphore_mem>>)
      %dma_wait3A = arith.constant 0 : i32
      %dma_wait3A_40 = tpu.memref_slice %arg10[%add3A_8, %dma_wait3A] : memref<10240x128xf32, #tpu.memory_space<vmem_shared>> -> memref<128x128xf32, #tpu.memory_space<vmem_shared>>
      %dma_wait3A_41 = arith.constant 0 : i32
      %dma_wait3A_42 = tpu.memref_slice %arg10[%add3A_8, %dma_wait3A_41] : memref<10240x128xf32, #tpu.memory_space<vmem_shared>> -> memref<128x128xf32, #tpu.memory_space<vmem_shared>>
      tpu.wait_dma2 semaphore(%run_scoped3A : memref<!tpu.dma_semaphore, #tpu.memory_space<semaphore_mem>>) src(%arg9 : memref<128x128xf32, #tpu.memory_space<vmem>>) dst(%dma_wait3A_42 : memref<128x128xf32, #tpu.memory_space<vmem_shared>>)
      tpu.yield
    }) : () -> ()
    %mul3A_9 = arith.constant 640 : i32
    %mul3A_10 = arith.muli %arg1, %mul3A_9 : i32
    %add3A_11 = arith.constant 128 : i32
    %add3A_12 = arith.addi %mul3A_10, %add3A_11 : i32
    "tpu.region"() ({
      %run_scoped3A = tpu.sem_alloc : memref<!tpu.dma_semaphore, #tpu.memory_space<semaphore_mem>>
      %dma_start3A = arith.constant 0 : i32
      %dma_start3A_37 = tpu.memref_slice %arg10[%add3A_12, %dma_start3A] : memref<10240x128xf32, #tpu.memory_space<vmem_shared>> -> memref<128x128xf32, #tpu.memory_space<vmem_shared>>
      %dma_start3A_38 = arith.constant 0 : i32
      %dma_start3A_39 = tpu.memref_slice %arg10[%add3A_12, %dma_start3A_38] : memref<10240x128xf32, #tpu.memory_space<vmem_shared>> -> memref<128x128xf32, #tpu.memory_space<vmem_shared>>
      tpu.enqueue_dma source(%arg9 : memref<128x128xf32, #tpu.memory_space<vmem>>) target(%dma_start3A_39 : memref<128x128xf32, #tpu.memory_space<vmem_shared>>) target_semaphore(%run_scoped3A : memref<!tpu.dma_semaphore, #tpu.memory_space<semaphore_mem>>)
      %dma_wait3A = arith.constant 0 : i32
      %dma_wait3A_40 = tpu.memref_slice %arg10[%add3A_12, %dma_wait3A] : memref<10240x128xf32, #tpu.memory_space<vmem_shared>> -> memref<128x128xf32, #tpu.memory_space<vmem_shared>>
      %dma_wait3A_41 = arith.constant 0 : i32
      %dma_wait3A_42 = tpu.memref_slice %arg10[%add3A_12, %dma_wait3A_41] : memref<10240x128xf32, #tpu.memory_space<vmem_shared>> -> memref<128x128xf32, #tpu.memory_space<vmem_shared>>
      tpu.wait_dma2 semaphore(%run_scoped3A : memref<!tpu.dma_semaphore, #tpu.memory_space<semaphore_mem>>) src(%arg9 : memref<128x128xf32, #tpu.memory_space<vmem>>) dst(%dma_wait3A_42 : memref<128x128xf32, #tpu.memory_space<vmem_shared>>)
      tpu.yield
    }) : () -> ()
    %mul3A_13 = arith.constant 640 : i32
    %mul3A_14 = arith.muli %arg1, %mul3A_13 : i32
    %add3A_15 = arith.constant 256 : i32
    %add3A_16 = arith.addi %mul3A_14, %add3A_15 : i32
    "tpu.region"() ({
      %run_scoped3A = tpu.sem_alloc : memref<!tpu.dma_semaphore, #tpu.memory_space<semaphore_mem>>
      %dma_start3A = arith.constant 0 : i32
      %dma_start3A_37 = tpu.memref_slice %arg10[%add3A_16, %dma_start3A] : memref<10240x128xf32, #tpu.memory_space<vmem_shared>> -> memref<128x128xf32, #tpu.memory_space<vmem_shared>>
      %dma_start3A_38 = arith.constant 0 : i32
      %dma_start3A_39 = tpu.memref_slice %arg10[%add3A_16, %dma_start3A_38] : memref<10240x128xf32, #tpu.memory_space<vmem_shared>> -> memref<128x128xf32, #tpu.memory_space<vmem_shared>>
      tpu.enqueue_dma source(%arg9 : memref<128x128xf32, #tpu.memory_space<vmem>>) target(%dma_start3A_39 : memref<128x128xf32, #tpu.memory_space<vmem_shared>>) target_semaphore(%run_scoped3A : memref<!tpu.dma_semaphore, #tpu.memory_space<semaphore_mem>>)
      %dma_wait3A = arith.constant 0 : i32
      %dma_wait3A_40 = tpu.memref_slice %arg10[%add3A_16, %dma_wait3A] : memref<10240x128xf32, #tpu.memory_space<vmem_shared>> -> memref<128x128xf32, #tpu.memory_space<vmem_shared>>
      %dma_wait3A_41 = arith.constant 0 : i32
      %dma_wait3A_42 = tpu.memref_slice %arg10[%add3A_16, %dma_wait3A_41] : memref<10240x128xf32, #tpu.memory_space<vmem_shared>> -> memref<128x128xf32, #tpu.memory_space<vmem_shared>>
      tpu.wait_dma2 semaphore(%run_scoped3A : memref<!tpu.dma_semaphore, #tpu.memory_space<semaphore_mem>>) src(%arg9 : memref<128x128xf32, #tpu.memory_space<vmem>>) dst(%dma_wait3A_42 : memref<128x128xf32, #tpu.memory_space<vmem_shared>>)
      tpu.yield
    }) : () -> ()
    %mul3A_17 = arith.constant 640 : i32
    %mul3A_18 = arith.muli %arg1, %mul3A_17 : i32
    %add3A_19 = arith.constant 384 : i32
    %add3A_20 = arith.addi %mul3A_18, %add3A_19 : i32
    "tpu.region"() ({
      %run_scoped3A = tpu.sem_alloc : memref<!tpu.dma_semaphore, #tpu.memory_space<semaphore_mem>>
      %dma_start3A = arith.constant 0 : i32
      %dma_start3A_37 = tpu.memref_slice %arg10[%add3A_20, %dma_start3A] : memref<10240x128xf32, #tpu.memory_space<vmem_shared>> -> memref<128x128xf32, #tpu.memory_space<vmem_shared>>
      %dma_start3A_38 = arith.constant 0 : i32
      %dma_start3A_39 = tpu.memref_slice %arg10[%add3A_20, %dma_start3A_38] : memref<10240x128xf32, #tpu.memory_space<vmem_shared>> -> memref<128x128xf32, #tpu.memory_space<vmem_shared>>
      tpu.enqueue_dma source(%arg9 : memref<128x128xf32, #tpu.memory_space<vmem>>) target(%dma_start3A_39 : memref<128x128xf32, #tpu.memory_space<vmem_shared>>) target_semaphore(%run_scoped3A : memref<!tpu.dma_semaphore, #tpu.memory_space<semaphore_mem>>)
      %dma_wait3A = arith.constant 0 : i32
      %dma_wait3A_40 = tpu.memref_slice %arg10[%add3A_20, %dma_wait3A] : memref<10240x128xf32, #tpu.memory_space<vmem_shared>> -> memref<128x128xf32, #tpu.memory_space<vmem_shared>>
      %dma_wait3A_41 = arith.constant 0 : i32
      %dma_wait3A_42 = tpu.memref_slice %arg10[%add3A_20, %dma_wait3A_41] : memref<10240x128xf32, #tpu.memory_space<vmem_shared>> -> memref<128x128xf32, #tpu.memory_space<vmem_shared>>
      tpu.wait_dma2 semaphore(%run_scoped3A : memref<!tpu.dma_semaphore, #tpu.memory_space<semaphore_mem>>) src(%arg9 : memref<128x128xf32, #tpu.memory_space<vmem>>) dst(%dma_wait3A_42 : memref<128x128xf32, #tpu.memory_space<vmem_shared>>)
      tpu.yield
    }) : () -> ()
    %mul3A_21 = arith.constant 640 : i32
    %mul3A_22 = arith.muli %arg1, %mul3A_21 : i32
    %add3A_23 = arith.constant 512 : i32
    %add3A_24 = arith.addi %mul3A_22, %add3A_23 : i32
    "tpu.region"() ({
      %run_scoped3A = tpu.sem_alloc : memref<!tpu.dma_semaphore, #tpu.memory_space<semaphore_mem>>
      %dma_start3A = arith.constant 0 : i32
      %dma_start3A_37 = tpu.memref_slice %arg10[%add3A_24, %dma_start3A] : memref<10240x128xf32, #tpu.memory_space<vmem_shared>> -> memref<128x128xf32, #tpu.memory_space<vmem_shared>>
      %dma_start3A_38 = arith.constant 0 : i32
      %dma_start3A_39 = tpu.memref_slice %arg10[%add3A_24, %dma_start3A_38] : memref<10240x128xf32, #tpu.memory_space<vmem_shared>> -> memref<128x128xf32, #tpu.memory_space<vmem_shared>>
      tpu.enqueue_dma source(%arg9 : memref<128x128xf32, #tpu.memory_space<vmem>>) target(%dma_start3A_39 : memref<128x128xf32, #tpu.memory_space<vmem_shared>>) target_semaphore(%run_scoped3A : memref<!tpu.dma_semaphore, #tpu.memory_space<semaphore_mem>>)
      %dma_wait3A = arith.constant 0 : i32
      %dma_wait3A_40 = tpu.memref_slice %arg10[%add3A_24, %dma_wait3A] : memref<10240x128xf32, #tpu.memory_space<vmem_shared>> -> memref<128x128xf32, #tpu.memory_space<vmem_shared>>
      %dma_wait3A_41 = arith.constant 0 : i32
      %dma_wait3A_42 = tpu.memref_slice %arg10[%add3A_24, %dma_wait3A_41] : memref<10240x128xf32, #tpu.memory_space<vmem_shared>> -> memref<128x128xf32, #tpu.memory_space<vmem_shared>>
      tpu.wait_dma2 semaphore(%run_scoped3A : memref<!tpu.dma_semaphore, #tpu.memory_space<semaphore_mem>>) src(%arg9 : memref<128x128xf32, #tpu.memory_space<vmem>>) dst(%dma_wait3A_42 : memref<128x128xf32, #tpu.memory_space<vmem_shared>>)
      tpu.yield
    }) : () -> ()
    %barrier3A = arith.constant 0 : index
    tpu.barrier barrier_id(%barrier3A)
    %eq3A = arith.constant 0 : i32
    %eq3A_25 = arith.cmpi eq, %arg0, %eq3A : i32
    %convert_element_type3A = arith.extui %eq3A_25 : i1 to i32
    %cond3A = arith.constant 0 : i32
    %cond3A_26 = arith.cmpi ne, %convert_element_type3A, %cond3A : i32
    scf.if %cond3A_26 {
      %scan3A_37 = arith.constant 0 : i32
      %scan3A_38 = arith.constant 0 : i32
      %scan3A_39 = arith.constant 157 : i32
      %scan3A_40 = arith.addi %scan3A_38, %scan3A_39 : i32
      %scan3A_41 = arith.constant 1 : i32
      %scan3A_42 = scf.for %scan3A_44 = %scan3A_38 to %scan3A_40 step %scan3A_41 iter_args(%scan3A_45 = %scan3A_37) -> (i32)  : i32 {
        "tpu.region"() ({
          %run_scoped3A = tpu.sem_alloc : memref<!tpu.dma_semaphore, #tpu.memory_space<semaphore_mem>>
          %dma_start3A_51 = arith.constant 0 : i32
          %dma_start3A_52 = tpu.memref_slice %arg5[%arg1, %scan3A_44, %dma_start3A_51] : memref<16x157x128xi32, #tpu.memory_space<hbm>> -> memref<1x1x128xi32, #tpu.memory_space<hbm>>
          %dma_start3A_53 = tpu.memref_squeeze %dma_start3A_52 : memref<1x1x128xi32, #tpu.memory_space<hbm>> -> memref<128xi32, #tpu.memory_space<hbm>>
          %dma_start3A_54 = arith.constant 0 : i32
          %dma_start3A_55 = tpu.memref_slice %arg5[%arg1, %scan3A_44, %dma_start3A_54] : memref<16x157x128xi32, #tpu.memory_space<hbm>> -> memref<1x1x128xi32, #tpu.memory_space<hbm>>
          %dma_start3A_56 = tpu.memref_squeeze %dma_start3A_55 : memref<1x1x128xi32, #tpu.memory_space<hbm>> -> memref<128xi32, #tpu.memory_space<hbm>>
          tpu.enqueue_dma source(%dma_start3A_56 : memref<128xi32, #tpu.memory_space<hbm>>) target(%arg8 : memref<128xi32, #tpu.memory_space<vmem>>) target_semaphore(%run_scoped3A : memref<!tpu.dma_semaphore, #tpu.memory_space<semaphore_mem>>)
          %dma_wait3A_57 = arith.constant 0 : i32
          %dma_wait3A_58 = tpu.memref_slice %arg5[%arg1, %scan3A_44, %dma_wait3A_57] : memref<16x157x128xi32, #tpu.memory_space<hbm>> -> memref<1x1x128xi32, #tpu.memory_space<hbm>>
          %dma_wait3A_59 = tpu.memref_squeeze %dma_wait3A_58 : memref<1x1x128xi32, #tpu.memory_space<hbm>> -> memref<128xi32, #tpu.memory_space<hbm>>
          %dma_wait3A_60 = arith.constant 0 : i32
          %dma_wait3A_61 = tpu.memref_slice %arg5[%arg1, %scan3A_44, %dma_wait3A_60] : memref<16x157x128xi32, #tpu.memory_space<hbm>> -> memref<1x1x128xi32, #tpu.memory_space<hbm>>
          %dma_wait3A_62 = tpu.memref_squeeze %dma_wait3A_61 : memref<1x1x128xi32, #tpu.memory_space<hbm>> -> memref<128xi32, #tpu.memory_space<hbm>>
          tpu.wait_dma2 semaphore(%run_scoped3A : memref<!tpu.dma_semaphore, #tpu.memory_space<semaphore_mem>>) src(%dma_wait3A_62 : memref<128xi32, #tpu.memory_space<hbm>>) dst(%arg8 : memref<128xi32, #tpu.memory_space<vmem>>)
          tpu.yield
        }) : () -> ()
        "tpu.region"() ({
          %run_scoped3A = tpu.sem_alloc : memref<!tpu.dma_semaphore, #tpu.memory_space<semaphore_mem>>
          %dma_start3A_51 = arith.constant 0 : i32
          %dma_start3A_52 = tpu.memref_slice %arg4[%arg1, %scan3A_44, %dma_start3A_51] : memref<16x157x128xi32, #tpu.memory_space<hbm>> -> memref<1x1x128xi32, #tpu.memory_space<hbm>>
          %dma_start3A_53 = tpu.memref_squeeze %dma_start3A_52 : memref<1x1x128xi32, #tpu.memory_space<hbm>> -> memref<128xi32, #tpu.memory_space<hbm>>
          %dma_start3A_54 = arith.constant 0 : i32
          %dma_start3A_55 = tpu.memref_slice %arg4[%arg1, %scan3A_44, %dma_start3A_54] : memref<16x157x128xi32, #tpu.memory_space<hbm>> -> memref<1x1x128xi32, #tpu.memory_space<hbm>>
          %dma_start3A_56 = tpu.memref_squeeze %dma_start3A_55 : memref<1x1x128xi32, #tpu.memory_space<hbm>> -> memref<128xi32, #tpu.memory_space<hbm>>
          tpu.enqueue_dma source(%dma_start3A_56 : memref<128xi32, #tpu.memory_space<hbm>>) target(%arg7 : memref<128xi32, #tpu.memory_space<vmem>>) target_semaphore(%run_scoped3A : memref<!tpu.dma_semaphore, #tpu.memory_space<semaphore_mem>>)
          %dma_wait3A_57 = arith.constant 0 : i32
          %dma_wait3A_58 = tpu.memref_slice %arg4[%arg1, %scan3A_44, %dma_wait3A_57] : memref<16x157x128xi32, #tpu.memory_space<hbm>> -> memref<1x1x128xi32, #tpu.memory_space<hbm>>
          %dma_wait3A_59 = tpu.memref_squeeze %dma_wait3A_58 : memref<1x1x128xi32, #tpu.memory_space<hbm>> -> memref<128xi32, #tpu.memory_space<hbm>>
          %dma_wait3A_60 = arith.constant 0 : i32
          %dma_wait3A_61 = tpu.memref_slice %arg4[%arg1, %scan3A_44, %dma_wait3A_60] : memref<16x157x128xi32, #tpu.memory_space<hbm>> -> memref<1x1x128xi32, #tpu.memory_space<hbm>>
          %dma_wait3A_62 = tpu.memref_squeeze %dma_wait3A_61 : memref<1x1x128xi32, #tpu.memory_space<hbm>> -> memref<128xi32, #tpu.memory_space<hbm>>
          tpu.wait_dma2 semaphore(%run_scoped3A : memref<!tpu.dma_semaphore, #tpu.memory_space<semaphore_mem>>) src(%dma_wait3A_62 : memref<128xi32, #tpu.memory_space<hbm>>) dst(%arg7 : memref<128xi32, #tpu.memory_space<vmem>>)
          tpu.yield
        }) : () -> ()
        %dma_start3A = arith.constant 0 : i32
        %dma_start3A_46 = arith.constant 0 : i32
        %dma_start3A_47 = tpu.memref_slice %arg2[%dma_start3A, %dma_start3A_46] : memref<10240x128xf32, #tpu.memory_space<hbm>> -> memref<10240x128xf32, #tpu.memory_space<hbm>>
        tpu.enqueue_indirect_dma source(%dma_start3A_47 : memref<10240x128xf32, #tpu.memory_space<hbm>>) target(%arg9 : memref<128x128xf32, #tpu.memory_space<vmem>>) offsets(%arg8 : memref<128xi32, #tpu.memory_space<vmem>>) semaphore(%arg11 : memref<!tpu.dma_semaphore, #tpu.memory_space<semaphore_mem>>)
        %dma_wait3A = arith.constant 0 : i32
        %dma_wait3A_48 = arith.constant 0 : i32
        %dma_wait3A_49 = tpu.memref_slice %arg2[%dma_wait3A, %dma_wait3A_48] : memref<10240x128xf32, #tpu.memory_space<hbm>> -> memref<10240x128xf32, #tpu.memory_space<hbm>>
        tpu.wait_indirect_dma semaphore(%arg11 : memref<!tpu.dma_semaphore, #tpu.memory_space<semaphore_mem>>) src(%dma_wait3A_49 : memref<10240x128xf32, #tpu.memory_space<hbm>>) dst(%arg9 : memref<128x128xf32, #tpu.memory_space<vmem>>)
        "tpu.region"() ({
          %run_scoped3A = tpu.sem_alloc : memref<!tpu.dma_semaphore, #tpu.memory_space<semaphore_mem>>
          %dma_start3A_51 = arith.constant 0 : i32
          %dma_start3A_52 = arith.constant 0 : i32
          %dma_start3A_53 = tpu.memref_slice %arg10[%dma_start3A_51, %dma_start3A_52] : memref<10240x128xf32, #tpu.memory_space<vmem_shared>> -> memref<10240x128xf32, #tpu.memory_space<vmem_shared>>
          tpu.enqueue_indirect_dma source(%arg9 : memref<128x128xf32, #tpu.memory_space<vmem>>) target(%dma_start3A_53 : memref<10240x128xf32, #tpu.memory_space<vmem_shared>>) offsets(%arg7 : memref<128xi32, #tpu.memory_space<vmem>>) semaphore(%run_scoped3A : memref<!tpu.dma_semaphore, #tpu.memory_space<semaphore_mem>>) {add = true}
          %dma_wait3A_54 = arith.constant 0 : i32
          %dma_wait3A_55 = arith.constant 0 : i32
          %dma_wait3A_56 = tpu.memref_slice %arg10[%dma_wait3A_54, %dma_wait3A_55] : memref<10240x128xf32, #tpu.memory_space<vmem_shared>> -> memref<10240x128xf32, #tpu.memory_space<vmem_shared>>
          tpu.wait_indirect_dma semaphore(%run_scoped3A : memref<!tpu.dma_semaphore, #tpu.memory_space<semaphore_mem>>) src(%arg9 : memref<128x128xf32, #tpu.memory_space<vmem>>) dst(%dma_wait3A_56 : memref<10240x128xf32, #tpu.memory_space<vmem_shared>>)
          tpu.yield
        }) : () -> ()
        %scan3A_50 = arith.constant 0 : i32
        scf.yield %scan3A_50 : i32
      }
      %scan3A_43 = arith.constant 157 : i32
    } else {
    }
    %eq3A_27 = arith.constant 1 : i32
    %eq3A_28 = arith.cmpi eq, %arg0, %eq3A_27 : i32
    %convert_element_type3A_29 = arith.extui %eq3A_28 : i1 to i32
    %cond3A_30 = arith.constant 0 : i32
    %cond3A_31 = arith.cmpi ne, %convert_element_type3A_29, %cond3A_30 : i32
    scf.if %cond3A_31 {
      %scan3A_37 = arith.constant 0 : i32
      %scan3A_38 = arith.constant 0 : i32
      %scan3A_39 = arith.constant 157 : i32
      %scan3A_40 = arith.addi %scan3A_38, %scan3A_39 : i32
      %scan3A_41 = arith.constant 1 : i32
      %scan3A_42 = scf.for %scan3A_44 = %scan3A_38 to %scan3A_40 step %scan3A_41 iter_args(%scan3A_45 = %scan3A_37) -> (i32)  : i32 {
        "tpu.region"() ({
          %run_scoped3A = tpu.sem_alloc : memref<!tpu.dma_semaphore, #tpu.memory_space<semaphore_mem>>
          %dma_start3A_51 = arith.constant 0 : i32
          %dma_start3A_52 = tpu.memref_slice %arg5[%arg1, %scan3A_44, %dma_start3A_51] : memref<16x157x128xi32, #tpu.memory_space<hbm>> -> memref<1x1x128xi32, #tpu.memory_space<hbm>>
          %dma_start3A_53 = tpu.memref_squeeze %dma_start3A_52 : memref<1x1x128xi32, #tpu.memory_space<hbm>> -> memref<128xi32, #tpu.memory_space<hbm>>
          %dma_start3A_54 = arith.constant 0 : i32
          %dma_start3A_55 = tpu.memref_slice %arg5[%arg1, %scan3A_44, %dma_start3A_54] : memref<16x157x128xi32, #tpu.memory_space<hbm>> -> memref<1x1x128xi32, #tpu.memory_space<hbm>>
          %dma_start3A_56 = tpu.memref_squeeze %dma_start3A_55 : memref<1x1x128xi32, #tpu.memory_space<hbm>> -> memref<128xi32, #tpu.memory_space<hbm>>
          tpu.enqueue_dma source(%dma_start3A_56 : memref<128xi32, #tpu.memory_space<hbm>>) target(%arg8 : memref<128xi32, #tpu.memory_space<vmem>>) target_semaphore(%run_scoped3A : memref<!tpu.dma_semaphore, #tpu.memory_space<semaphore_mem>>)
          %dma_wait3A_57 = arith.constant 0 : i32
          %dma_wait3A_58 = tpu.memref_slice %arg5[%arg1, %scan3A_44, %dma_wait3A_57] : memref<16x157x128xi32, #tpu.memory_space<hbm>> -> memref<1x1x128xi32, #tpu.memory_space<hbm>>
          %dma_wait3A_59 = tpu.memref_squeeze %dma_wait3A_58 : memref<1x1x128xi32, #tpu.memory_space<hbm>> -> memref<128xi32, #tpu.memory_space<hbm>>
          %dma_wait3A_60 = arith.constant 0 : i32
          %dma_wait3A_61 = tpu.memref_slice %arg5[%arg1, %scan3A_44, %dma_wait3A_60] : memref<16x157x128xi32, #tpu.memory_space<hbm>> -> memref<1x1x128xi32, #tpu.memory_space<hbm>>
          %dma_wait3A_62 = tpu.memref_squeeze %dma_wait3A_61 : memref<1x1x128xi32, #tpu.memory_space<hbm>> -> memref<128xi32, #tpu.memory_space<hbm>>
          tpu.wait_dma2 semaphore(%run_scoped3A : memref<!tpu.dma_semaphore, #tpu.memory_space<semaphore_mem>>) src(%dma_wait3A_62 : memref<128xi32, #tpu.memory_space<hbm>>) dst(%arg8 : memref<128xi32, #tpu.memory_space<vmem>>)
          tpu.yield
        }) : () -> ()
        "tpu.region"() ({
          %run_scoped3A = tpu.sem_alloc : memref<!tpu.dma_semaphore, #tpu.memory_space<semaphore_mem>>
          %dma_start3A_51 = arith.constant 0 : i32
          %dma_start3A_52 = tpu.memref_slice %arg4[%arg1, %scan3A_44, %dma_start3A_51] : memref<16x157x128xi32, #tpu.memory_space<hbm>> -> memref<1x1x128xi32, #tpu.memory_space<hbm>>
          %dma_start3A_53 = tpu.memref_squeeze %dma_start3A_52 : memref<1x1x128xi32, #tpu.memory_space<hbm>> -> memref<128xi32, #tpu.memory_space<hbm>>
          %dma_start3A_54 = arith.constant 0 : i32
          %dma_start3A_55 = tpu.memref_slice %arg4[%arg1, %scan3A_44, %dma_start3A_54] : memref<16x157x128xi32, #tpu.memory_space<hbm>> -> memref<1x1x128xi32, #tpu.memory_space<hbm>>
          %dma_start3A_56 = tpu.memref_squeeze %dma_start3A_55 : memref<1x1x128xi32, #tpu.memory_space<hbm>> -> memref<128xi32, #tpu.memory_space<hbm>>
          tpu.enqueue_dma source(%dma_start3A_56 : memref<128xi32, #tpu.memory_space<hbm>>) target(%arg7 : memref<128xi32, #tpu.memory_space<vmem>>) target_semaphore(%run_scoped3A : memref<!tpu.dma_semaphore, #tpu.memory_space<semaphore_mem>>)
          %dma_wait3A_57 = arith.constant 0 : i32
          %dma_wait3A_58 = tpu.memref_slice %arg4[%arg1, %scan3A_44, %dma_wait3A_57] : memref<16x157x128xi32, #tpu.memory_space<hbm>> -> memref<1x1x128xi32, #tpu.memory_space<hbm>>
          %dma_wait3A_59 = tpu.memref_squeeze %dma_wait3A_58 : memref<1x1x128xi32, #tpu.memory_space<hbm>> -> memref<128xi32, #tpu.memory_space<hbm>>
          %dma_wait3A_60 = arith.constant 0 : i32
          %dma_wait3A_61 = tpu.memref_slice %arg4[%arg1, %scan3A_44, %dma_wait3A_60] : memref<16x157x128xi32, #tpu.memory_space<hbm>> -> memref<1x1x128xi32, #tpu.memory_space<hbm>>
          %dma_wait3A_62 = tpu.memref_squeeze %dma_wait3A_61 : memref<1x1x128xi32, #tpu.memory_space<hbm>> -> memref<128xi32, #tpu.memory_space<hbm>>
          tpu.wait_dma2 semaphore(%run_scoped3A : memref<!tpu.dma_semaphore, #tpu.memory_space<semaphore_mem>>) src(%dma_wait3A_62 : memref<128xi32, #tpu.memory_space<hbm>>) dst(%arg7 : memref<128xi32, #tpu.memory_space<vmem>>)
          tpu.yield
        }) : () -> ()
        %dma_start3A = arith.constant 0 : i32
        %dma_start3A_46 = arith.constant 0 : i32
        %dma_start3A_47 = tpu.memref_slice %arg3[%dma_start3A, %dma_start3A_46] : memref<10240x128xf32, #tpu.memory_space<hbm>> -> memref<10240x128xf32, #tpu.memory_space<hbm>>
        tpu.enqueue_indirect_dma source(%dma_start3A_47 : memref<10240x128xf32, #tpu.memory_space<hbm>>) target(%arg9 : memref<128x128xf32, #tpu.memory_space<vmem>>) offsets(%arg8 : memref<128xi32, #tpu.memory_space<vmem>>) semaphore(%arg11 : memref<!tpu.dma_semaphore, #tpu.memory_space<semaphore_mem>>)
        %dma_wait3A = arith.constant 0 : i32
        %dma_wait3A_48 = arith.constant 0 : i32
        %dma_wait3A_49 = tpu.memref_slice %arg3[%dma_wait3A, %dma_wait3A_48] : memref<10240x128xf32, #tpu.memory_space<hbm>> -> memref<10240x128xf32, #tpu.memory_space<hbm>>
        tpu.wait_indirect_dma semaphore(%arg11 : memref<!tpu.dma_semaphore, #tpu.memory_space<semaphore_mem>>) src(%dma_wait3A_49 : memref<10240x128xf32, #tpu.memory_space<hbm>>) dst(%arg9 : memref<128x128xf32, #tpu.memory_space<vmem>>)
        "tpu.region"() ({
          %run_scoped3A = tpu.sem_alloc : memref<!tpu.dma_semaphore, #tpu.memory_space<semaphore_mem>>
          %dma_start3A_51 = arith.constant 0 : i32
          %dma_start3A_52 = arith.constant 0 : i32
          %dma_start3A_53 = tpu.memref_slice %arg10[%dma_start3A_51, %dma_start3A_52] : memref<10240x128xf32, #tpu.memory_space<vmem_shared>> -> memref<10240x128xf32, #tpu.memory_space<vmem_shared>>
          tpu.enqueue_indirect_dma source(%arg9 : memref<128x128xf32, #tpu.memory_space<vmem>>) target(%dma_start3A_53 : memref<10240x128xf32, #tpu.memory_space<vmem_shared>>) offsets(%arg7 : memref<128xi32, #tpu.memory_space<vmem>>) semaphore(%run_scoped3A : memref<!tpu.dma_semaphore, #tpu.memory_space<semaphore_mem>>) {add = true}
          %dma_wait3A_54 = arith.constant 0 : i32
          %dma_wait3A_55 = arith.constant 0 : i32
          %dma_wait3A_56 = tpu.memref_slice %arg10[%dma_wait3A_54, %dma_wait3A_55] : memref<10240x128xf32, #tpu.memory_space<vmem_shared>> -> memref<10240x128xf32, #tpu.memory_space<vmem_shared>>
          tpu.wait_indirect_dma semaphore(%run_scoped3A : memref<!tpu.dma_semaphore, #tpu.memory_space<semaphore_mem>>) src(%arg9 : memref<128x128xf32, #tpu.memory_space<vmem>>) dst(%dma_wait3A_56 : memref<10240x128xf32, #tpu.memory_space<vmem_shared>>)
          tpu.yield
        }) : () -> ()
        %scan3A_50 = arith.constant 0 : i32
        scf.yield %scan3A_50 : i32
      }
      %scan3A_43 = arith.constant 157 : i32
    } else {
    }
    %barrier3A_32 = arith.constant 0 : index
    tpu.barrier barrier_id(%barrier3A_32)
    %mul3A_33 = arith.constant 640 : i32
    %mul3A_34 = arith.muli %arg1, %mul3A_33 : i32
    %mul3A_35 = arith.constant 640 : i32
    %mul3A_36 = arith.muli %arg1, %mul3A_35 : i32
    "tpu.region"() ({
      %run_scoped3A = tpu.sem_alloc : memref<!tpu.dma_semaphore, #tpu.memory_space<semaphore_mem>>
      %dma_start3A = arith.constant 0 : i32
      %dma_start3A_37 = tpu.memref_slice %arg6[%arg0, %mul3A_36, %dma_start3A] : memref<2x10240x128xf32, #tpu.memory_space<hbm>> -> memref<1x640x128xf32, #tpu.memory_space<hbm>>
      %dma_start3A_38 = tpu.memref_squeeze %dma_start3A_37 : memref<1x640x128xf32, #tpu.memory_space<hbm>> -> memref<640x128xf32, #tpu.memory_space<hbm>>
      %dma_start3A_39 = arith.constant 0 : i32
      %dma_start3A_40 = tpu.memref_slice %arg10[%mul3A_34, %dma_start3A_39] : memref<10240x128xf32, #tpu.memory_space<vmem_shared>> -> memref<640x128xf32, #tpu.memory_space<vmem_shared>>
      tpu.enqueue_dma source(%dma_start3A_40 : memref<640x128xf32, #tpu.memory_space<vmem_shared>>) target(%dma_start3A_38 : memref<640x128xf32, #tpu.memory_space<hbm>>) target_semaphore(%run_scoped3A : memref<!tpu.dma_semaphore, #tpu.memory_space<semaphore_mem>>)
      %dma_wait3A = arith.constant 0 : i32
      %dma_wait3A_41 = tpu.memref_slice %arg6[%arg0, %mul3A_36, %dma_wait3A] : memref<2x10240x128xf32, #tpu.memory_space<hbm>> -> memref<1x640x128xf32, #tpu.memory_space<hbm>>
      %dma_wait3A_42 = tpu.memref_squeeze %dma_wait3A_41 : memref<1x640x128xf32, #tpu.memory_space<hbm>> -> memref<640x128xf32, #tpu.memory_space<hbm>>
      %dma_wait3A_43 = arith.constant 0 : i32
      %dma_wait3A_44 = tpu.memref_slice %arg10[%mul3A_34, %dma_wait3A_43] : memref<10240x128xf32, #tpu.memory_space<vmem_shared>> -> memref<640x128xf32, #tpu.memory_space<vmem_shared>>
      tpu.wait_dma2 semaphore(%run_scoped3A : memref<!tpu.dma_semaphore, #tpu.memory_space<semaphore_mem>>) src(%dma_wait3A_44 : memref<640x128xf32, #tpu.memory_space<vmem_shared>>) dst(%dma_wait3A_42 : memref<640x128xf32, #tpu.memory_space<hbm>>)
      tpu.yield
    }) : () -> ()
    return
  }
}

#map = affine_map<(d0, d1) -> (0)>
#map1 = affine_map<(d0, d1) -> (0, 0, 0, 0)>
module attributes {stable_mosaic.version = 14 : i64} {
  func.func @_scal2_body(%arg0: i32, %arg1: i32, %arg2: memref<10240xf32, #tpu.memory_space<hbm>>, %arg3: memref<10240xf32, #tpu.memory_space<hbm>>, %arg4: memref<2x16x80x128xi32, #tpu.memory_space<hbm>>, %arg5: memref<2x16x80x128xi32, #tpu.memory_space<hbm>>, %arg6: memref<655360xf32, #tpu.memory_space<hbm>>, %arg7: memref<128xi32, #tpu.memory_space<vmem>>, %arg8: memref<128xi32, #tpu.memory_space<vmem>>, %arg9: memref<10240xf32, #tpu.memory_space<vmem>>, %arg10: memref<10240xf32, #tpu.memory_space<vmem>>, %arg11: memref<10240xf32, #tpu.memory_space<vmem>>, %arg12: memref<10240xf32, #tpu.memory_space<vmem>>) attributes {dimension_semantics = [#tpu.dimension_semantics<core_parallel>, #tpu.dimension_semantics<subcore_parallel>], iteration_bounds = array<i64: 2, 16>, scalar_prefetch = 0 : i64, scratch_operands = 6 : i64, tpu.core_type = #tpu.core_type<sc_vector_subcore>, window_params = [{transform_indices = #map}, {transform_indices = #map}, {transform_indices = #map1}, {transform_indices = #map1}, {transform_indices = #map}]} {
    "tpu.region"() ({
      %run_scoped3A = tpu.sem_alloc : memref<!tpu.dma_semaphore, #tpu.memory_space<semaphore_mem>>
      tpu.enqueue_dma source(%arg2 : memref<10240xf32, #tpu.memory_space<hbm>>) target(%arg9 : memref<10240xf32, #tpu.memory_space<vmem>>) target_semaphore(%run_scoped3A : memref<!tpu.dma_semaphore, #tpu.memory_space<semaphore_mem>>)
      tpu.wait_dma2 semaphore(%run_scoped3A : memref<!tpu.dma_semaphore, #tpu.memory_space<semaphore_mem>>) src(%arg2 : memref<10240xf32, #tpu.memory_space<hbm>>) dst(%arg9 : memref<10240xf32, #tpu.memory_space<vmem>>)
      tpu.yield
    }) : () -> ()
    "tpu.region"() ({
      %run_scoped3A = tpu.sem_alloc : memref<!tpu.dma_semaphore, #tpu.memory_space<semaphore_mem>>
      tpu.enqueue_dma source(%arg3 : memref<10240xf32, #tpu.memory_space<hbm>>) target(%arg10 : memref<10240xf32, #tpu.memory_space<vmem>>) target_semaphore(%run_scoped3A : memref<!tpu.dma_semaphore, #tpu.memory_space<semaphore_mem>>)
      tpu.wait_dma2 semaphore(%run_scoped3A : memref<!tpu.dma_semaphore, #tpu.memory_space<semaphore_mem>>) src(%arg3 : memref<10240xf32, #tpu.memory_space<hbm>>) dst(%arg10 : memref<10240xf32, #tpu.memory_space<vmem>>)
      tpu.yield
    }) : () -> ()
    %broadcast_in_dim3A = arith.constant 0.000000e+00 : f32
    %broadcast_in_dim3A_0 = vector.broadcast %broadcast_in_dim3A : f32 to vector<16xf32>
    %scan3A = arith.constant 0 : i32
    %scan3A_1 = arith.constant 0 : i32
    %scan3A_2 = arith.constant 640 : i32
    %scan3A_3 = arith.addi %scan3A_1, %scan3A_2 : i32
    %scan3A_4 = arith.constant 1 : i32
    %scan3A_5 = scf.for %scan3A_34 = %scan3A_1 to %scan3A_3 step %scan3A_4 iter_args(%scan3A_35 = %scan3A) -> (i32)  : i32 {
      %mul3A_36 = arith.constant 16 : i32
      %mul3A_37 = arith.muli %scan3A_34, %mul3A_36 : i32
      %swap3A = arith.index_cast %mul3A_37 : i32 to index
      %swap3A_38 = tpu.vector_load %arg11[%swap3A] {strides = array<i32>} : memref<10240xf32, #tpu.memory_space<vmem>>, vector<16xf32>,
      tpu.vector_store %arg11[%swap3A], %broadcast_in_dim3A_0 {strides = array<i32>} : memref<10240xf32, #tpu.memory_space<vmem>>, vector<16xf32>,
      %scan3A_39 = arith.constant 0 : i32
      scf.yield %scan3A_39 : i32
    }
    %scan3A_6 = arith.constant 640 : i32
    %broadcast_in_dim3A_7 = arith.constant 0.000000e+00 : f32
    %broadcast_in_dim3A_8 = vector.broadcast %broadcast_in_dim3A_7 : f32 to vector<16xf32>
    %scan3A_9 = arith.constant 0 : i32
    %scan3A_10 = arith.constant 0 : i32
    %scan3A_11 = arith.constant 640 : i32
    %scan3A_12 = arith.addi %scan3A_10, %scan3A_11 : i32
    %scan3A_13 = arith.constant 1 : i32
    %scan3A_14 = scf.for %scan3A_34 = %scan3A_10 to %scan3A_12 step %scan3A_13 iter_args(%scan3A_35 = %scan3A_9) -> (i32)  : i32 {
      %mul3A_36 = arith.constant 16 : i32
      %mul3A_37 = arith.muli %scan3A_34, %mul3A_36 : i32
      %swap3A = arith.index_cast %mul3A_37 : i32 to index
      %swap3A_38 = tpu.vector_load %arg12[%swap3A] {strides = array<i32>} : memref<10240xf32, #tpu.memory_space<vmem>>, vector<16xf32>,
      tpu.vector_store %arg12[%swap3A], %broadcast_in_dim3A_8 {strides = array<i32>} : memref<10240xf32, #tpu.memory_space<vmem>>, vector<16xf32>,
      %scan3A_39 = arith.constant 0 : i32
      scf.yield %scan3A_39 : i32
    }
    %scan3A_15 = arith.constant 640 : i32
    %scan3A_16 = arith.constant 0 : i32
    %scan3A_17 = arith.constant 0 : i32
    %scan3A_18 = arith.constant 80 : i32
    %scan3A_19 = arith.addi %scan3A_17, %scan3A_18 : i32
    %scan3A_20 = arith.constant 1 : i32
    %scan3A_21 = scf.for %scan3A_34 = %scan3A_17 to %scan3A_19 step %scan3A_20 iter_args(%scan3A_35 = %scan3A_16) -> (i32)  : i32 {
      "tpu.region"() ({
        %run_scoped3A = tpu.sem_alloc : memref<!tpu.dma_semaphore, #tpu.memory_space<semaphore_mem>>
        %dma_start3A = arith.constant 0 : i32
        %dma_start3A_44 = tpu.memref_slice %arg4[%arg0, %arg1, %scan3A_34, %dma_start3A] : memref<2x16x80x128xi32, #tpu.memory_space<hbm>> -> memref<1x1x1x128xi32, #tpu.memory_space<hbm>>
        %dma_start3A_45 = tpu.memref_squeeze %dma_start3A_44 : memref<1x1x1x128xi32, #tpu.memory_space<hbm>> -> memref<128xi32, #tpu.memory_space<hbm>>
        %dma_start3A_46 = arith.constant 0 : i32
        %dma_start3A_47 = tpu.memref_slice %arg4[%arg0, %arg1, %scan3A_34, %dma_start3A_46] : memref<2x16x80x128xi32, #tpu.memory_space<hbm>> -> memref<1x1x1x128xi32, #tpu.memory_space<hbm>>
        %dma_start3A_48 = tpu.memref_squeeze %dma_start3A_47 : memref<1x1x1x128xi32, #tpu.memory_space<hbm>> -> memref<128xi32, #tpu.memory_space<hbm>>
        tpu.enqueue_dma source(%dma_start3A_48 : memref<128xi32, #tpu.memory_space<hbm>>) target(%arg7 : memref<128xi32, #tpu.memory_space<vmem>>) target_semaphore(%run_scoped3A : memref<!tpu.dma_semaphore, #tpu.memory_space<semaphore_mem>>)
        %dma_wait3A = arith.constant 0 : i32
        %dma_wait3A_49 = tpu.memref_slice %arg4[%arg0, %arg1, %scan3A_34, %dma_wait3A] : memref<2x16x80x128xi32, #tpu.memory_space<hbm>> -> memref<1x1x1x128xi32, #tpu.memory_space<hbm>>
        %dma_wait3A_50 = tpu.memref_squeeze %dma_wait3A_49 : memref<1x1x1x128xi32, #tpu.memory_space<hbm>> -> memref<128xi32, #tpu.memory_space<hbm>>
        %dma_wait3A_51 = arith.constant 0 : i32
        %dma_wait3A_52 = tpu.memref_slice %arg4[%arg0, %arg1, %scan3A_34, %dma_wait3A_51] : memref<2x16x80x128xi32, #tpu.memory_space<hbm>> -> memref<1x1x1x128xi32, #tpu.memory_space<hbm>>
        %dma_wait3A_53 = tpu.memref_squeeze %dma_wait3A_52 : memref<1x1x1x128xi32, #tpu.memory_space<hbm>> -> memref<128xi32, #tpu.memory_space<hbm>>
        tpu.wait_dma2 semaphore(%run_scoped3A : memref<!tpu.dma_semaphore, #tpu.memory_space<semaphore_mem>>) src(%dma_wait3A_53 : memref<128xi32, #tpu.memory_space<hbm>>) dst(%arg7 : memref<128xi32, #tpu.memory_space<vmem>>)
        tpu.yield
      }) : () -> ()
      "tpu.region"() ({
        %run_scoped3A = tpu.sem_alloc : memref<!tpu.dma_semaphore, #tpu.memory_space<semaphore_mem>>
        %dma_start3A = arith.constant 0 : i32
        %dma_start3A_44 = tpu.memref_slice %arg5[%arg0, %arg1, %scan3A_34, %dma_start3A] : memref<2x16x80x128xi32, #tpu.memory_space<hbm>> -> memref<1x1x1x128xi32, #tpu.memory_space<hbm>>
        %dma_start3A_45 = tpu.memref_squeeze %dma_start3A_44 : memref<1x1x1x128xi32, #tpu.memory_space<hbm>> -> memref<128xi32, #tpu.memory_space<hbm>>
        %dma_start3A_46 = arith.constant 0 : i32
        %dma_start3A_47 = tpu.memref_slice %arg5[%arg0, %arg1, %scan3A_34, %dma_start3A_46] : memref<2x16x80x128xi32, #tpu.memory_space<hbm>> -> memref<1x1x1x128xi32, #tpu.memory_space<hbm>>
        %dma_start3A_48 = tpu.memref_squeeze %dma_start3A_47 : memref<1x1x1x128xi32, #tpu.memory_space<hbm>> -> memref<128xi32, #tpu.memory_space<hbm>>
        tpu.enqueue_dma source(%dma_start3A_48 : memref<128xi32, #tpu.memory_space<hbm>>) target(%arg8 : memref<128xi32, #tpu.memory_space<vmem>>) target_semaphore(%run_scoped3A : memref<!tpu.dma_semaphore, #tpu.memory_space<semaphore_mem>>)
        %dma_wait3A = arith.constant 0 : i32
        %dma_wait3A_49 = tpu.memref_slice %arg5[%arg0, %arg1, %scan3A_34, %dma_wait3A] : memref<2x16x80x128xi32, #tpu.memory_space<hbm>> -> memref<1x1x1x128xi32, #tpu.memory_space<hbm>>
        %dma_wait3A_50 = tpu.memref_squeeze %dma_wait3A_49 : memref<1x1x1x128xi32, #tpu.memory_space<hbm>> -> memref<128xi32, #tpu.memory_space<hbm>>
        %dma_wait3A_51 = arith.constant 0 : i32
        %dma_wait3A_52 = tpu.memref_slice %arg5[%arg0, %arg1, %scan3A_34, %dma_wait3A_51] : memref<2x16x80x128xi32, #tpu.memory_space<hbm>> -> memref<1x1x1x128xi32, #tpu.memory_space<hbm>>
        %dma_wait3A_53 = tpu.memref_squeeze %dma_wait3A_52 : memref<1x1x1x128xi32, #tpu.memory_space<hbm>> -> memref<128xi32, #tpu.memory_space<hbm>>
        tpu.wait_dma2 semaphore(%run_scoped3A : memref<!tpu.dma_semaphore, #tpu.memory_space<semaphore_mem>>) src(%dma_wait3A_53 : memref<128xi32, #tpu.memory_space<hbm>>) dst(%arg8 : memref<128xi32, #tpu.memory_space<vmem>>)
        tpu.yield
      }) : () -> ()
      %scan3A_36 = arith.constant 0 : i32
      %scan3A_37 = arith.constant 0 : i32
      %scan3A_38 = arith.constant 8 : i32
      %scan3A_39 = arith.addi %scan3A_37, %scan3A_38 : i32
      %scan3A_40 = arith.constant 1 : i32
      %scan3A_41 = scf.for %scan3A_44 = %scan3A_37 to %scan3A_39 step %scan3A_40 iter_args(%scan3A_45 = %scan3A_36) -> (i32)  : i32 {
        %mul3A_46 = arith.constant 16 : i32
        %mul3A_47 = arith.muli %scan3A_44, %mul3A_46 : i32
        %get3A = arith.index_cast %mul3A_47 : i32 to index
        %get3A_48 = tpu.vector_load %arg7[%get3A] {strides = array<i32>} : memref<128xi32, #tpu.memory_space<vmem>>, vector<16xi32>,
        %mul3A_49 = arith.constant 16 : i32
        %mul3A_50 = arith.muli %scan3A_44, %mul3A_49 : i32
        %get3A_51 = arith.index_cast %mul3A_50 : i32 to index
        %get3A_52 = tpu.vector_load %arg8[%get3A_51] {strides = array<i32>} : memref<128xi32, #tpu.memory_space<vmem>>, vector<16xi32>,
        %gather3A = tpu.vector_load_idx %arg9[%get3A_52] : memref<10240xf32, #tpu.memory_space<vmem>>[vector<16xi32>], vector<16xf32>,
        tpu.vector_store_idx %arg11[%get3A_48], %gather3A {add = true} : memref<10240xf32, #tpu.memory_space<vmem>>[vector<16xi32>], vector<16xf32>,
        %gather3A_53 = tpu.vector_load_idx %arg10[%get3A_52] : memref<10240xf32, #tpu.memory_space<vmem>>[vector<16xi32>], vector<16xf32>,
        tpu.vector_store_idx %arg12[%get3A_48], %gather3A_53 {add = true} : memref<10240xf32, #tpu.memory_space<vmem>>[vector<16xi32>], vector<16xf32>,
        %scan3A_54 = arith.constant 0 : i32
        scf.yield %scan3A_54 : i32
      }
      %scan3A_42 = arith.constant 8 : i32
      %scan3A_43 = arith.constant 0 : i32
      scf.yield %scan3A_43 : i32
    }
    %scan3A_22 = arith.constant 80 : i32
    %mul3A = arith.constant 16 : i32
    %mul3A_23 = arith.muli %arg0, %mul3A : i32
    %add3A = arith.addi %mul3A_23, %arg1 : i32
    %mul3A_24 = arith.constant 2 : i32
    %mul3A_25 = arith.muli %add3A, %mul3A_24 : i32
    %add3A_26 = arith.constant 0 : i32
    %add3A_27 = arith.addi %mul3A_25, %add3A_26 : i32
    %mul3A_28 = arith.constant 10240 : i32
    %mul3A_29 = arith.muli %add3A_27, %mul3A_28 : i32
    "tpu.region"() ({
      %run_scoped3A = tpu.sem_alloc : memref<!tpu.dma_semaphore, #tpu.memory_space<semaphore_mem>>
      %dma_start3A = tpu.memref_slice %arg6[%mul3A_29] : memref<655360xf32, #tpu.memory_space<hbm>> -> memref<10240xf32, #tpu.memory_space<hbm>>
      %dma_start3A_34 = tpu.memref_slice %arg6[%mul3A_29] : memref<655360xf32, #tpu.memory_space<hbm>> -> memref<10240xf32, #tpu.memory_space<hbm>>
      tpu.enqueue_dma source(%arg11 : memref<10240xf32, #tpu.memory_space<vmem>>) target(%dma_start3A_34 : memref<10240xf32, #tpu.memory_space<hbm>>) target_semaphore(%run_scoped3A : memref<!tpu.dma_semaphore, #tpu.memory_space<semaphore_mem>>)
      %dma_wait3A = tpu.memref_slice %arg6[%mul3A_29] : memref<655360xf32, #tpu.memory_space<hbm>> -> memref<10240xf32, #tpu.memory_space<hbm>>
      %dma_wait3A_35 = tpu.memref_slice %arg6[%mul3A_29] : memref<655360xf32, #tpu.memory_space<hbm>> -> memref<10240xf32, #tpu.memory_space<hbm>>
      tpu.wait_dma2 semaphore(%run_scoped3A : memref<!tpu.dma_semaphore, #tpu.memory_space<semaphore_mem>>) src(%arg11 : memref<10240xf32, #tpu.memory_space<vmem>>) dst(%dma_wait3A_35 : memref<10240xf32, #tpu.memory_space<hbm>>)
      tpu.yield
    }) : () -> ()
    %add3A_30 = arith.constant 1 : i32
    %add3A_31 = arith.addi %mul3A_25, %add3A_30 : i32
    %mul3A_32 = arith.constant 10240 : i32
    %mul3A_33 = arith.muli %add3A_31, %mul3A_32 : i32
    "tpu.region"() ({
      %run_scoped3A = tpu.sem_alloc : memref<!tpu.dma_semaphore, #tpu.memory_space<semaphore_mem>>
      %dma_start3A = tpu.memref_slice %arg6[%mul3A_33] : memref<655360xf32, #tpu.memory_space<hbm>> -> memref<10240xf32, #tpu.memory_space<hbm>>
      %dma_start3A_34 = tpu.memref_slice %arg6[%mul3A_33] : memref<655360xf32, #tpu.memory_space<hbm>> -> memref<10240xf32, #tpu.memory_space<hbm>>
      tpu.enqueue_dma source(%arg12 : memref<10240xf32, #tpu.memory_space<vmem>>) target(%dma_start3A_34 : memref<10240xf32, #tpu.memory_space<hbm>>) target_semaphore(%run_scoped3A : memref<!tpu.dma_semaphore, #tpu.memory_space<semaphore_mem>>)
      %dma_wait3A = tpu.memref_slice %arg6[%mul3A_33] : memref<655360xf32, #tpu.memory_space<hbm>> -> memref<10240xf32, #tpu.memory_space<hbm>>
      %dma_wait3A_35 = tpu.memref_slice %arg6[%mul3A_33] : memref<655360xf32, #tpu.memory_space<hbm>> -> memref<10240xf32, #tpu.memory_space<hbm>>
      tpu.wait_dma2 semaphore(%run_scoped3A : memref<!tpu.dma_semaphore, #tpu.memory_space<semaphore_mem>>) src(%arg12 : memref<10240xf32, #tpu.memory_space<vmem>>) dst(%dma_wait3A_35 : memref<10240xf32, #tpu.memory_space<hbm>>)
      tpu.yield
    }) : () -> ()
    return
  }
}

#map = affine_map<(d0, d1) -> (0)>
#map1 = affine_map<(d0, d1) -> (0, 0, 0, 0)>
module attributes {stable_mosaic.version = 14 : i64} {
  func.func @_scal1_body(%arg0: i32, %arg1: i32, %arg2: memref<10240xf32, #tpu.memory_space<hbm>>, %arg3: memref<2x16x80x128xi32, #tpu.memory_space<hbm>>, %arg4: memref<2x16x80x128xi32, #tpu.memory_space<hbm>>, %arg5: memref<983040xf32, #tpu.memory_space<hbm>>, %arg6: memref<128xi32, #tpu.memory_space<vmem>>, %arg7: memref<128xi32, #tpu.memory_space<vmem>>, %arg8: memref<10240xf32, #tpu.memory_space<vmem>>, %arg9: memref<10240xf32, #tpu.memory_space<vmem>>, %arg10: memref<10240xf32, #tpu.memory_space<vmem>>, %arg11: memref<10240xf32, #tpu.memory_space<vmem>>) attributes {dimension_semantics = [#tpu.dimension_semantics<core_parallel>, #tpu.dimension_semantics<subcore_parallel>], iteration_bounds = array<i64: 2, 16>, scalar_prefetch = 0 : i64, scratch_operands = 6 : i64, tpu.core_type = #tpu.core_type<sc_vector_subcore>, window_params = [{transform_indices = #map}, {transform_indices = #map1}, {transform_indices = #map1}, {transform_indices = #map}]} {
    "tpu.region"() ({
      %run_scoped3A = tpu.sem_alloc : memref<!tpu.dma_semaphore, #tpu.memory_space<semaphore_mem>>
      tpu.enqueue_dma source(%arg2 : memref<10240xf32, #tpu.memory_space<hbm>>) target(%arg8 : memref<10240xf32, #tpu.memory_space<vmem>>) target_semaphore(%run_scoped3A : memref<!tpu.dma_semaphore, #tpu.memory_space<semaphore_mem>>)
      tpu.wait_dma2 semaphore(%run_scoped3A : memref<!tpu.dma_semaphore, #tpu.memory_space<semaphore_mem>>) src(%arg2 : memref<10240xf32, #tpu.memory_space<hbm>>) dst(%arg8 : memref<10240xf32, #tpu.memory_space<vmem>>)
      tpu.yield
    }) : () -> ()
    %broadcast_in_dim3A = arith.constant 0.000000e+00 : f32
    %broadcast_in_dim3A_0 = vector.broadcast %broadcast_in_dim3A : f32 to vector<16xf32>
    %scan3A = arith.constant 0 : i32
    %scan3A_1 = arith.constant 0 : i32
    %scan3A_2 = arith.constant 640 : i32
    %scan3A_3 = arith.addi %scan3A_1, %scan3A_2 : i32
    %scan3A_4 = arith.constant 1 : i32
    %scan3A_5 = scf.for %scan3A_49 = %scan3A_1 to %scan3A_3 step %scan3A_4 iter_args(%scan3A_50 = %scan3A) -> (i32)  : i32 {
      %mul3A_51 = arith.constant 16 : i32
      %mul3A_52 = arith.muli %scan3A_49, %mul3A_51 : i32
      %swap3A = arith.index_cast %mul3A_52 : i32 to index
      %swap3A_53 = tpu.vector_load %arg9[%swap3A] {strides = array<i32>} : memref<10240xf32, #tpu.memory_space<vmem>>, vector<16xf32>,
      tpu.vector_store %arg9[%swap3A], %broadcast_in_dim3A_0 {strides = array<i32>} : memref<10240xf32, #tpu.memory_space<vmem>>, vector<16xf32>,
      %scan3A_54 = arith.constant 0 : i32
      scf.yield %scan3A_54 : i32
    }
    %scan3A_6 = arith.constant 640 : i32
    %broadcast_in_dim3A_7 = arith.constant 0.000000e+00 : f32
    %broadcast_in_dim3A_8 = vector.broadcast %broadcast_in_dim3A_7 : f32 to vector<16xf32>
    %scan3A_9 = arith.constant 0 : i32
    %scan3A_10 = arith.constant 0 : i32
    %scan3A_11 = arith.constant 640 : i32
    %scan3A_12 = arith.addi %scan3A_10, %scan3A_11 : i32
    %scan3A_13 = arith.constant 1 : i32
    %scan3A_14 = scf.for %scan3A_49 = %scan3A_10 to %scan3A_12 step %scan3A_13 iter_args(%scan3A_50 = %scan3A_9) -> (i32)  : i32 {
      %mul3A_51 = arith.constant 16 : i32
      %mul3A_52 = arith.muli %scan3A_49, %mul3A_51 : i32
      %swap3A = arith.index_cast %mul3A_52 : i32 to index
      %swap3A_53 = tpu.vector_load %arg10[%swap3A] {strides = array<i32>} : memref<10240xf32, #tpu.memory_space<vmem>>, vector<16xf32>,
      tpu.vector_store %arg10[%swap3A], %broadcast_in_dim3A_8 {strides = array<i32>} : memref<10240xf32, #tpu.memory_space<vmem>>, vector<16xf32>,
      %scan3A_54 = arith.constant 0 : i32
      scf.yield %scan3A_54 : i32
    }
    %scan3A_15 = arith.constant 640 : i32
    %broadcast_in_dim3A_16 = arith.constant 0.000000e+00 : f32
    %broadcast_in_dim3A_17 = vector.broadcast %broadcast_in_dim3A_16 : f32 to vector<16xf32>
    %scan3A_18 = arith.constant 0 : i32
    %scan3A_19 = arith.constant 0 : i32
    %scan3A_20 = arith.constant 640 : i32
    %scan3A_21 = arith.addi %scan3A_19, %scan3A_20 : i32
    %scan3A_22 = arith.constant 1 : i32
    %scan3A_23 = scf.for %scan3A_49 = %scan3A_19 to %scan3A_21 step %scan3A_22 iter_args(%scan3A_50 = %scan3A_18) -> (i32)  : i32 {
      %mul3A_51 = arith.constant 16 : i32
      %mul3A_52 = arith.muli %scan3A_49, %mul3A_51 : i32
      %swap3A = arith.index_cast %mul3A_52 : i32 to index
      %swap3A_53 = tpu.vector_load %arg11[%swap3A] {strides = array<i32>} : memref<10240xf32, #tpu.memory_space<vmem>>, vector<16xf32>,
      tpu.vector_store %arg11[%swap3A], %broadcast_in_dim3A_17 {strides = array<i32>} : memref<10240xf32, #tpu.memory_space<vmem>>, vector<16xf32>,
      %scan3A_54 = arith.constant 0 : i32
      scf.yield %scan3A_54 : i32
    }
    %scan3A_24 = arith.constant 640 : i32
    %broadcast_in_dim3A_25 = arith.constant 1.000000e+00 : f32
    %broadcast_in_dim3A_26 = vector.broadcast %broadcast_in_dim3A_25 : f32 to vector<16xf32>
    %scan3A_27 = arith.constant 0 : i32
    %scan3A_28 = arith.constant 0 : i32
    %scan3A_29 = arith.constant 80 : i32
    %scan3A_30 = arith.addi %scan3A_28, %scan3A_29 : i32
    %scan3A_31 = arith.constant 1 : i32
    %scan3A_32 = scf.for %scan3A_49 = %scan3A_28 to %scan3A_30 step %scan3A_31 iter_args(%scan3A_50 = %scan3A_27) -> (i32)  : i32 {
      "tpu.region"() ({
        %run_scoped3A = tpu.sem_alloc : memref<!tpu.dma_semaphore, #tpu.memory_space<semaphore_mem>>
        %dma_start3A = arith.constant 0 : i32
        %dma_start3A_59 = tpu.memref_slice %arg3[%arg0, %arg1, %scan3A_49, %dma_start3A] : memref<2x16x80x128xi32, #tpu.memory_space<hbm>> -> memref<1x1x1x128xi32, #tpu.memory_space<hbm>>
        %dma_start3A_60 = tpu.memref_squeeze %dma_start3A_59 : memref<1x1x1x128xi32, #tpu.memory_space<hbm>> -> memref<128xi32, #tpu.memory_space<hbm>>
        %dma_start3A_61 = arith.constant 0 : i32
        %dma_start3A_62 = tpu.memref_slice %arg3[%arg0, %arg1, %scan3A_49, %dma_start3A_61] : memref<2x16x80x128xi32, #tpu.memory_space<hbm>> -> memref<1x1x1x128xi32, #tpu.memory_space<hbm>>
        %dma_start3A_63 = tpu.memref_squeeze %dma_start3A_62 : memref<1x1x1x128xi32, #tpu.memory_space<hbm>> -> memref<128xi32, #tpu.memory_space<hbm>>
        tpu.enqueue_dma source(%dma_start3A_63 : memref<128xi32, #tpu.memory_space<hbm>>) target(%arg6 : memref<128xi32, #tpu.memory_space<vmem>>) target_semaphore(%run_scoped3A : memref<!tpu.dma_semaphore, #tpu.memory_space<semaphore_mem>>)
        %dma_wait3A = arith.constant 0 : i32
        %dma_wait3A_64 = tpu.memref_slice %arg3[%arg0, %arg1, %scan3A_49, %dma_wait3A] : memref<2x16x80x128xi32, #tpu.memory_space<hbm>> -> memref<1x1x1x128xi32, #tpu.memory_space<hbm>>
        %dma_wait3A_65 = tpu.memref_squeeze %dma_wait3A_64 : memref<1x1x1x128xi32, #tpu.memory_space<hbm>> -> memref<128xi32, #tpu.memory_space<hbm>>
        %dma_wait3A_66 = arith.constant 0 : i32
        %dma_wait3A_67 = tpu.memref_slice %arg3[%arg0, %arg1, %scan3A_49, %dma_wait3A_66] : memref<2x16x80x128xi32, #tpu.memory_space<hbm>> -> memref<1x1x1x128xi32, #tpu.memory_space<hbm>>
        %dma_wait3A_68 = tpu.memref_squeeze %dma_wait3A_67 : memref<1x1x1x128xi32, #tpu.memory_space<hbm>> -> memref<128xi32, #tpu.memory_space<hbm>>
        tpu.wait_dma2 semaphore(%run_scoped3A : memref<!tpu.dma_semaphore, #tpu.memory_space<semaphore_mem>>) src(%dma_wait3A_68 : memref<128xi32, #tpu.memory_space<hbm>>) dst(%arg6 : memref<128xi32, #tpu.memory_space<vmem>>)
        tpu.yield
      }) : () -> ()
      "tpu.region"() ({
        %run_scoped3A = tpu.sem_alloc : memref<!tpu.dma_semaphore, #tpu.memory_space<semaphore_mem>>
        %dma_start3A = arith.constant 0 : i32
        %dma_start3A_59 = tpu.memref_slice %arg4[%arg0, %arg1, %scan3A_49, %dma_start3A] : memref<2x16x80x128xi32, #tpu.memory_space<hbm>> -> memref<1x1x1x128xi32, #tpu.memory_space<hbm>>
        %dma_start3A_60 = tpu.memref_squeeze %dma_start3A_59 : memref<1x1x1x128xi32, #tpu.memory_space<hbm>> -> memref<128xi32, #tpu.memory_space<hbm>>
        %dma_start3A_61 = arith.constant 0 : i32
        %dma_start3A_62 = tpu.memref_slice %arg4[%arg0, %arg1, %scan3A_49, %dma_start3A_61] : memref<2x16x80x128xi32, #tpu.memory_space<hbm>> -> memref<1x1x1x128xi32, #tpu.memory_space<hbm>>
        %dma_start3A_63 = tpu.memref_squeeze %dma_start3A_62 : memref<1x1x1x128xi32, #tpu.memory_space<hbm>> -> memref<128xi32, #tpu.memory_space<hbm>>
        tpu.enqueue_dma source(%dma_start3A_63 : memref<128xi32, #tpu.memory_space<hbm>>) target(%arg7 : memref<128xi32, #tpu.memory_space<vmem>>) target_semaphore(%run_scoped3A : memref<!tpu.dma_semaphore, #tpu.memory_space<semaphore_mem>>)
        %dma_wait3A = arith.constant 0 : i32
        %dma_wait3A_64 = tpu.memref_slice %arg4[%arg0, %arg1, %scan3A_49, %dma_wait3A] : memref<2x16x80x128xi32, #tpu.memory_space<hbm>> -> memref<1x1x1x128xi32, #tpu.memory_space<hbm>>
        %dma_wait3A_65 = tpu.memref_squeeze %dma_wait3A_64 : memref<1x1x1x128xi32, #tpu.memory_space<hbm>> -> memref<128xi32, #tpu.memory_space<hbm>>
        %dma_wait3A_66 = arith.constant 0 : i32
        %dma_wait3A_67 = tpu.memref_slice %arg4[%arg0, %arg1, %scan3A_49, %dma_wait3A_66] : memref<2x16x80x128xi32, #tpu.memory_space<hbm>> -> memref<1x1x1x128xi32, #tpu.memory_space<hbm>>
        %dma_wait3A_68 = tpu.memref_squeeze %dma_wait3A_67 : memref<1x1x1x128xi32, #tpu.memory_space<hbm>> -> memref<128xi32, #tpu.memory_space<hbm>>
        tpu.wait_dma2 semaphore(%run_scoped3A : memref<!tpu.dma_semaphore, #tpu.memory_space<semaphore_mem>>) src(%dma_wait3A_68 : memref<128xi32, #tpu.memory_space<hbm>>) dst(%arg7 : memref<128xi32, #tpu.memory_space<vmem>>)
        tpu.yield
      }) : () -> ()
      %scan3A_51 = arith.constant 0 : i32
      %scan3A_52 = arith.constant 0 : i32
      %scan3A_53 = arith.constant 8 : i32
      %scan3A_54 = arith.addi %scan3A_52, %scan3A_53 : i32
      %scan3A_55 = arith.constant 1 : i32
      %scan3A_56 = scf.for %scan3A_59 = %scan3A_52 to %scan3A_54 step %scan3A_55 iter_args(%scan3A_60 = %scan3A_51) -> (i32)  : i32 {
        %mul3A_61 = arith.constant 16 : i32
        %mul3A_62 = arith.muli %scan3A_59, %mul3A_61 : i32
        %get3A = arith.index_cast %mul3A_62 : i32 to index
        %get3A_63 = tpu.vector_load %arg6[%get3A] {strides = array<i32>} : memref<128xi32, #tpu.memory_space<vmem>>, vector<16xi32>,
        %mul3A_64 = arith.constant 16 : i32
        %mul3A_65 = arith.muli %scan3A_59, %mul3A_64 : i32
        %get3A_66 = arith.index_cast %mul3A_65 : i32 to index
        %get3A_67 = tpu.vector_load %arg7[%get3A_66] {strides = array<i32>} : memref<128xi32, #tpu.memory_space<vmem>>, vector<16xi32>,
        %gather3A = tpu.vector_load_idx %arg8[%get3A_63] : memref<10240xf32, #tpu.memory_space<vmem>>[vector<16xi32>], vector<16xf32>,
        tpu.vector_store_idx %arg10[%get3A_67], %gather3A {add = true} : memref<10240xf32, #tpu.memory_space<vmem>>[vector<16xi32>], vector<16xf32>,
        tpu.vector_store_idx %arg9[%get3A_67], %broadcast_in_dim3A_26 {add = true} : memref<10240xf32, #tpu.memory_space<vmem>>[vector<16xi32>], vector<16xf32>,
        tpu.vector_store_idx %arg11[%get3A_63], %broadcast_in_dim3A_26 {add = true} : memref<10240xf32, #tpu.memory_space<vmem>>[vector<16xi32>], vector<16xf32>,
        %scan3A_68 = arith.constant 0 : i32
        scf.yield %scan3A_68 : i32
      }
      %scan3A_57 = arith.constant 8 : i32
      %scan3A_58 = arith.constant 0 : i32
      scf.yield %scan3A_58 : i32
    }
    %scan3A_33 = arith.constant 80 : i32
    %mul3A = arith.constant 16 : i32
    %mul3A_34 = arith.muli %arg0, %mul3A : i32
    %add3A = arith.addi %mul3A_34, %arg1 : i32
    %mul3A_35 = arith.constant 3 : i32
    %mul3A_36 = arith.muli %add3A, %mul3A_35 : i32
    %add3A_37 = arith.constant 0 : i32
    %add3A_38 = arith.addi %mul3A_36, %add3A_37 : i32
    %mul3A_39 = arith.constant 10240 : i32
    %mul3A_40 = arith.muli %add3A_38, %mul3A_39 : i32
    "tpu.region"() ({
      %run_scoped3A = tpu.sem_alloc : memref<!tpu.dma_semaphore, #tpu.memory_space<semaphore_mem>>
      %dma_start3A = tpu.memref_slice %arg5[%mul3A_40] : memref<983040xf32, #tpu.memory_space<hbm>> -> memref<10240xf32, #tpu.memory_space<hbm>>
      %dma_start3A_49 = tpu.memref_slice %arg5[%mul3A_40] : memref<983040xf32, #tpu.memory_space<hbm>> -> memref<10240xf32, #tpu.memory_space<hbm>>
      tpu.enqueue_dma source(%arg9 : memref<10240xf32, #tpu.memory_space<vmem>>) target(%dma_start3A_49 : memref<10240xf32, #tpu.memory_space<hbm>>) target_semaphore(%run_scoped3A : memref<!tpu.dma_semaphore, #tpu.memory_space<semaphore_mem>>)
      %dma_wait3A = tpu.memref_slice %arg5[%mul3A_40] : memref<983040xf32, #tpu.memory_space<hbm>> -> memref<10240xf32, #tpu.memory_space<hbm>>
      %dma_wait3A_50 = tpu.memref_slice %arg5[%mul3A_40] : memref<983040xf32, #tpu.memory_space<hbm>> -> memref<10240xf32, #tpu.memory_space<hbm>>
      tpu.wait_dma2 semaphore(%run_scoped3A : memref<!tpu.dma_semaphore, #tpu.memory_space<semaphore_mem>>) src(%arg9 : memref<10240xf32, #tpu.memory_space<vmem>>) dst(%dma_wait3A_50 : memref<10240xf32, #tpu.memory_space<hbm>>)
      tpu.yield
    }) : () -> ()
    %add3A_41 = arith.constant 1 : i32
    %add3A_42 = arith.addi %mul3A_36, %add3A_41 : i32
    %mul3A_43 = arith.constant 10240 : i32
    %mul3A_44 = arith.muli %add3A_42, %mul3A_43 : i32
    "tpu.region"() ({
      %run_scoped3A = tpu.sem_alloc : memref<!tpu.dma_semaphore, #tpu.memory_space<semaphore_mem>>
      %dma_start3A = tpu.memref_slice %arg5[%mul3A_44] : memref<983040xf32, #tpu.memory_space<hbm>> -> memref<10240xf32, #tpu.memory_space<hbm>>
      %dma_start3A_49 = tpu.memref_slice %arg5[%mul3A_44] : memref<983040xf32, #tpu.memory_space<hbm>> -> memref<10240xf32, #tpu.memory_space<hbm>>
      tpu.enqueue_dma source(%arg10 : memref<10240xf32, #tpu.memory_space<vmem>>) target(%dma_start3A_49 : memref<10240xf32, #tpu.memory_space<hbm>>) target_semaphore(%run_scoped3A : memref<!tpu.dma_semaphore, #tpu.memory_space<semaphore_mem>>)
      %dma_wait3A = tpu.memref_slice %arg5[%mul3A_44] : memref<983040xf32, #tpu.memory_space<hbm>> -> memref<10240xf32, #tpu.memory_space<hbm>>
      %dma_wait3A_50 = tpu.memref_slice %arg5[%mul3A_44] : memref<983040xf32, #tpu.memory_space<hbm>> -> memref<10240xf32, #tpu.memory_space<hbm>>
      tpu.wait_dma2 semaphore(%run_scoped3A : memref<!tpu.dma_semaphore, #tpu.memory_space<semaphore_mem>>) src(%arg10 : memref<10240xf32, #tpu.memory_space<vmem>>) dst(%dma_wait3A_50 : memref<10240xf32, #tpu.memory_space<hbm>>)
      tpu.yield
    }) : () -> ()
    %add3A_45 = arith.constant 2 : i32
    %add3A_46 = arith.addi %mul3A_36, %add3A_45 : i32
    %mul3A_47 = arith.constant 10240 : i32
    %mul3A_48 = arith.muli %add3A_46, %mul3A_47 : i32
    "tpu.region"() ({
      %run_scoped3A = tpu.sem_alloc : memref<!tpu.dma_semaphore, #tpu.memory_space<semaphore_mem>>
      %dma_start3A = tpu.memref_slice %arg5[%mul3A_48] : memref<983040xf32, #tpu.memory_space<hbm>> -> memref<10240xf32, #tpu.memory_space<hbm>>
      %dma_start3A_49 = tpu.memref_slice %arg5[%mul3A_48] : memref<983040xf32, #tpu.memory_space<hbm>> -> memref<10240xf32, #tpu.memory_space<hbm>>
      tpu.enqueue_dma source(%arg11 : memref<10240xf32, #tpu.memory_space<vmem>>) target(%dma_start3A_49 : memref<10240xf32, #tpu.memory_space<hbm>>) target_semaphore(%run_scoped3A : memref<!tpu.dma_semaphore, #tpu.memory_space<semaphore_mem>>)
      %dma_wait3A = tpu.memref_slice %arg5[%mul3A_48] : memref<983040xf32, #tpu.memory_space<hbm>> -> memref<10240xf32, #tpu.memory_space<hbm>>
      %dma_wait3A_50 = tpu.memref_slice %arg5[%mul3A_48] : memref<983040xf32, #tpu.memory_space<hbm>> -> memref<10240xf32, #tpu.memory_space<hbm>>
      tpu.wait_dma2 semaphore(%run_scoped3A : memref<!tpu.dma_semaphore, #tpu.memory_space<semaphore_mem>>) src(%arg11 : memref<10240xf32, #tpu.memory_space<vmem>>) dst(%dma_wait3A_50 : memref<10240xf32, #tpu.memory_space<hbm>>)
      tpu.yield
    }) : () -> ()
    return
  }
}

#map = affine_map<(d0, d1) -> (0, 0)>
#map1 = affine_map<(d0, d1) -> (0, 0, 0, 0)>
#map2 = affine_map<(d0, d1) -> (0, 0, 0)>
module attributes {stable_mosaic.version = 14 : i64} {
  func.func @_gs_body(%arg0: i32, %arg1: i32, %arg2: memref<10240x128xf32, #tpu.memory_space<hbm>>, %arg3: memref<2x16x80x128xi32, #tpu.memory_space<hbm>>, %arg4: memref<2x16x80x128xi32, #tpu.memory_space<hbm>>, %arg5: memref<2x10240x128xf32, #tpu.memory_space<hbm>>, %arg6: memref<128xi32, #tpu.memory_space<vmem>>, %arg7: memref<128xi32, #tpu.memory_space<vmem>>, %arg8: memref<128x128xf32, #tpu.memory_space<vmem>>, %arg9: memref<10240x128xf32, #tpu.memory_space<vmem_shared>>, %arg10: memref<!tpu.dma_semaphore, #tpu.memory_space<semaphore_mem>>) attributes {dimension_semantics = [#tpu.dimension_semantics<core_parallel>, #tpu.dimension_semantics<subcore_parallel>], iteration_bounds = array<i64: 2, 16>, scalar_prefetch = 0 : i64, scratch_operands = 5 : i64, tpu.core_type = #tpu.core_type<sc_vector_subcore>, window_params = [{transform_indices = #map}, {transform_indices = #map1}, {transform_indices = #map1}, {transform_indices = #map2}]} {
    %broadcast_in_dim3A = arith.constant 0.000000e+00 : f32
    %broadcast_in_dim3A_0 = vector.broadcast %broadcast_in_dim3A : f32 to vector<16xf32>
    %scan3A = arith.constant 0 : i32
    %scan3A_1 = arith.constant 0 : i32
    %scan3A_2 = arith.constant 128 : i32
    %scan3A_3 = arith.addi %scan3A_1, %scan3A_2 : i32
    %scan3A_4 = arith.constant 1 : i32
    %scan3A_5 = scf.for %scan3A_37 = %scan3A_1 to %scan3A_3 step %scan3A_4 iter_args(%scan3A_38 = %scan3A) -> (i32)  : i32 {
      %swap3A = arith.index_cast %scan3A_37 : i32 to index
      %swap3A_39 = arith.constant 0 : index
      %swap3A_40 = tpu.vector_load %arg8[%swap3A, %swap3A_39] {strides = array<i32>} : memref<128x128xf32, #tpu.memory_space<vmem>>, vector<1x16xf32>,
      %swap3A_41 = vector.shape_cast %swap3A_40 : vector<1x16xf32> to vector<16xf32>
      %swap3A_42 = vector.shape_cast %broadcast_in_dim3A_0 : vector<16xf32> to vector<1x16xf32>
      tpu.vector_store %arg8[%swap3A, %swap3A_39], %swap3A_42 {strides = array<i32>} : memref<128x128xf32, #tpu.memory_space<vmem>>, vector<1x16xf32>,
      %swap3A_43 = arith.index_cast %scan3A_37 : i32 to index
      %swap3A_44 = arith.constant 16 : index
      %swap3A_45 = tpu.vector_load %arg8[%swap3A_43, %swap3A_44] {strides = array<i32>} : memref<128x128xf32, #tpu.memory_space<vmem>>, vector<1x16xf32>,
      %swap3A_46 = vector.shape_cast %swap3A_45 : vector<1x16xf32> to vector<16xf32>
      %swap3A_47 = vector.shape_cast %broadcast_in_dim3A_0 : vector<16xf32> to vector<1x16xf32>
      tpu.vector_store %arg8[%swap3A_43, %swap3A_44], %swap3A_47 {strides = array<i32>} : memref<128x128xf32, #tpu.memory_space<vmem>>, vector<1x16xf32>,
      %swap3A_48 = arith.index_cast %scan3A_37 : i32 to index
      %swap3A_49 = arith.constant 32 : index
      %swap3A_50 = tpu.vector_load %arg8[%swap3A_48, %swap3A_49] {strides = array<i32>} : memref<128x128xf32, #tpu.memory_space<vmem>>, vector<1x16xf32>,
      %swap3A_51 = vector.shape_cast %swap3A_50 : vector<1x16xf32> to vector<16xf32>
      %swap3A_52 = vector.shape_cast %broadcast_in_dim3A_0 : vector<16xf32> to vector<1x16xf32>
      tpu.vector_store %arg8[%swap3A_48, %swap3A_49], %swap3A_52 {strides = array<i32>} : memref<128x128xf32, #tpu.memory_space<vmem>>, vector<1x16xf32>,
      %swap3A_53 = arith.index_cast %scan3A_37 : i32 to index
      %swap3A_54 = arith.constant 48 : index
      %swap3A_55 = tpu.vector_load %arg8[%swap3A_53, %swap3A_54] {strides = array<i32>} : memref<128x128xf32, #tpu.memory_space<vmem>>, vector<1x16xf32>,
      %swap3A_56 = vector.shape_cast %swap3A_55 : vector<1x16xf32> to vector<16xf32>
      %swap3A_57 = vector.shape_cast %broadcast_in_dim3A_0 : vector<16xf32> to vector<1x16xf32>
      tpu.vector_store %arg8[%swap3A_53, %swap3A_54], %swap3A_57 {strides = array<i32>} : memref<128x128xf32, #tpu.memory_space<vmem>>, vector<1x16xf32>,
      %swap3A_58 = arith.index_cast %scan3A_37 : i32 to index
      %swap3A_59 = arith.constant 64 : index
      %swap3A_60 = tpu.vector_load %arg8[%swap3A_58, %swap3A_59] {strides = array<i32>} : memref<128x128xf32, #tpu.memory_space<vmem>>, vector<1x16xf32>,
      %swap3A_61 = vector.shape_cast %swap3A_60 : vector<1x16xf32> to vector<16xf32>
      %swap3A_62 = vector.shape_cast %broadcast_in_dim3A_0 : vector<16xf32> to vector<1x16xf32>
      tpu.vector_store %arg8[%swap3A_58, %swap3A_59], %swap3A_62 {strides = array<i32>} : memref<128x128xf32, #tpu.memory_space<vmem>>, vector<1x16xf32>,
      %swap3A_63 = arith.index_cast %scan3A_37 : i32 to index
      %swap3A_64 = arith.constant 80 : index
      %swap3A_65 = tpu.vector_load %arg8[%swap3A_63, %swap3A_64] {strides = array<i32>} : memref<128x128xf32, #tpu.memory_space<vmem>>, vector<1x16xf32>,
      %swap3A_66 = vector.shape_cast %swap3A_65 : vector<1x16xf32> to vector<16xf32>
      %swap3A_67 = vector.shape_cast %broadcast_in_dim3A_0 : vector<16xf32> to vector<1x16xf32>
      tpu.vector_store %arg8[%swap3A_63, %swap3A_64], %swap3A_67 {strides = array<i32>} : memref<128x128xf32, #tpu.memory_space<vmem>>, vector<1x16xf32>,
      %swap3A_68 = arith.index_cast %scan3A_37 : i32 to index
      %swap3A_69 = arith.constant 96 : index
      %swap3A_70 = tpu.vector_load %arg8[%swap3A_68, %swap3A_69] {strides = array<i32>} : memref<128x128xf32, #tpu.memory_space<vmem>>, vector<1x16xf32>,
      %swap3A_71 = vector.shape_cast %swap3A_70 : vector<1x16xf32> to vector<16xf32>
      %swap3A_72 = vector.shape_cast %broadcast_in_dim3A_0 : vector<16xf32> to vector<1x16xf32>
      tpu.vector_store %arg8[%swap3A_68, %swap3A_69], %swap3A_72 {strides = array<i32>} : memref<128x128xf32, #tpu.memory_space<vmem>>, vector<1x16xf32>,
      %swap3A_73 = arith.index_cast %scan3A_37 : i32 to index
      %swap3A_74 = arith.constant 112 : index
      %swap3A_75 = tpu.vector_load %arg8[%swap3A_73, %swap3A_74] {strides = array<i32>} : memref<128x128xf32, #tpu.memory_space<vmem>>, vector<1x16xf32>,
      %swap3A_76 = vector.shape_cast %swap3A_75 : vector<1x16xf32> to vector<16xf32>
      %swap3A_77 = vector.shape_cast %broadcast_in_dim3A_0 : vector<16xf32> to vector<1x16xf32>
      tpu.vector_store %arg8[%swap3A_73, %swap3A_74], %swap3A_77 {strides = array<i32>} : memref<128x128xf32, #tpu.memory_space<vmem>>, vector<1x16xf32>,
      %scan3A_78 = arith.constant 0 : i32
      scf.yield %scan3A_78 : i32
    }
    %scan3A_6 = arith.constant 128 : i32
    %mul3A = arith.constant 640 : i32
    %mul3A_7 = arith.muli %arg1, %mul3A : i32
    %add3A = arith.constant 0 : i32
    %add3A_8 = arith.addi %mul3A_7, %add3A : i32
    "tpu.region"() ({
      %run_scoped3A = tpu.sem_alloc : memref<!tpu.dma_semaphore, #tpu.memory_space<semaphore_mem>>
      %dma_start3A = arith.constant 0 : i32
      %dma_start3A_37 = tpu.memref_slice %arg9[%add3A_8, %dma_start3A] : memref<10240x128xf32, #tpu.memory_space<vmem_shared>> -> memref<128x128xf32, #tpu.memory_space<vmem_shared>>
      %dma_start3A_38 = arith.constant 0 : i32
      %dma_start3A_39 = tpu.memref_slice %arg9[%add3A_8, %dma_start3A_38] : memref<10240x128xf32, #tpu.memory_space<vmem_shared>> -> memref<128x128xf32, #tpu.memory_space<vmem_shared>>
      tpu.enqueue_dma source(%arg8 : memref<128x128xf32, #tpu.memory_space<vmem>>) target(%dma_start3A_39 : memref<128x128xf32, #tpu.memory_space<vmem_shared>>) target_semaphore(%run_scoped3A : memref<!tpu.dma_semaphore, #tpu.memory_space<semaphore_mem>>)
      %dma_wait3A = arith.constant 0 : i32
      %dma_wait3A_40 = tpu.memref_slice %arg9[%add3A_8, %dma_wait3A] : memref<10240x128xf32, #tpu.memory_space<vmem_shared>> -> memref<128x128xf32, #tpu.memory_space<vmem_shared>>
      %dma_wait3A_41 = arith.constant 0 : i32
      %dma_wait3A_42 = tpu.memref_slice %arg9[%add3A_8, %dma_wait3A_41] : memref<10240x128xf32, #tpu.memory_space<vmem_shared>> -> memref<128x128xf32, #tpu.memory_space<vmem_shared>>
      tpu.wait_dma2 semaphore(%run_scoped3A : memref<!tpu.dma_semaphore, #tpu.memory_space<semaphore_mem>>) src(%arg8 : memref<128x128xf32, #tpu.memory_space<vmem>>) dst(%dma_wait3A_42 : memref<128x128xf32, #tpu.memory_space<vmem_shared>>)
      tpu.yield
    }) : () -> ()
    %mul3A_9 = arith.constant 640 : i32
    %mul3A_10 = arith.muli %arg1, %mul3A_9 : i32
    %add3A_11 = arith.constant 128 : i32
    %add3A_12 = arith.addi %mul3A_10, %add3A_11 : i32
    "tpu.region"() ({
      %run_scoped3A = tpu.sem_alloc : memref<!tpu.dma_semaphore, #tpu.memory_space<semaphore_mem>>
      %dma_start3A = arith.constant 0 : i32
      %dma_start3A_37 = tpu.memref_slice %arg9[%add3A_12, %dma_start3A] : memref<10240x128xf32, #tpu.memory_space<vmem_shared>> -> memref<128x128xf32, #tpu.memory_space<vmem_shared>>
      %dma_start3A_38 = arith.constant 0 : i32
      %dma_start3A_39 = tpu.memref_slice %arg9[%add3A_12, %dma_start3A_38] : memref<10240x128xf32, #tpu.memory_space<vmem_shared>> -> memref<128x128xf32, #tpu.memory_space<vmem_shared>>
      tpu.enqueue_dma source(%arg8 : memref<128x128xf32, #tpu.memory_space<vmem>>) target(%dma_start3A_39 : memref<128x128xf32, #tpu.memory_space<vmem_shared>>) target_semaphore(%run_scoped3A : memref<!tpu.dma_semaphore, #tpu.memory_space<semaphore_mem>>)
      %dma_wait3A = arith.constant 0 : i32
      %dma_wait3A_40 = tpu.memref_slice %arg9[%add3A_12, %dma_wait3A] : memref<10240x128xf32, #tpu.memory_space<vmem_shared>> -> memref<128x128xf32, #tpu.memory_space<vmem_shared>>
      %dma_wait3A_41 = arith.constant 0 : i32
      %dma_wait3A_42 = tpu.memref_slice %arg9[%add3A_12, %dma_wait3A_41] : memref<10240x128xf32, #tpu.memory_space<vmem_shared>> -> memref<128x128xf32, #tpu.memory_space<vmem_shared>>
      tpu.wait_dma2 semaphore(%run_scoped3A : memref<!tpu.dma_semaphore, #tpu.memory_space<semaphore_mem>>) src(%arg8 : memref<128x128xf32, #tpu.memory_space<vmem>>) dst(%dma_wait3A_42 : memref<128x128xf32, #tpu.memory_space<vmem_shared>>)
      tpu.yield
    }) : () -> ()
    %mul3A_13 = arith.constant 640 : i32
    %mul3A_14 = arith.muli %arg1, %mul3A_13 : i32
    %add3A_15 = arith.constant 256 : i32
    %add3A_16 = arith.addi %mul3A_14, %add3A_15 : i32
    "tpu.region"() ({
      %run_scoped3A = tpu.sem_alloc : memref<!tpu.dma_semaphore, #tpu.memory_space<semaphore_mem>>
      %dma_start3A = arith.constant 0 : i32
      %dma_start3A_37 = tpu.memref_slice %arg9[%add3A_16, %dma_start3A] : memref<10240x128xf32, #tpu.memory_space<vmem_shared>> -> memref<128x128xf32, #tpu.memory_space<vmem_shared>>
      %dma_start3A_38 = arith.constant 0 : i32
      %dma_start3A_39 = tpu.memref_slice %arg9[%add3A_16, %dma_start3A_38] : memref<10240x128xf32, #tpu.memory_space<vmem_shared>> -> memref<128x128xf32, #tpu.memory_space<vmem_shared>>
      tpu.enqueue_dma source(%arg8 : memref<128x128xf32, #tpu.memory_space<vmem>>) target(%dma_start3A_39 : memref<128x128xf32, #tpu.memory_space<vmem_shared>>) target_semaphore(%run_scoped3A : memref<!tpu.dma_semaphore, #tpu.memory_space<semaphore_mem>>)
      %dma_wait3A = arith.constant 0 : i32
      %dma_wait3A_40 = tpu.memref_slice %arg9[%add3A_16, %dma_wait3A] : memref<10240x128xf32, #tpu.memory_space<vmem_shared>> -> memref<128x128xf32, #tpu.memory_space<vmem_shared>>
      %dma_wait3A_41 = arith.constant 0 : i32
      %dma_wait3A_42 = tpu.memref_slice %arg9[%add3A_16, %dma_wait3A_41] : memref<10240x128xf32, #tpu.memory_space<vmem_shared>> -> memref<128x128xf32, #tpu.memory_space<vmem_shared>>
      tpu.wait_dma2 semaphore(%run_scoped3A : memref<!tpu.dma_semaphore, #tpu.memory_space<semaphore_mem>>) src(%arg8 : memref<128x128xf32, #tpu.memory_space<vmem>>) dst(%dma_wait3A_42 : memref<128x128xf32, #tpu.memory_space<vmem_shared>>)
      tpu.yield
    }) : () -> ()
    %mul3A_17 = arith.constant 640 : i32
    %mul3A_18 = arith.muli %arg1, %mul3A_17 : i32
    %add3A_19 = arith.constant 384 : i32
    %add3A_20 = arith.addi %mul3A_18, %add3A_19 : i32
    "tpu.region"() ({
      %run_scoped3A = tpu.sem_alloc : memref<!tpu.dma_semaphore, #tpu.memory_space<semaphore_mem>>
      %dma_start3A = arith.constant 0 : i32
      %dma_start3A_37 = tpu.memref_slice %arg9[%add3A_20, %dma_start3A] : memref<10240x128xf32, #tpu.memory_space<vmem_shared>> -> memref<128x128xf32, #tpu.memory_space<vmem_shared>>
      %dma_start3A_38 = arith.constant 0 : i32
      %dma_start3A_39 = tpu.memref_slice %arg9[%add3A_20, %dma_start3A_38] : memref<10240x128xf32, #tpu.memory_space<vmem_shared>> -> memref<128x128xf32, #tpu.memory_space<vmem_shared>>
      tpu.enqueue_dma source(%arg8 : memref<128x128xf32, #tpu.memory_space<vmem>>) target(%dma_start3A_39 : memref<128x128xf32, #tpu.memory_space<vmem_shared>>) target_semaphore(%run_scoped3A : memref<!tpu.dma_semaphore, #tpu.memory_space<semaphore_mem>>)
      %dma_wait3A = arith.constant 0 : i32
      %dma_wait3A_40 = tpu.memref_slice %arg9[%add3A_20, %dma_wait3A] : memref<10240x128xf32, #tpu.memory_space<vmem_shared>> -> memref<128x128xf32, #tpu.memory_space<vmem_shared>>
      %dma_wait3A_41 = arith.constant 0 : i32
      %dma_wait3A_42 = tpu.memref_slice %arg9[%add3A_20, %dma_wait3A_41] : memref<10240x128xf32, #tpu.memory_space<vmem_shared>> -> memref<128x128xf32, #tpu.memory_space<vmem_shared>>
      tpu.wait_dma2 semaphore(%run_scoped3A : memref<!tpu.dma_semaphore, #tpu.memory_space<semaphore_mem>>) src(%arg8 : memref<128x128xf32, #tpu.memory_space<vmem>>) dst(%dma_wait3A_42 : memref<128x128xf32, #tpu.memory_space<vmem_shared>>)
      tpu.yield
    }) : () -> ()
    %mul3A_21 = arith.constant 640 : i32
    %mul3A_22 = arith.muli %arg1, %mul3A_21 : i32
    %add3A_23 = arith.constant 512 : i32
    %add3A_24 = arith.addi %mul3A_22, %add3A_23 : i32
    "tpu.region"() ({
      %run_scoped3A = tpu.sem_alloc : memref<!tpu.dma_semaphore, #tpu.memory_space<semaphore_mem>>
      %dma_start3A = arith.constant 0 : i32
      %dma_start3A_37 = tpu.memref_slice %arg9[%add3A_24, %dma_start3A] : memref<10240x128xf32, #tpu.memory_space<vmem_shared>> -> memref<128x128xf32, #tpu.memory_space<vmem_shared>>
      %dma_start3A_38 = arith.constant 0 : i32
      %dma_start3A_39 = tpu.memref_slice %arg9[%add3A_24, %dma_start3A_38] : memref<10240x128xf32, #tpu.memory_space<vmem_shared>> -> memref<128x128xf32, #tpu.memory_space<vmem_shared>>
      tpu.enqueue_dma source(%arg8 : memref<128x128xf32, #tpu.memory_space<vmem>>) target(%dma_start3A_39 : memref<128x128xf32, #tpu.memory_space<vmem_shared>>) target_semaphore(%run_scoped3A : memref<!tpu.dma_semaphore, #tpu.memory_space<semaphore_mem>>)
      %dma_wait3A = arith.constant 0 : i32
      %dma_wait3A_40 = tpu.memref_slice %arg9[%add3A_24, %dma_wait3A] : memref<10240x128xf32, #tpu.memory_space<vmem_shared>> -> memref<128x128xf32, #tpu.memory_space<vmem_shared>>
      %dma_wait3A_41 = arith.constant 0 : i32
      %dma_wait3A_42 = tpu.memref_slice %arg9[%add3A_24, %dma_wait3A_41] : memref<10240x128xf32, #tpu.memory_space<vmem_shared>> -> memref<128x128xf32, #tpu.memory_space<vmem_shared>>
      tpu.wait_dma2 semaphore(%run_scoped3A : memref<!tpu.dma_semaphore, #tpu.memory_space<semaphore_mem>>) src(%arg8 : memref<128x128xf32, #tpu.memory_space<vmem>>) dst(%dma_wait3A_42 : memref<128x128xf32, #tpu.memory_space<vmem_shared>>)
      tpu.yield
    }) : () -> ()
    %barrier3A = arith.constant 0 : index
    tpu.barrier barrier_id(%barrier3A)
    %scan3A_25 = arith.constant 0 : i32
    %scan3A_26 = arith.constant 0 : i32
    %scan3A_27 = arith.constant 80 : i32
    %scan3A_28 = arith.addi %scan3A_26, %scan3A_27 : i32
    %scan3A_29 = arith.constant 1 : i32
    %scan3A_30 = scf.for %scan3A_37 = %scan3A_26 to %scan3A_28 step %scan3A_29 iter_args(%scan3A_38 = %scan3A_25) -> (i32)  : i32 {
      "tpu.region"() ({
        %run_scoped3A = tpu.sem_alloc : memref<!tpu.dma_semaphore, #tpu.memory_space<semaphore_mem>>
        %dma_start3A_44 = arith.constant 0 : i32
        %dma_start3A_45 = tpu.memref_slice %arg3[%arg0, %arg1, %scan3A_37, %dma_start3A_44] : memref<2x16x80x128xi32, #tpu.memory_space<hbm>> -> memref<1x1x1x128xi32, #tpu.memory_space<hbm>>
        %dma_start3A_46 = tpu.memref_squeeze %dma_start3A_45 : memref<1x1x1x128xi32, #tpu.memory_space<hbm>> -> memref<128xi32, #tpu.memory_space<hbm>>
        %dma_start3A_47 = arith.constant 0 : i32
        %dma_start3A_48 = tpu.memref_slice %arg3[%arg0, %arg1, %scan3A_37, %dma_start3A_47] : memref<2x16x80x128xi32, #tpu.memory_space<hbm>> -> memref<1x1x1x128xi32, #tpu.memory_space<hbm>>
        %dma_start3A_49 = tpu.memref_squeeze %dma_start3A_48 : memref<1x1x1x128xi32, #tpu.memory_space<hbm>> -> memref<128xi32, #tpu.memory_space<hbm>>
        tpu.enqueue_dma source(%dma_start3A_49 : memref<128xi32, #tpu.memory_space<hbm>>) target(%arg6 : memref<128xi32, #tpu.memory_space<vmem>>) target_semaphore(%run_scoped3A : memref<!tpu.dma_semaphore, #tpu.memory_space<semaphore_mem>>)
        %dma_wait3A_50 = arith.constant 0 : i32
        %dma_wait3A_51 = tpu.memref_slice %arg3[%arg0, %arg1, %scan3A_37, %dma_wait3A_50] : memref<2x16x80x128xi32, #tpu.memory_space<hbm>> -> memref<1x1x1x128xi32, #tpu.memory_space<hbm>>
        %dma_wait3A_52 = tpu.memref_squeeze %dma_wait3A_51 : memref<1x1x1x128xi32, #tpu.memory_space<hbm>> -> memref<128xi32, #tpu.memory_space<hbm>>
        %dma_wait3A_53 = arith.constant 0 : i32
        %dma_wait3A_54 = tpu.memref_slice %arg3[%arg0, %arg1, %scan3A_37, %dma_wait3A_53] : memref<2x16x80x128xi32, #tpu.memory_space<hbm>> -> memref<1x1x1x128xi32, #tpu.memory_space<hbm>>
        %dma_wait3A_55 = tpu.memref_squeeze %dma_wait3A_54 : memref<1x1x1x128xi32, #tpu.memory_space<hbm>> -> memref<128xi32, #tpu.memory_space<hbm>>
        tpu.wait_dma2 semaphore(%run_scoped3A : memref<!tpu.dma_semaphore, #tpu.memory_space<semaphore_mem>>) src(%dma_wait3A_55 : memref<128xi32, #tpu.memory_space<hbm>>) dst(%arg6 : memref<128xi32, #tpu.memory_space<vmem>>)
        tpu.yield
      }) : () -> ()
      "tpu.region"() ({
        %run_scoped3A = tpu.sem_alloc : memref<!tpu.dma_semaphore, #tpu.memory_space<semaphore_mem>>
        %dma_start3A_44 = arith.constant 0 : i32
        %dma_start3A_45 = tpu.memref_slice %arg4[%arg0, %arg1, %scan3A_37, %dma_start3A_44] : memref<2x16x80x128xi32, #tpu.memory_space<hbm>> -> memref<1x1x1x128xi32, #tpu.memory_space<hbm>>
        %dma_start3A_46 = tpu.memref_squeeze %dma_start3A_45 : memref<1x1x1x128xi32, #tpu.memory_space<hbm>> -> memref<128xi32, #tpu.memory_space<hbm>>
        %dma_start3A_47 = arith.constant 0 : i32
        %dma_start3A_48 = tpu.memref_slice %arg4[%arg0, %arg1, %scan3A_37, %dma_start3A_47] : memref<2x16x80x128xi32, #tpu.memory_space<hbm>> -> memref<1x1x1x128xi32, #tpu.memory_space<hbm>>
        %dma_start3A_49 = tpu.memref_squeeze %dma_start3A_48 : memref<1x1x1x128xi32, #tpu.memory_space<hbm>> -> memref<128xi32, #tpu.memory_space<hbm>>
        tpu.enqueue_dma source(%dma_start3A_49 : memref<128xi32, #tpu.memory_space<hbm>>) target(%arg7 : memref<128xi32, #tpu.memory_space<vmem>>) target_semaphore(%run_scoped3A : memref<!tpu.dma_semaphore, #tpu.memory_space<semaphore_mem>>)
        %dma_wait3A_50 = arith.constant 0 : i32
        %dma_wait3A_51 = tpu.memref_slice %arg4[%arg0, %arg1, %scan3A_37, %dma_wait3A_50] : memref<2x16x80x128xi32, #tpu.memory_space<hbm>> -> memref<1x1x1x128xi32, #tpu.memory_space<hbm>>
        %dma_wait3A_52 = tpu.memref_squeeze %dma_wait3A_51 : memref<1x1x1x128xi32, #tpu.memory_space<hbm>> -> memref<128xi32, #tpu.memory_space<hbm>>
        %dma_wait3A_53 = arith.constant 0 : i32
        %dma_wait3A_54 = tpu.memref_slice %arg4[%arg0, %arg1, %scan3A_37, %dma_wait3A_53] : memref<2x16x80x128xi32, #tpu.memory_space<hbm>> -> memref<1x1x1x128xi32, #tpu.memory_space<hbm>>
        %dma_wait3A_55 = tpu.memref_squeeze %dma_wait3A_54 : memref<1x1x1x128xi32, #tpu.memory_space<hbm>> -> memref<128xi32, #tpu.memory_space<hbm>>
        tpu.wait_dma2 semaphore(%run_scoped3A : memref<!tpu.dma_semaphore, #tpu.memory_space<semaphore_mem>>) src(%dma_wait3A_55 : memref<128xi32, #tpu.memory_space<hbm>>) dst(%arg7 : memref<128xi32, #tpu.memory_space<vmem>>)
        tpu.yield
      }) : () -> ()
      %dma_start3A = arith.constant 0 : i32
      %dma_start3A_39 = arith.constant 0 : i32
      %dma_start3A_40 = tpu.memref_slice %arg2[%dma_start3A, %dma_start3A_39] : memref<10240x128xf32, #tpu.memory_space<hbm>> -> memref<10240x128xf32, #tpu.memory_space<hbm>>
      tpu.enqueue_indirect_dma source(%dma_start3A_40 : memref<10240x128xf32, #tpu.memory_space<hbm>>) target(%arg8 : memref<128x128xf32, #tpu.memory_space<vmem>>) offsets(%arg6 : memref<128xi32, #tpu.memory_space<vmem>>) semaphore(%arg10 : memref<!tpu.dma_semaphore, #tpu.memory_space<semaphore_mem>>)
      %dma_wait3A = arith.constant 0 : i32
      %dma_wait3A_41 = arith.constant 0 : i32
      %dma_wait3A_42 = tpu.memref_slice %arg2[%dma_wait3A, %dma_wait3A_41] : memref<10240x128xf32, #tpu.memory_space<hbm>> -> memref<10240x128xf32, #tpu.memory_space<hbm>>
      tpu.wait_indirect_dma semaphore(%arg10 : memref<!tpu.dma_semaphore, #tpu.memory_space<semaphore_mem>>) src(%dma_wait3A_42 : memref<10240x128xf32, #tpu.memory_space<hbm>>) dst(%arg8 : memref<128x128xf32, #tpu.memory_space<vmem>>)
      "tpu.region"() ({
        %run_scoped3A = tpu.sem_alloc : memref<!tpu.dma_semaphore, #tpu.memory_space<semaphore_mem>>
        %dma_start3A_44 = arith.constant 0 : i32
        %dma_start3A_45 = arith.constant 0 : i32
        %dma_start3A_46 = tpu.memref_slice %arg9[%dma_start3A_44, %dma_start3A_45] : memref<10240x128xf32, #tpu.memory_space<vmem_shared>> -> memref<10240x128xf32, #tpu.memory_space<vmem_shared>>
        tpu.enqueue_indirect_dma source(%arg8 : memref<128x128xf32, #tpu.memory_space<vmem>>) target(%dma_start3A_46 : memref<10240x128xf32, #tpu.memory_space<vmem_shared>>) offsets(%arg7 : memref<128xi32, #tpu.memory_space<vmem>>) semaphore(%run_scoped3A : memref<!tpu.dma_semaphore, #tpu.memory_space<semaphore_mem>>) {add = true}
        %dma_wait3A_47 = arith.constant 0 : i32
        %dma_wait3A_48 = arith.constant 0 : i32
        %dma_wait3A_49 = tpu.memref_slice %arg9[%dma_wait3A_47, %dma_wait3A_48] : memref<10240x128xf32, #tpu.memory_space<vmem_shared>> -> memref<10240x128xf32, #tpu.memory_space<vmem_shared>>
        tpu.wait_indirect_dma semaphore(%run_scoped3A : memref<!tpu.dma_semaphore, #tpu.memory_space<semaphore_mem>>) src(%arg8 : memref<128x128xf32, #tpu.memory_space<vmem>>) dst(%dma_wait3A_49 : memref<10240x128xf32, #tpu.memory_space<vmem_shared>>)
        tpu.yield
      }) : () -> ()
      %scan3A_43 = arith.constant 0 : i32
      scf.yield %scan3A_43 : i32
    }
    %scan3A_31 = arith.constant 80 : i32
    %barrier3A_32 = arith.constant 0 : index
    tpu.barrier barrier_id(%barrier3A_32)
    %mul3A_33 = arith.constant 640 : i32
    %mul3A_34 = arith.muli %arg1, %mul3A_33 : i32
    %mul3A_35 = arith.constant 640 : i32
    %mul3A_36 = arith.muli %arg1, %mul3A_35 : i32
    "tpu.region"() ({
      %run_scoped3A = tpu.sem_alloc : memref<!tpu.dma_semaphore, #tpu.memory_space<semaphore_mem>>
      %dma_start3A = arith.constant 0 : i32
      %dma_start3A_37 = tpu.memref_slice %arg5[%arg0, %mul3A_36, %dma_start3A] : memref<2x10240x128xf32, #tpu.memory_space<hbm>> -> memref<1x640x128xf32, #tpu.memory_space<hbm>>
      %dma_start3A_38 = tpu.memref_squeeze %dma_start3A_37 : memref<1x640x128xf32, #tpu.memory_space<hbm>> -> memref<640x128xf32, #tpu.memory_space<hbm>>
      %dma_start3A_39 = arith.constant 0 : i32
      %dma_start3A_40 = tpu.memref_slice %arg9[%mul3A_34, %dma_start3A_39] : memref<10240x128xf32, #tpu.memory_space<vmem_shared>> -> memref<640x128xf32, #tpu.memory_space<vmem_shared>>
      tpu.enqueue_dma source(%dma_start3A_40 : memref<640x128xf32, #tpu.memory_space<vmem_shared>>) target(%dma_start3A_38 : memref<640x128xf32, #tpu.memory_space<hbm>>) target_semaphore(%run_scoped3A : memref<!tpu.dma_semaphore, #tpu.memory_space<semaphore_mem>>)
      %dma_wait3A = arith.constant 0 : i32
      %dma_wait3A_41 = tpu.memref_slice %arg5[%arg0, %mul3A_36, %dma_wait3A] : memref<2x10240x128xf32, #tpu.memory_space<hbm>> -> memref<1x640x128xf32, #tpu.memory_space<hbm>>
      %dma_wait3A_42 = tpu.memref_squeeze %dma_wait3A_41 : memref<1x640x128xf32, #tpu.memory_space<hbm>> -> memref<640x128xf32, #tpu.memory_space<hbm>>
      %dma_wait3A_43 = arith.constant 0 : i32
      %dma_wait3A_44 = tpu.memref_slice %arg9[%mul3A_34, %dma_wait3A_43] : memref<10240x128xf32, #tpu.memory_space<vmem_shared>> -> memref<640x128xf32, #tpu.memory_space<vmem_shared>>
      tpu.wait_dma2 semaphore(%run_scoped3A : memref<!tpu.dma_semaphore, #tpu.memory_space<semaphore_mem>>) src(%dma_wait3A_44 : memref<640x128xf32, #tpu.memory_space<vmem_shared>>) dst(%dma_wait3A_42 : memref<640x128xf32, #tpu.memory_space<hbm>>)
      tpu.yield
    }) : () -> ()
    return
  }
}

#map = affine_map<(d0, d1) -> (0, 0)>
#map1 = affine_map<(d0, d1) -> (0, 0, 0, 0)>
#map2 = affine_map<(d0, d1) -> (0, 0, 0)>
module attributes {stable_mosaic.version = 14 : i64} {
  func.func @_p4_body(%arg0: i32, %arg1: i32, %arg2: memref<10240x128xf32, #tpu.memory_space<hbm>>, %arg3: memref<10240x128xf32, #tpu.memory_space<hbm>>, %arg4: memref<2x16x158x64xi32, #tpu.memory_space<hbm>>, %arg5: memref<2x16x158x64xi32, #tpu.memory_space<hbm>>, %arg6: memref<2x10240x128xf32, #tpu.memory_space<hbm>>, %arg7: memref<64xi32, #tpu.memory_space<vmem>>, %arg8: memref<64xi32, #tpu.memory_space<vmem>>, %arg9: memref<64x128xf32, #tpu.memory_space<vmem>>, %arg10: memref<64x128xf32, #tpu.memory_space<vmem>>, %arg11: memref<64x128xf32, #tpu.memory_space<vmem>>, %arg12: memref<10240x128xf32, #tpu.memory_space<vmem_shared>>, %arg13: memref<!tpu.dma_semaphore, #tpu.memory_space<semaphore_mem>>, %arg14: memref<!tpu.dma_semaphore, #tpu.memory_space<semaphore_mem>>) attributes {dimension_semantics = [#tpu.dimension_semantics<core_parallel>, #tpu.dimension_semantics<subcore_parallel>], iteration_bounds = array<i64: 2, 16>, scalar_prefetch = 0 : i64, scratch_operands = 8 : i64, tpu.core_type = #tpu.core_type<sc_vector_subcore>, window_params = [{transform_indices = #map}, {transform_indices = #map}, {transform_indices = #map1}, {transform_indices = #map1}, {transform_indices = #map2}]} {
    %broadcast_in_dim3A = arith.constant 0.000000e+00 : f32
    %broadcast_in_dim3A_0 = vector.broadcast %broadcast_in_dim3A : f32 to vector<16xf32>
    %scan3A = arith.constant 0 : i32
    %scan3A_1 = arith.constant 0 : i32
    %scan3A_2 = arith.constant 64 : i32
    %scan3A_3 = arith.addi %scan3A_1, %scan3A_2 : i32
    %scan3A_4 = arith.constant 1 : i32
    %scan3A_5 = scf.for %scan3A_57 = %scan3A_1 to %scan3A_3 step %scan3A_4 iter_args(%scan3A_58 = %scan3A) -> (i32)  : i32 {
      %swap3A = arith.index_cast %scan3A_57 : i32 to index
      %swap3A_59 = arith.constant 0 : index
      %swap3A_60 = tpu.vector_load %arg11[%swap3A, %swap3A_59] {strides = array<i32>} : memref<64x128xf32, #tpu.memory_space<vmem>>, vector<1x16xf32>,
      %swap3A_61 = vector.shape_cast %swap3A_60 : vector<1x16xf32> to vector<16xf32>
      %swap3A_62 = vector.shape_cast %broadcast_in_dim3A_0 : vector<16xf32> to vector<1x16xf32>
      tpu.vector_store %arg11[%swap3A, %swap3A_59], %swap3A_62 {strides = array<i32>} : memref<64x128xf32, #tpu.memory_space<vmem>>, vector<1x16xf32>,
      %swap3A_63 = arith.index_cast %scan3A_57 : i32 to index
      %swap3A_64 = arith.constant 16 : index
      %swap3A_65 = tpu.vector_load %arg11[%swap3A_63, %swap3A_64] {strides = array<i32>} : memref<64x128xf32, #tpu.memory_space<vmem>>, vector<1x16xf32>,
      %swap3A_66 = vector.shape_cast %swap3A_65 : vector<1x16xf32> to vector<16xf32>
      %swap3A_67 = vector.shape_cast %broadcast_in_dim3A_0 : vector<16xf32> to vector<1x16xf32>
      tpu.vector_store %arg11[%swap3A_63, %swap3A_64], %swap3A_67 {strides = array<i32>} : memref<64x128xf32, #tpu.memory_space<vmem>>, vector<1x16xf32>,
      %swap3A_68 = arith.index_cast %scan3A_57 : i32 to index
      %swap3A_69 = arith.constant 32 : index
      %swap3A_70 = tpu.vector_load %arg11[%swap3A_68, %swap3A_69] {strides = array<i32>} : memref<64x128xf32, #tpu.memory_space<vmem>>, vector<1x16xf32>,
      %swap3A_71 = vector.shape_cast %swap3A_70 : vector<1x16xf32> to vector<16xf32>
      %swap3A_72 = vector.shape_cast %broadcast_in_dim3A_0 : vector<16xf32> to vector<1x16xf32>
      tpu.vector_store %arg11[%swap3A_68, %swap3A_69], %swap3A_72 {strides = array<i32>} : memref<64x128xf32, #tpu.memory_space<vmem>>, vector<1x16xf32>,
      %swap3A_73 = arith.index_cast %scan3A_57 : i32 to index
      %swap3A_74 = arith.constant 48 : index
      %swap3A_75 = tpu.vector_load %arg11[%swap3A_73, %swap3A_74] {strides = array<i32>} : memref<64x128xf32, #tpu.memory_space<vmem>>, vector<1x16xf32>,
      %swap3A_76 = vector.shape_cast %swap3A_75 : vector<1x16xf32> to vector<16xf32>
      %swap3A_77 = vector.shape_cast %broadcast_in_dim3A_0 : vector<16xf32> to vector<1x16xf32>
      tpu.vector_store %arg11[%swap3A_73, %swap3A_74], %swap3A_77 {strides = array<i32>} : memref<64x128xf32, #tpu.memory_space<vmem>>, vector<1x16xf32>,
      %swap3A_78 = arith.index_cast %scan3A_57 : i32 to index
      %swap3A_79 = arith.constant 64 : index
      %swap3A_80 = tpu.vector_load %arg11[%swap3A_78, %swap3A_79] {strides = array<i32>} : memref<64x128xf32, #tpu.memory_space<vmem>>, vector<1x16xf32>,
      %swap3A_81 = vector.shape_cast %swap3A_80 : vector<1x16xf32> to vector<16xf32>
      %swap3A_82 = vector.shape_cast %broadcast_in_dim3A_0 : vector<16xf32> to vector<1x16xf32>
      tpu.vector_store %arg11[%swap3A_78, %swap3A_79], %swap3A_82 {strides = array<i32>} : memref<64x128xf32, #tpu.memory_space<vmem>>, vector<1x16xf32>,
      %swap3A_83 = arith.index_cast %scan3A_57 : i32 to index
      %swap3A_84 = arith.constant 80 : index
      %swap3A_85 = tpu.vector_load %arg11[%swap3A_83, %swap3A_84] {strides = array<i32>} : memref<64x128xf32, #tpu.memory_space<vmem>>, vector<1x16xf32>,
      %swap3A_86 = vector.shape_cast %swap3A_85 : vector<1x16xf32> to vector<16xf32>
      %swap3A_87 = vector.shape_cast %broadcast_in_dim3A_0 : vector<16xf32> to vector<1x16xf32>
      tpu.vector_store %arg11[%swap3A_83, %swap3A_84], %swap3A_87 {strides = array<i32>} : memref<64x128xf32, #tpu.memory_space<vmem>>, vector<1x16xf32>,
      %swap3A_88 = arith.index_cast %scan3A_57 : i32 to index
      %swap3A_89 = arith.constant 96 : index
      %swap3A_90 = tpu.vector_load %arg11[%swap3A_88, %swap3A_89] {strides = array<i32>} : memref<64x128xf32, #tpu.memory_space<vmem>>, vector<1x16xf32>,
      %swap3A_91 = vector.shape_cast %swap3A_90 : vector<1x16xf32> to vector<16xf32>
      %swap3A_92 = vector.shape_cast %broadcast_in_dim3A_0 : vector<16xf32> to vector<1x16xf32>
      tpu.vector_store %arg11[%swap3A_88, %swap3A_89], %swap3A_92 {strides = array<i32>} : memref<64x128xf32, #tpu.memory_space<vmem>>, vector<1x16xf32>,
      %swap3A_93 = arith.index_cast %scan3A_57 : i32 to index
      %swap3A_94 = arith.constant 112 : index
      %swap3A_95 = tpu.vector_load %arg11[%swap3A_93, %swap3A_94] {strides = array<i32>} : memref<64x128xf32, #tpu.memory_space<vmem>>, vector<1x16xf32>,
      %swap3A_96 = vector.shape_cast %swap3A_95 : vector<1x16xf32> to vector<16xf32>
      %swap3A_97 = vector.shape_cast %broadcast_in_dim3A_0 : vector<16xf32> to vector<1x16xf32>
      tpu.vector_store %arg11[%swap3A_93, %swap3A_94], %swap3A_97 {strides = array<i32>} : memref<64x128xf32, #tpu.memory_space<vmem>>, vector<1x16xf32>,
      %scan3A_98 = arith.constant 0 : i32
      scf.yield %scan3A_98 : i32
    }
    %scan3A_6 = arith.constant 64 : i32
    %mul3A = arith.constant 640 : i32
    %mul3A_7 = arith.muli %arg1, %mul3A : i32
    %add3A = arith.constant 0 : i32
    %add3A_8 = arith.addi %mul3A_7, %add3A : i32
    "tpu.region"() ({
      %run_scoped3A = tpu.sem_alloc : memref<!tpu.dma_semaphore, #tpu.memory_space<semaphore_mem>>
      %dma_start3A = arith.constant 0 : i32
      %dma_start3A_57 = tpu.memref_slice %arg12[%add3A_8, %dma_start3A] : memref<10240x128xf32, #tpu.memory_space<vmem_shared>> -> memref<64x128xf32, #tpu.memory_space<vmem_shared>>
      %dma_start3A_58 = arith.constant 0 : i32
      %dma_start3A_59 = tpu.memref_slice %arg12[%add3A_8, %dma_start3A_58] : memref<10240x128xf32, #tpu.memory_space<vmem_shared>> -> memref<64x128xf32, #tpu.memory_space<vmem_shared>>
      tpu.enqueue_dma source(%arg11 : memref<64x128xf32, #tpu.memory_space<vmem>>) target(%dma_start3A_59 : memref<64x128xf32, #tpu.memory_space<vmem_shared>>) target_semaphore(%run_scoped3A : memref<!tpu.dma_semaphore, #tpu.memory_space<semaphore_mem>>)
      %dma_wait3A = arith.constant 0 : i32
      %dma_wait3A_60 = tpu.memref_slice %arg12[%add3A_8, %dma_wait3A] : memref<10240x128xf32, #tpu.memory_space<vmem_shared>> -> memref<64x128xf32, #tpu.memory_space<vmem_shared>>
      %dma_wait3A_61 = arith.constant 0 : i32
      %dma_wait3A_62 = tpu.memref_slice %arg12[%add3A_8, %dma_wait3A_61] : memref<10240x128xf32, #tpu.memory_space<vmem_shared>> -> memref<64x128xf32, #tpu.memory_space<vmem_shared>>
      tpu.wait_dma2 semaphore(%run_scoped3A : memref<!tpu.dma_semaphore, #tpu.memory_space<semaphore_mem>>) src(%arg11 : memref<64x128xf32, #tpu.memory_space<vmem>>) dst(%dma_wait3A_62 : memref<64x128xf32, #tpu.memory_space<vmem_shared>>)
      tpu.yield
    }) : () -> ()
    %mul3A_9 = arith.constant 640 : i32
    %mul3A_10 = arith.muli %arg1, %mul3A_9 : i32
    %add3A_11 = arith.constant 64 : i32
    %add3A_12 = arith.addi %mul3A_10, %add3A_11 : i32
    "tpu.region"() ({
      %run_scoped3A = tpu.sem_alloc : memref<!tpu.dma_semaphore, #tpu.memory_space<semaphore_mem>>
      %dma_start3A = arith.constant 0 : i32
      %dma_start3A_57 = tpu.memref_slice %arg12[%add3A_12, %dma_start3A] : memref<10240x128xf32, #tpu.memory_space<vmem_shared>> -> memref<64x128xf32, #tpu.memory_space<vmem_shared>>
      %dma_start3A_58 = arith.constant 0 : i32
      %dma_start3A_59 = tpu.memref_slice %arg12[%add3A_12, %dma_start3A_58] : memref<10240x128xf32, #tpu.memory_space<vmem_shared>> -> memref<64x128xf32, #tpu.memory_space<vmem_shared>>
      tpu.enqueue_dma source(%arg11 : memref<64x128xf32, #tpu.memory_space<vmem>>) target(%dma_start3A_59 : memref<64x128xf32, #tpu.memory_space<vmem_shared>>) target_semaphore(%run_scoped3A : memref<!tpu.dma_semaphore, #tpu.memory_space<semaphore_mem>>)
      %dma_wait3A = arith.constant 0 : i32
      %dma_wait3A_60 = tpu.memref_slice %arg12[%add3A_12, %dma_wait3A] : memref<10240x128xf32, #tpu.memory_space<vmem_shared>> -> memref<64x128xf32, #tpu.memory_space<vmem_shared>>
      %dma_wait3A_61 = arith.constant 0 : i32
      %dma_wait3A_62 = tpu.memref_slice %arg12[%add3A_12, %dma_wait3A_61] : memref<10240x128xf32, #tpu.memory_space<vmem_shared>> -> memref<64x128xf32, #tpu.memory_space<vmem_shared>>
      tpu.wait_dma2 semaphore(%run_scoped3A : memref<!tpu.dma_semaphore, #tpu.memory_space<semaphore_mem>>) src(%arg11 : memref<64x128xf32, #tpu.memory_space<vmem>>) dst(%dma_wait3A_62 : memref<64x128xf32, #tpu.memory_space<vmem_shared>>)
      tpu.yield
    }) : () -> ()
    %mul3A_13 = arith.constant 640 : i32
    %mul3A_14 = arith.muli %arg1, %mul3A_13 : i32
    %add3A_15 = arith.constant 128 : i32
    %add3A_16 = arith.addi %mul3A_14, %add3A_15 : i32
    "tpu.region"() ({
      %run_scoped3A = tpu.sem_alloc : memref<!tpu.dma_semaphore, #tpu.memory_space<semaphore_mem>>
      %dma_start3A = arith.constant 0 : i32
      %dma_start3A_57 = tpu.memref_slice %arg12[%add3A_16, %dma_start3A] : memref<10240x128xf32, #tpu.memory_space<vmem_shared>> -> memref<64x128xf32, #tpu.memory_space<vmem_shared>>
      %dma_start3A_58 = arith.constant 0 : i32
      %dma_start3A_59 = tpu.memref_slice %arg12[%add3A_16, %dma_start3A_58] : memref<10240x128xf32, #tpu.memory_space<vmem_shared>> -> memref<64x128xf32, #tpu.memory_space<vmem_shared>>
      tpu.enqueue_dma source(%arg11 : memref<64x128xf32, #tpu.memory_space<vmem>>) target(%dma_start3A_59 : memref<64x128xf32, #tpu.memory_space<vmem_shared>>) target_semaphore(%run_scoped3A : memref<!tpu.dma_semaphore, #tpu.memory_space<semaphore_mem>>)
      %dma_wait3A = arith.constant 0 : i32
      %dma_wait3A_60 = tpu.memref_slice %arg12[%add3A_16, %dma_wait3A] : memref<10240x128xf32, #tpu.memory_space<vmem_shared>> -> memref<64x128xf32, #tpu.memory_space<vmem_shared>>
      %dma_wait3A_61 = arith.constant 0 : i32
      %dma_wait3A_62 = tpu.memref_slice %arg12[%add3A_16, %dma_wait3A_61] : memref<10240x128xf32, #tpu.memory_space<vmem_shared>> -> memref<64x128xf32, #tpu.memory_space<vmem_shared>>
      tpu.wait_dma2 semaphore(%run_scoped3A : memref<!tpu.dma_semaphore, #tpu.memory_space<semaphore_mem>>) src(%arg11 : memref<64x128xf32, #tpu.memory_space<vmem>>) dst(%dma_wait3A_62 : memref<64x128xf32, #tpu.memory_space<vmem_shared>>)
      tpu.yield
    }) : () -> ()
    %mul3A_17 = arith.constant 640 : i32
    %mul3A_18 = arith.muli %arg1, %mul3A_17 : i32
    %add3A_19 = arith.constant 192 : i32
    %add3A_20 = arith.addi %mul3A_18, %add3A_19 : i32
    "tpu.region"() ({
      %run_scoped3A = tpu.sem_alloc : memref<!tpu.dma_semaphore, #tpu.memory_space<semaphore_mem>>
      %dma_start3A = arith.constant 0 : i32
      %dma_start3A_57 = tpu.memref_slice %arg12[%add3A_20, %dma_start3A] : memref<10240x128xf32, #tpu.memory_space<vmem_shared>> -> memref<64x128xf32, #tpu.memory_space<vmem_shared>>
      %dma_start3A_58 = arith.constant 0 : i32
      %dma_start3A_59 = tpu.memref_slice %arg12[%add3A_20, %dma_start3A_58] : memref<10240x128xf32, #tpu.memory_space<vmem_shared>> -> memref<64x128xf32, #tpu.memory_space<vmem_shared>>
      tpu.enqueue_dma source(%arg11 : memref<64x128xf32, #tpu.memory_space<vmem>>) target(%dma_start3A_59 : memref<64x128xf32, #tpu.memory_space<vmem_shared>>) target_semaphore(%run_scoped3A : memref<!tpu.dma_semaphore, #tpu.memory_space<semaphore_mem>>)
      %dma_wait3A = arith.constant 0 : i32
      %dma_wait3A_60 = tpu.memref_slice %arg12[%add3A_20, %dma_wait3A] : memref<10240x128xf32, #tpu.memory_space<vmem_shared>> -> memref<64x128xf32, #tpu.memory_space<vmem_shared>>
      %dma_wait3A_61 = arith.constant 0 : i32
      %dma_wait3A_62 = tpu.memref_slice %arg12[%add3A_20, %dma_wait3A_61] : memref<10240x128xf32, #tpu.memory_space<vmem_shared>> -> memref<64x128xf32, #tpu.memory_space<vmem_shared>>
      tpu.wait_dma2 semaphore(%run_scoped3A : memref<!tpu.dma_semaphore, #tpu.memory_space<semaphore_mem>>) src(%arg11 : memref<64x128xf32, #tpu.memory_space<vmem>>) dst(%dma_wait3A_62 : memref<64x128xf32, #tpu.memory_space<vmem_shared>>)
      tpu.yield
    }) : () -> ()
    %mul3A_21 = arith.constant 640 : i32
    %mul3A_22 = arith.muli %arg1, %mul3A_21 : i32
    %add3A_23 = arith.constant 256 : i32
    %add3A_24 = arith.addi %mul3A_22, %add3A_23 : i32
    "tpu.region"() ({
      %run_scoped3A = tpu.sem_alloc : memref<!tpu.dma_semaphore, #tpu.memory_space<semaphore_mem>>
      %dma_start3A = arith.constant 0 : i32
      %dma_start3A_57 = tpu.memref_slice %arg12[%add3A_24, %dma_start3A] : memref<10240x128xf32, #tpu.memory_space<vmem_shared>> -> memref<64x128xf32, #tpu.memory_space<vmem_shared>>
      %dma_start3A_58 = arith.constant 0 : i32
      %dma_start3A_59 = tpu.memref_slice %arg12[%add3A_24, %dma_start3A_58] : memref<10240x128xf32, #tpu.memory_space<vmem_shared>> -> memref<64x128xf32, #tpu.memory_space<vmem_shared>>
      tpu.enqueue_dma source(%arg11 : memref<64x128xf32, #tpu.memory_space<vmem>>) target(%dma_start3A_59 : memref<64x128xf32, #tpu.memory_space<vmem_shared>>) target_semaphore(%run_scoped3A : memref<!tpu.dma_semaphore, #tpu.memory_space<semaphore_mem>>)
      %dma_wait3A = arith.constant 0 : i32
      %dma_wait3A_60 = tpu.memref_slice %arg12[%add3A_24, %dma_wait3A] : memref<10240x128xf32, #tpu.memory_space<vmem_shared>> -> memref<64x128xf32, #tpu.memory_space<vmem_shared>>
      %dma_wait3A_61 = arith.constant 0 : i32
      %dma_wait3A_62 = tpu.memref_slice %arg12[%add3A_24, %dma_wait3A_61] : memref<10240x128xf32, #tpu.memory_space<vmem_shared>> -> memref<64x128xf32, #tpu.memory_space<vmem_shared>>
      tpu.wait_dma2 semaphore(%run_scoped3A : memref<!tpu.dma_semaphore, #tpu.memory_space<semaphore_mem>>) src(%arg11 : memref<64x128xf32, #tpu.memory_space<vmem>>) dst(%dma_wait3A_62 : memref<64x128xf32, #tpu.memory_space<vmem_shared>>)
      tpu.yield
    }) : () -> ()
    %mul3A_25 = arith.constant 640 : i32
    %mul3A_26 = arith.muli %arg1, %mul3A_25 : i32
    %add3A_27 = arith.constant 320 : i32
    %add3A_28 = arith.addi %mul3A_26, %add3A_27 : i32
    "tpu.region"() ({
      %run_scoped3A = tpu.sem_alloc : memref<!tpu.dma_semaphore, #tpu.memory_space<semaphore_mem>>
      %dma_start3A = arith.constant 0 : i32
      %dma_start3A_57 = tpu.memref_slice %arg12[%add3A_28, %dma_start3A] : memref<10240x128xf32, #tpu.memory_space<vmem_shared>> -> memref<64x128xf32, #tpu.memory_space<vmem_shared>>
      %dma_start3A_58 = arith.constant 0 : i32
      %dma_start3A_59 = tpu.memref_slice %arg12[%add3A_28, %dma_start3A_58] : memref<10240x128xf32, #tpu.memory_space<vmem_shared>> -> memref<64x128xf32, #tpu.memory_space<vmem_shared>>
      tpu.enqueue_dma source(%arg11 : memref<64x128xf32, #tpu.memory_space<vmem>>) target(%dma_start3A_59 : memref<64x128xf32, #tpu.memory_space<vmem_shared>>) target_semaphore(%run_scoped3A : memref<!tpu.dma_semaphore, #tpu.memory_space<semaphore_mem>>)
      %dma_wait3A = arith.constant 0 : i32
      %dma_wait3A_60 = tpu.memref_slice %arg12[%add3A_28, %dma_wait3A] : memref<10240x128xf32, #tpu.memory_space<vmem_shared>> -> memref<64x128xf32, #tpu.memory_space<vmem_shared>>
      %dma_wait3A_61 = arith.constant 0 : i32
      %dma_wait3A_62 = tpu.memref_slice %arg12[%add3A_28, %dma_wait3A_61] : memref<10240x128xf32, #tpu.memory_space<vmem_shared>> -> memref<64x128xf32, #tpu.memory_space<vmem_shared>>
      tpu.wait_dma2 semaphore(%run_scoped3A : memref<!tpu.dma_semaphore, #tpu.memory_space<semaphore_mem>>) src(%arg11 : memref<64x128xf32, #tpu.memory_space<vmem>>) dst(%dma_wait3A_62 : memref<64x128xf32, #tpu.memory_space<vmem_shared>>)
      tpu.yield
    }) : () -> ()
    %mul3A_29 = arith.constant 640 : i32
    %mul3A_30 = arith.muli %arg1, %mul3A_29 : i32
    %add3A_31 = arith.constant 384 : i32
    %add3A_32 = arith.addi %mul3A_30, %add3A_31 : i32
    "tpu.region"() ({
      %run_scoped3A = tpu.sem_alloc : memref<!tpu.dma_semaphore, #tpu.memory_space<semaphore_mem>>
      %dma_start3A = arith.constant 0 : i32
      %dma_start3A_57 = tpu.memref_slice %arg12[%add3A_32, %dma_start3A] : memref<10240x128xf32, #tpu.memory_space<vmem_shared>> -> memref<64x128xf32, #tpu.memory_space<vmem_shared>>
      %dma_start3A_58 = arith.constant 0 : i32
      %dma_start3A_59 = tpu.memref_slice %arg12[%add3A_32, %dma_start3A_58] : memref<10240x128xf32, #tpu.memory_space<vmem_shared>> -> memref<64x128xf32, #tpu.memory_space<vmem_shared>>
      tpu.enqueue_dma source(%arg11 : memref<64x128xf32, #tpu.memory_space<vmem>>) target(%dma_start3A_59 : memref<64x128xf32, #tpu.memory_space<vmem_shared>>) target_semaphore(%run_scoped3A : memref<!tpu.dma_semaphore, #tpu.memory_space<semaphore_mem>>)
      %dma_wait3A = arith.constant 0 : i32
      %dma_wait3A_60 = tpu.memref_slice %arg12[%add3A_32, %dma_wait3A] : memref<10240x128xf32, #tpu.memory_space<vmem_shared>> -> memref<64x128xf32, #tpu.memory_space<vmem_shared>>
      %dma_wait3A_61 = arith.constant 0 : i32
      %dma_wait3A_62 = tpu.memref_slice %arg12[%add3A_32, %dma_wait3A_61] : memref<10240x128xf32, #tpu.memory_space<vmem_shared>> -> memref<64x128xf32, #tpu.memory_space<vmem_shared>>
      tpu.wait_dma2 semaphore(%run_scoped3A : memref<!tpu.dma_semaphore, #tpu.memory_space<semaphore_mem>>) src(%arg11 : memref<64x128xf32, #tpu.memory_space<vmem>>) dst(%dma_wait3A_62 : memref<64x128xf32, #tpu.memory_space<vmem_shared>>)
      tpu.yield
    }) : () -> ()
    %mul3A_33 = arith.constant 640 : i32
    %mul3A_34 = arith.muli %arg1, %mul3A_33 : i32
    %add3A_35 = arith.constant 448 : i32
    %add3A_36 = arith.addi %mul3A_34, %add3A_35 : i32
    "tpu.region"() ({
      %run_scoped3A = tpu.sem_alloc : memref<!tpu.dma_semaphore, #tpu.memory_space<semaphore_mem>>
      %dma_start3A = arith.constant 0 : i32
      %dma_start3A_57 = tpu.memref_slice %arg12[%add3A_36, %dma_start3A] : memref<10240x128xf32, #tpu.memory_space<vmem_shared>> -> memref<64x128xf32, #tpu.memory_space<vmem_shared>>
      %dma_start3A_58 = arith.constant 0 : i32
      %dma_start3A_59 = tpu.memref_slice %arg12[%add3A_36, %dma_start3A_58] : memref<10240x128xf32, #tpu.memory_space<vmem_shared>> -> memref<64x128xf32, #tpu.memory_space<vmem_shared>>
      tpu.enqueue_dma source(%arg11 : memref<64x128xf32, #tpu.memory_space<vmem>>) target(%dma_start3A_59 : memref<64x128xf32, #tpu.memory_space<vmem_shared>>) target_semaphore(%run_scoped3A : memref<!tpu.dma_semaphore, #tpu.memory_space<semaphore_mem>>)
      %dma_wait3A = arith.constant 0 : i32
      %dma_wait3A_60 = tpu.memref_slice %arg12[%add3A_36, %dma_wait3A] : memref<10240x128xf32, #tpu.memory_space<vmem_shared>> -> memref<64x128xf32, #tpu.memory_space<vmem_shared>>
      %dma_wait3A_61 = arith.constant 0 : i32
      %dma_wait3A_62 = tpu.memref_slice %arg12[%add3A_36, %dma_wait3A_61] : memref<10240x128xf32, #tpu.memory_space<vmem_shared>> -> memref<64x128xf32, #tpu.memory_space<vmem_shared>>
      tpu.wait_dma2 semaphore(%run_scoped3A : memref<!tpu.dma_semaphore, #tpu.memory_space<semaphore_mem>>) src(%arg11 : memref<64x128xf32, #tpu.memory_space<vmem>>) dst(%dma_wait3A_62 : memref<64x128xf32, #tpu.memory_space<vmem_shared>>)
      tpu.yield
    }) : () -> ()
    %mul3A_37 = arith.constant 640 : i32
    %mul3A_38 = arith.muli %arg1, %mul3A_37 : i32
    %add3A_39 = arith.constant 512 : i32
    %add3A_40 = arith.addi %mul3A_38, %add3A_39 : i32
    "tpu.region"() ({
      %run_scoped3A = tpu.sem_alloc : memref<!tpu.dma_semaphore, #tpu.memory_space<semaphore_mem>>
      %dma_start3A = arith.constant 0 : i32
      %dma_start3A_57 = tpu.memref_slice %arg12[%add3A_40, %dma_start3A] : memref<10240x128xf32, #tpu.memory_space<vmem_shared>> -> memref<64x128xf32, #tpu.memory_space<vmem_shared>>
      %dma_start3A_58 = arith.constant 0 : i32
      %dma_start3A_59 = tpu.memref_slice %arg12[%add3A_40, %dma_start3A_58] : memref<10240x128xf32, #tpu.memory_space<vmem_shared>> -> memref<64x128xf32, #tpu.memory_space<vmem_shared>>
      tpu.enqueue_dma source(%arg11 : memref<64x128xf32, #tpu.memory_space<vmem>>) target(%dma_start3A_59 : memref<64x128xf32, #tpu.memory_space<vmem_shared>>) target_semaphore(%run_scoped3A : memref<!tpu.dma_semaphore, #tpu.memory_space<semaphore_mem>>)
      %dma_wait3A = arith.constant 0 : i32
      %dma_wait3A_60 = tpu.memref_slice %arg12[%add3A_40, %dma_wait3A] : memref<10240x128xf32, #tpu.memory_space<vmem_shared>> -> memref<64x128xf32, #tpu.memory_space<vmem_shared>>
      %dma_wait3A_61 = arith.constant 0 : i32
      %dma_wait3A_62 = tpu.memref_slice %arg12[%add3A_40, %dma_wait3A_61] : memref<10240x128xf32, #tpu.memory_space<vmem_shared>> -> memref<64x128xf32, #tpu.memory_space<vmem_shared>>
      tpu.wait_dma2 semaphore(%run_scoped3A : memref<!tpu.dma_semaphore, #tpu.memory_space<semaphore_mem>>) src(%arg11 : memref<64x128xf32, #tpu.memory_space<vmem>>) dst(%dma_wait3A_62 : memref<64x128xf32, #tpu.memory_space<vmem_shared>>)
      tpu.yield
    }) : () -> ()
    %mul3A_41 = arith.constant 640 : i32
    %mul3A_42 = arith.muli %arg1, %mul3A_41 : i32
    %add3A_43 = arith.constant 576 : i32
    %add3A_44 = arith.addi %mul3A_42, %add3A_43 : i32
    "tpu.region"() ({
      %run_scoped3A = tpu.sem_alloc : memref<!tpu.dma_semaphore, #tpu.memory_space<semaphore_mem>>
      %dma_start3A = arith.constant 0 : i32
      %dma_start3A_57 = tpu.memref_slice %arg12[%add3A_44, %dma_start3A] : memref<10240x128xf32, #tpu.memory_space<vmem_shared>> -> memref<64x128xf32, #tpu.memory_space<vmem_shared>>
      %dma_start3A_58 = arith.constant 0 : i32
      %dma_start3A_59 = tpu.memref_slice %arg12[%add3A_44, %dma_start3A_58] : memref<10240x128xf32, #tpu.memory_space<vmem_shared>> -> memref<64x128xf32, #tpu.memory_space<vmem_shared>>
      tpu.enqueue_dma source(%arg11 : memref<64x128xf32, #tpu.memory_space<vmem>>) target(%dma_start3A_59 : memref<64x128xf32, #tpu.memory_space<vmem_shared>>) target_semaphore(%run_scoped3A : memref<!tpu.dma_semaphore, #tpu.memory_space<semaphore_mem>>)
      %dma_wait3A = arith.constant 0 : i32
      %dma_wait3A_60 = tpu.memref_slice %arg12[%add3A_44, %dma_wait3A] : memref<10240x128xf32, #tpu.memory_space<vmem_shared>> -> memref<64x128xf32, #tpu.memory_space<vmem_shared>>
      %dma_wait3A_61 = arith.constant 0 : i32
      %dma_wait3A_62 = tpu.memref_slice %arg12[%add3A_44, %dma_wait3A_61] : memref<10240x128xf32, #tpu.memory_space<vmem_shared>> -> memref<64x128xf32, #tpu.memory_space<vmem_shared>>
      tpu.wait_dma2 semaphore(%run_scoped3A : memref<!tpu.dma_semaphore, #tpu.memory_space<semaphore_mem>>) src(%arg11 : memref<64x128xf32, #tpu.memory_space<vmem>>) dst(%dma_wait3A_62 : memref<64x128xf32, #tpu.memory_space<vmem_shared>>)
      tpu.yield
    }) : () -> ()
    %barrier3A = arith.constant 0 : index
    tpu.barrier barrier_id(%barrier3A)
    %scan3A_45 = arith.constant 0 : i32
    %scan3A_46 = arith.constant 0 : i32
    %scan3A_47 = arith.constant 158 : i32
    %scan3A_48 = arith.addi %scan3A_46, %scan3A_47 : i32
    %scan3A_49 = arith.constant 1 : i32
    %scan3A_50 = scf.for %scan3A_57 = %scan3A_46 to %scan3A_48 step %scan3A_49 iter_args(%scan3A_58 = %scan3A_45) -> (i32)  : i32 {
      "tpu.region"() ({
        %run_scoped3A = tpu.sem_alloc : memref<!tpu.dma_semaphore, #tpu.memory_space<semaphore_mem>>
        %dma_start3A_77 = arith.constant 0 : i32
        %dma_start3A_78 = tpu.memref_slice %arg4[%arg0, %arg1, %scan3A_57, %dma_start3A_77] : memref<2x16x158x64xi32, #tpu.memory_space<hbm>> -> memref<1x1x1x64xi32, #tpu.memory_space<hbm>>
        %dma_start3A_79 = tpu.memref_squeeze %dma_start3A_78 : memref<1x1x1x64xi32, #tpu.memory_space<hbm>> -> memref<64xi32, #tpu.memory_space<hbm>>
        %dma_start3A_80 = arith.constant 0 : i32
        %dma_start3A_81 = tpu.memref_slice %arg4[%arg0, %arg1, %scan3A_57, %dma_start3A_80] : memref<2x16x158x64xi32, #tpu.memory_space<hbm>> -> memref<1x1x1x64xi32, #tpu.memory_space<hbm>>
        %dma_start3A_82 = tpu.memref_squeeze %dma_start3A_81 : memref<1x1x1x64xi32, #tpu.memory_space<hbm>> -> memref<64xi32, #tpu.memory_space<hbm>>
        tpu.enqueue_dma source(%dma_start3A_82 : memref<64xi32, #tpu.memory_space<hbm>>) target(%arg7 : memref<64xi32, #tpu.memory_space<vmem>>) target_semaphore(%run_scoped3A : memref<!tpu.dma_semaphore, #tpu.memory_space<semaphore_mem>>)
        %dma_wait3A_83 = arith.constant 0 : i32
        %dma_wait3A_84 = tpu.memref_slice %arg4[%arg0, %arg1, %scan3A_57, %dma_wait3A_83] : memref<2x16x158x64xi32, #tpu.memory_space<hbm>> -> memref<1x1x1x64xi32, #tpu.memory_space<hbm>>
        %dma_wait3A_85 = tpu.memref_squeeze %dma_wait3A_84 : memref<1x1x1x64xi32, #tpu.memory_space<hbm>> -> memref<64xi32, #tpu.memory_space<hbm>>
        %dma_wait3A_86 = arith.constant 0 : i32
        %dma_wait3A_87 = tpu.memref_slice %arg4[%arg0, %arg1, %scan3A_57, %dma_wait3A_86] : memref<2x16x158x64xi32, #tpu.memory_space<hbm>> -> memref<1x1x1x64xi32, #tpu.memory_space<hbm>>
        %dma_wait3A_88 = tpu.memref_squeeze %dma_wait3A_87 : memref<1x1x1x64xi32, #tpu.memory_space<hbm>> -> memref<64xi32, #tpu.memory_space<hbm>>
        tpu.wait_dma2 semaphore(%run_scoped3A : memref<!tpu.dma_semaphore, #tpu.memory_space<semaphore_mem>>) src(%dma_wait3A_88 : memref<64xi32, #tpu.memory_space<hbm>>) dst(%arg7 : memref<64xi32, #tpu.memory_space<vmem>>)
        tpu.yield
      }) : () -> ()
      "tpu.region"() ({
        %run_scoped3A = tpu.sem_alloc : memref<!tpu.dma_semaphore, #tpu.memory_space<semaphore_mem>>
        %dma_start3A_77 = arith.constant 0 : i32
        %dma_start3A_78 = tpu.memref_slice %arg5[%arg0, %arg1, %scan3A_57, %dma_start3A_77] : memref<2x16x158x64xi32, #tpu.memory_space<hbm>> -> memref<1x1x1x64xi32, #tpu.memory_space<hbm>>
        %dma_start3A_79 = tpu.memref_squeeze %dma_start3A_78 : memref<1x1x1x64xi32, #tpu.memory_space<hbm>> -> memref<64xi32, #tpu.memory_space<hbm>>
        %dma_start3A_80 = arith.constant 0 : i32
        %dma_start3A_81 = tpu.memref_slice %arg5[%arg0, %arg1, %scan3A_57, %dma_start3A_80] : memref<2x16x158x64xi32, #tpu.memory_space<hbm>> -> memref<1x1x1x64xi32, #tpu.memory_space<hbm>>
        %dma_start3A_82 = tpu.memref_squeeze %dma_start3A_81 : memref<1x1x1x64xi32, #tpu.memory_space<hbm>> -> memref<64xi32, #tpu.memory_space<hbm>>
        tpu.enqueue_dma source(%dma_start3A_82 : memref<64xi32, #tpu.memory_space<hbm>>) target(%arg8 : memref<64xi32, #tpu.memory_space<vmem>>) target_semaphore(%run_scoped3A : memref<!tpu.dma_semaphore, #tpu.memory_space<semaphore_mem>>)
        %dma_wait3A_83 = arith.constant 0 : i32
        %dma_wait3A_84 = tpu.memref_slice %arg5[%arg0, %arg1, %scan3A_57, %dma_wait3A_83] : memref<2x16x158x64xi32, #tpu.memory_space<hbm>> -> memref<1x1x1x64xi32, #tpu.memory_space<hbm>>
        %dma_wait3A_85 = tpu.memref_squeeze %dma_wait3A_84 : memref<1x1x1x64xi32, #tpu.memory_space<hbm>> -> memref<64xi32, #tpu.memory_space<hbm>>
        %dma_wait3A_86 = arith.constant 0 : i32
        %dma_wait3A_87 = tpu.memref_slice %arg5[%arg0, %arg1, %scan3A_57, %dma_wait3A_86] : memref<2x16x158x64xi32, #tpu.memory_space<hbm>> -> memref<1x1x1x64xi32, #tpu.memory_space<hbm>>
        %dma_wait3A_88 = tpu.memref_squeeze %dma_wait3A_87 : memref<1x1x1x64xi32, #tpu.memory_space<hbm>> -> memref<64xi32, #tpu.memory_space<hbm>>
        tpu.wait_dma2 semaphore(%run_scoped3A : memref<!tpu.dma_semaphore, #tpu.memory_space<semaphore_mem>>) src(%dma_wait3A_88 : memref<64xi32, #tpu.memory_space<hbm>>) dst(%arg8 : memref<64xi32, #tpu.memory_space<vmem>>)
        tpu.yield
      }) : () -> ()
      %dma_start3A = arith.constant 0 : i32
      %dma_start3A_59 = arith.constant 0 : i32
      %dma_start3A_60 = tpu.memref_slice %arg2[%dma_start3A, %dma_start3A_59] : memref<10240x128xf32, #tpu.memory_space<hbm>> -> memref<10240x128xf32, #tpu.memory_space<hbm>>
      tpu.enqueue_indirect_dma source(%dma_start3A_60 : memref<10240x128xf32, #tpu.memory_space<hbm>>) target(%arg9 : memref<64x128xf32, #tpu.memory_space<vmem>>) offsets(%arg7 : memref<64xi32, #tpu.memory_space<vmem>>) semaphore(%arg13 : memref<!tpu.dma_semaphore, #tpu.memory_space<semaphore_mem>>)
      %dma_start3A_61 = arith.constant 0 : i32
      %dma_start3A_62 = arith.constant 0 : i32
      %dma_start3A_63 = tpu.memref_slice %arg3[%dma_start3A_61, %dma_start3A_62] : memref<10240x128xf32, #tpu.memory_space<hbm>> -> memref<10240x128xf32, #tpu.memory_space<hbm>>
      tpu.enqueue_indirect_dma source(%dma_start3A_63 : memref<10240x128xf32, #tpu.memory_space<hbm>>) target(%arg10 : memref<64x128xf32, #tpu.memory_space<vmem>>) offsets(%arg8 : memref<64xi32, #tpu.memory_space<vmem>>) semaphore(%arg14 : memref<!tpu.dma_semaphore, #tpu.memory_space<semaphore_mem>>)
      %dma_wait3A = arith.constant 0 : i32
      %dma_wait3A_64 = arith.constant 0 : i32
      %dma_wait3A_65 = tpu.memref_slice %arg2[%dma_wait3A, %dma_wait3A_64] : memref<10240x128xf32, #tpu.memory_space<hbm>> -> memref<10240x128xf32, #tpu.memory_space<hbm>>
      tpu.wait_indirect_dma semaphore(%arg13 : memref<!tpu.dma_semaphore, #tpu.memory_space<semaphore_mem>>) src(%dma_wait3A_65 : memref<10240x128xf32, #tpu.memory_space<hbm>>) dst(%arg9 : memref<64x128xf32, #tpu.memory_space<vmem>>)
      %dma_wait3A_66 = arith.constant 0 : i32
      %dma_wait3A_67 = arith.constant 0 : i32
      %dma_wait3A_68 = tpu.memref_slice %arg3[%dma_wait3A_66, %dma_wait3A_67] : memref<10240x128xf32, #tpu.memory_space<hbm>> -> memref<10240x128xf32, #tpu.memory_space<hbm>>
      tpu.wait_indirect_dma semaphore(%arg14 : memref<!tpu.dma_semaphore, #tpu.memory_space<semaphore_mem>>) src(%dma_wait3A_68 : memref<10240x128xf32, #tpu.memory_space<hbm>>) dst(%arg10 : memref<64x128xf32, #tpu.memory_space<vmem>>)
      %scan3A_69 = arith.constant 0 : i32
      %scan3A_70 = arith.constant 0 : i32
      %scan3A_71 = arith.constant 64 : i32
      %scan3A_72 = arith.addi %scan3A_70, %scan3A_71 : i32
      %scan3A_73 = arith.constant 1 : i32
      %scan3A_74 = scf.for %scan3A_77 = %scan3A_70 to %scan3A_72 step %scan3A_73 iter_args(%scan3A_78 = %scan3A_69) -> (i32)  : i32 {
        %get3A = arith.index_cast %scan3A_77 : i32 to index
        %get3A_79 = arith.constant 0 : index
        %get3A_80 = tpu.vector_load %arg9[%get3A, %get3A_79] {strides = array<i32>} : memref<64x128xf32, #tpu.memory_space<vmem>>, vector<1x16xf32>,
        %get3A_81 = vector.shape_cast %get3A_80 : vector<1x16xf32> to vector<16xf32>
        %get3A_82 = arith.index_cast %scan3A_77 : i32 to index
        %get3A_83 = arith.constant 0 : index
        %get3A_84 = tpu.vector_load %arg10[%get3A_82, %get3A_83] {strides = array<i32>} : memref<64x128xf32, #tpu.memory_space<vmem>>, vector<1x16xf32>,
        %get3A_85 = vector.shape_cast %get3A_84 : vector<1x16xf32> to vector<16xf32>
        %sub3A = arith.subf %get3A_81, %get3A_85 : vector<16xf32>
        %abs3A = math.absf %sub3A : vector<16xf32>
        %swap3A = arith.index_cast %scan3A_77 : i32 to index
        %swap3A_86 = arith.constant 0 : index
        %swap3A_87 = tpu.vector_load %arg11[%swap3A, %swap3A_86] {strides = array<i32>} : memref<64x128xf32, #tpu.memory_space<vmem>>, vector<1x16xf32>,
        %swap3A_88 = vector.shape_cast %swap3A_87 : vector<1x16xf32> to vector<16xf32>
        %swap3A_89 = vector.shape_cast %abs3A : vector<16xf32> to vector<1x16xf32>
        tpu.vector_store %arg11[%swap3A, %swap3A_86], %swap3A_89 {strides = array<i32>} : memref<64x128xf32, #tpu.memory_space<vmem>>, vector<1x16xf32>,
        %get3A_90 = arith.index_cast %scan3A_77 : i32 to index
        %get3A_91 = arith.constant 16 : index
        %get3A_92 = tpu.vector_load %arg9[%get3A_90, %get3A_91] {strides = array<i32>} : memref<64x128xf32, #tpu.memory_space<vmem>>, vector<1x16xf32>,
        %get3A_93 = vector.shape_cast %get3A_92 : vector<1x16xf32> to vector<16xf32>
        %get3A_94 = arith.index_cast %scan3A_77 : i32 to index
        %get3A_95 = arith.constant 16 : index
        %get3A_96 = tpu.vector_load %arg10[%get3A_94, %get3A_95] {strides = array<i32>} : memref<64x128xf32, #tpu.memory_space<vmem>>, vector<1x16xf32>,
        %get3A_97 = vector.shape_cast %get3A_96 : vector<1x16xf32> to vector<16xf32>
        %sub3A_98 = arith.subf %get3A_93, %get3A_97 : vector<16xf32>
        %abs3A_99 = math.absf %sub3A_98 : vector<16xf32>
        %swap3A_100 = arith.index_cast %scan3A_77 : i32 to index
        %swap3A_101 = arith.constant 16 : index
        %swap3A_102 = tpu.vector_load %arg11[%swap3A_100, %swap3A_101] {strides = array<i32>} : memref<64x128xf32, #tpu.memory_space<vmem>>, vector<1x16xf32>,
        %swap3A_103 = vector.shape_cast %swap3A_102 : vector<1x16xf32> to vector<16xf32>
        %swap3A_104 = vector.shape_cast %abs3A_99 : vector<16xf32> to vector<1x16xf32>
        tpu.vector_store %arg11[%swap3A_100, %swap3A_101], %swap3A_104 {strides = array<i32>} : memref<64x128xf32, #tpu.memory_space<vmem>>, vector<1x16xf32>,
        %get3A_105 = arith.index_cast %scan3A_77 : i32 to index
        %get3A_106 = arith.constant 32 : index
        %get3A_107 = tpu.vector_load %arg9[%get3A_105, %get3A_106] {strides = array<i32>} : memref<64x128xf32, #tpu.memory_space<vmem>>, vector<1x16xf32>,
        %get3A_108 = vector.shape_cast %get3A_107 : vector<1x16xf32> to vector<16xf32>
        %get3A_109 = arith.index_cast %scan3A_77 : i32 to index
        %get3A_110 = arith.constant 32 : index
        %get3A_111 = tpu.vector_load %arg10[%get3A_109, %get3A_110] {strides = array<i32>} : memref<64x128xf32, #tpu.memory_space<vmem>>, vector<1x16xf32>,
        %get3A_112 = vector.shape_cast %get3A_111 : vector<1x16xf32> to vector<16xf32>
        %sub3A_113 = arith.subf %get3A_108, %get3A_112 : vector<16xf32>
        %abs3A_114 = math.absf %sub3A_113 : vector<16xf32>
        %swap3A_115 = arith.index_cast %scan3A_77 : i32 to index
        %swap3A_116 = arith.constant 32 : index
        %swap3A_117 = tpu.vector_load %arg11[%swap3A_115, %swap3A_116] {strides = array<i32>} : memref<64x128xf32, #tpu.memory_space<vmem>>, vector<1x16xf32>,
        %swap3A_118 = vector.shape_cast %swap3A_117 : vector<1x16xf32> to vector<16xf32>
        %swap3A_119 = vector.shape_cast %abs3A_114 : vector<16xf32> to vector<1x16xf32>
        tpu.vector_store %arg11[%swap3A_115, %swap3A_116], %swap3A_119 {strides = array<i32>} : memref<64x128xf32, #tpu.memory_space<vmem>>, vector<1x16xf32>,
        %get3A_120 = arith.index_cast %scan3A_77 : i32 to index
        %get3A_121 = arith.constant 48 : index
        %get3A_122 = tpu.vector_load %arg9[%get3A_120, %get3A_121] {strides = array<i32>} : memref<64x128xf32, #tpu.memory_space<vmem>>, vector<1x16xf32>,
        %get3A_123 = vector.shape_cast %get3A_122 : vector<1x16xf32> to vector<16xf32>
        %get3A_124 = arith.index_cast %scan3A_77 : i32 to index
        %get3A_125 = arith.constant 48 : index
        %get3A_126 = tpu.vector_load %arg10[%get3A_124, %get3A_125] {strides = array<i32>} : memref<64x128xf32, #tpu.memory_space<vmem>>, vector<1x16xf32>,
        %get3A_127 = vector.shape_cast %get3A_126 : vector<1x16xf32> to vector<16xf32>
        %sub3A_128 = arith.subf %get3A_123, %get3A_127 : vector<16xf32>
        %abs3A_129 = math.absf %sub3A_128 : vector<16xf32>
        %swap3A_130 = arith.index_cast %scan3A_77 : i32 to index
        %swap3A_131 = arith.constant 48 : index
        %swap3A_132 = tpu.vector_load %arg11[%swap3A_130, %swap3A_131] {strides = array<i32>} : memref<64x128xf32, #tpu.memory_space<vmem>>, vector<1x16xf32>,
        %swap3A_133 = vector.shape_cast %swap3A_132 : vector<1x16xf32> to vector<16xf32>
        %swap3A_134 = vector.shape_cast %abs3A_129 : vector<16xf32> to vector<1x16xf32>
        tpu.vector_store %arg11[%swap3A_130, %swap3A_131], %swap3A_134 {strides = array<i32>} : memref<64x128xf32, #tpu.memory_space<vmem>>, vector<1x16xf32>,
        %get3A_135 = arith.index_cast %scan3A_77 : i32 to index
        %get3A_136 = arith.constant 64 : index
        %get3A_137 = tpu.vector_load %arg9[%get3A_135, %get3A_136] {strides = array<i32>} : memref<64x128xf32, #tpu.memory_space<vmem>>, vector<1x16xf32>,
        %get3A_138 = vector.shape_cast %get3A_137 : vector<1x16xf32> to vector<16xf32>
        %get3A_139 = arith.index_cast %scan3A_77 : i32 to index
        %get3A_140 = arith.constant 64 : index
        %get3A_141 = tpu.vector_load %arg10[%get3A_139, %get3A_140] {strides = array<i32>} : memref<64x128xf32, #tpu.memory_space<vmem>>, vector<1x16xf32>,
        %get3A_142 = vector.shape_cast %get3A_141 : vector<1x16xf32> to vector<16xf32>
        %sub3A_143 = arith.subf %get3A_138, %get3A_142 : vector<16xf32>
        %abs3A_144 = math.absf %sub3A_143 : vector<16xf32>
        %swap3A_145 = arith.index_cast %scan3A_77 : i32 to index
        %swap3A_146 = arith.constant 64 : index
        %swap3A_147 = tpu.vector_load %arg11[%swap3A_145, %swap3A_146] {strides = array<i32>} : memref<64x128xf32, #tpu.memory_space<vmem>>, vector<1x16xf32>,
        %swap3A_148 = vector.shape_cast %swap3A_147 : vector<1x16xf32> to vector<16xf32>
        %swap3A_149 = vector.shape_cast %abs3A_144 : vector<16xf32> to vector<1x16xf32>
        tpu.vector_store %arg11[%swap3A_145, %swap3A_146], %swap3A_149 {strides = array<i32>} : memref<64x128xf32, #tpu.memory_space<vmem>>, vector<1x16xf32>,
        %get3A_150 = arith.index_cast %scan3A_77 : i32 to index
        %get3A_151 = arith.constant 80 : index
        %get3A_152 = tpu.vector_load %arg9[%get3A_150, %get3A_151] {strides = array<i32>} : memref<64x128xf32, #tpu.memory_space<vmem>>, vector<1x16xf32>,
        %get3A_153 = vector.shape_cast %get3A_152 : vector<1x16xf32> to vector<16xf32>
        %get3A_154 = arith.index_cast %scan3A_77 : i32 to index
        %get3A_155 = arith.constant 80 : index
        %get3A_156 = tpu.vector_load %arg10[%get3A_154, %get3A_155] {strides = array<i32>} : memref<64x128xf32, #tpu.memory_space<vmem>>, vector<1x16xf32>,
        %get3A_157 = vector.shape_cast %get3A_156 : vector<1x16xf32> to vector<16xf32>
        %sub3A_158 = arith.subf %get3A_153, %get3A_157 : vector<16xf32>
        %abs3A_159 = math.absf %sub3A_158 : vector<16xf32>
        %swap3A_160 = arith.index_cast %scan3A_77 : i32 to index
        %swap3A_161 = arith.constant 80 : index
        %swap3A_162 = tpu.vector_load %arg11[%swap3A_160, %swap3A_161] {strides = array<i32>} : memref<64x128xf32, #tpu.memory_space<vmem>>, vector<1x16xf32>,
        %swap3A_163 = vector.shape_cast %swap3A_162 : vector<1x16xf32> to vector<16xf32>
        %swap3A_164 = vector.shape_cast %abs3A_159 : vector<16xf32> to vector<1x16xf32>
        tpu.vector_store %arg11[%swap3A_160, %swap3A_161], %swap3A_164 {strides = array<i32>} : memref<64x128xf32, #tpu.memory_space<vmem>>, vector<1x16xf32>,
        %get3A_165 = arith.index_cast %scan3A_77 : i32 to index
        %get3A_166 = arith.constant 96 : index
        %get3A_167 = tpu.vector_load %arg9[%get3A_165, %get3A_166] {strides = array<i32>} : memref<64x128xf32, #tpu.memory_space<vmem>>, vector<1x16xf32>,
        %get3A_168 = vector.shape_cast %get3A_167 : vector<1x16xf32> to vector<16xf32>
        %get3A_169 = arith.index_cast %scan3A_77 : i32 to index
        %get3A_170 = arith.constant 96 : index
        %get3A_171 = tpu.vector_load %arg10[%get3A_169, %get3A_170] {strides = array<i32>} : memref<64x128xf32, #tpu.memory_space<vmem>>, vector<1x16xf32>,
        %get3A_172 = vector.shape_cast %get3A_171 : vector<1x16xf32> to vector<16xf32>
        %sub3A_173 = arith.subf %get3A_168, %get3A_172 : vector<16xf32>
        %abs3A_174 = math.absf %sub3A_173 : vector<16xf32>
        %swap3A_175 = arith.index_cast %scan3A_77 : i32 to index
        %swap3A_176 = arith.constant 96 : index
        %swap3A_177 = tpu.vector_load %arg11[%swap3A_175, %swap3A_176] {strides = array<i32>} : memref<64x128xf32, #tpu.memory_space<vmem>>, vector<1x16xf32>,
        %swap3A_178 = vector.shape_cast %swap3A_177 : vector<1x16xf32> to vector<16xf32>
        %swap3A_179 = vector.shape_cast %abs3A_174 : vector<16xf32> to vector<1x16xf32>
        tpu.vector_store %arg11[%swap3A_175, %swap3A_176], %swap3A_179 {strides = array<i32>} : memref<64x128xf32, #tpu.memory_space<vmem>>, vector<1x16xf32>,
        %get3A_180 = arith.index_cast %scan3A_77 : i32 to index
        %get3A_181 = arith.constant 112 : index
        %get3A_182 = tpu.vector_load %arg9[%get3A_180, %get3A_181] {strides = array<i32>} : memref<64x128xf32, #tpu.memory_space<vmem>>, vector<1x16xf32>,
        %get3A_183 = vector.shape_cast %get3A_182 : vector<1x16xf32> to vector<16xf32>
        %get3A_184 = arith.index_cast %scan3A_77 : i32 to index
        %get3A_185 = arith.constant 112 : index
        %get3A_186 = tpu.vector_load %arg10[%get3A_184, %get3A_185] {strides = array<i32>} : memref<64x128xf32, #tpu.memory_space<vmem>>, vector<1x16xf32>,
        %get3A_187 = vector.shape_cast %get3A_186 : vector<1x16xf32> to vector<16xf32>
        %sub3A_188 = arith.subf %get3A_183, %get3A_187 : vector<16xf32>
        %abs3A_189 = math.absf %sub3A_188 : vector<16xf32>
        %swap3A_190 = arith.index_cast %scan3A_77 : i32 to index
        %swap3A_191 = arith.constant 112 : index
        %swap3A_192 = tpu.vector_load %arg11[%swap3A_190, %swap3A_191] {strides = array<i32>} : memref<64x128xf32, #tpu.memory_space<vmem>>, vector<1x16xf32>,
        %swap3A_193 = vector.shape_cast %swap3A_192 : vector<1x16xf32> to vector<16xf32>
        %swap3A_194 = vector.shape_cast %abs3A_189 : vector<16xf32> to vector<1x16xf32>
        tpu.vector_store %arg11[%swap3A_190, %swap3A_191], %swap3A_194 {strides = array<i32>} : memref<64x128xf32, #tpu.memory_space<vmem>>, vector<1x16xf32>,
        %scan3A_195 = arith.constant 0 : i32
        scf.yield %scan3A_195 : i32
      }
      %scan3A_75 = arith.constant 64 : i32
      "tpu.region"() ({
        %run_scoped3A = tpu.sem_alloc : memref<!tpu.dma_semaphore, #tpu.memory_space<semaphore_mem>>
        %dma_start3A_77 = arith.constant 0 : i32
        %dma_start3A_78 = arith.constant 0 : i32
        %dma_start3A_79 = tpu.memref_slice %arg12[%dma_start3A_77, %dma_start3A_78] : memref<10240x128xf32, #tpu.memory_space<vmem_shared>> -> memref<10240x128xf32, #tpu.memory_space<vmem_shared>>
        tpu.enqueue_indirect_dma source(%arg11 : memref<64x128xf32, #tpu.memory_space<vmem>>) target(%dma_start3A_79 : memref<10240x128xf32, #tpu.memory_space<vmem_shared>>) offsets(%arg7 : memref<64xi32, #tpu.memory_space<vmem>>) semaphore(%run_scoped3A : memref<!tpu.dma_semaphore, #tpu.memory_space<semaphore_mem>>) {add = true}
        %dma_wait3A_80 = arith.constant 0 : i32
        %dma_wait3A_81 = arith.constant 0 : i32
        %dma_wait3A_82 = tpu.memref_slice %arg12[%dma_wait3A_80, %dma_wait3A_81] : memref<10240x128xf32, #tpu.memory_space<vmem_shared>> -> memref<10240x128xf32, #tpu.memory_space<vmem_shared>>
        tpu.wait_indirect_dma semaphore(%run_scoped3A : memref<!tpu.dma_semaphore, #tpu.memory_space<semaphore_mem>>) src(%arg11 : memref<64x128xf32, #tpu.memory_space<vmem>>) dst(%dma_wait3A_82 : memref<10240x128xf32, #tpu.memory_space<vmem_shared>>)
        tpu.yield
      }) : () -> ()
      %scan3A_76 = arith.constant 0 : i32
      scf.yield %scan3A_76 : i32
    }
    %scan3A_51 = arith.constant 158 : i32
    %barrier3A_52 = arith.constant 0 : index
    tpu.barrier barrier_id(%barrier3A_52)
    %mul3A_53 = arith.constant 640 : i32
    %mul3A_54 = arith.muli %arg1, %mul3A_53 : i32
    %mul3A_55 = arith.constant 640 : i32
    %mul3A_56 = arith.muli %arg1, %mul3A_55 : i32
    "tpu.region"() ({
      %run_scoped3A = tpu.sem_alloc : memref<!tpu.dma_semaphore, #tpu.memory_space<semaphore_mem>>
      %dma_start3A = arith.constant 0 : i32
      %dma_start3A_57 = tpu.memref_slice %arg6[%arg0, %mul3A_56, %dma_start3A] : memref<2x10240x128xf32, #tpu.memory_space<hbm>> -> memref<1x640x128xf32, #tpu.memory_space<hbm>>
      %dma_start3A_58 = tpu.memref_squeeze %dma_start3A_57 : memref<1x640x128xf32, #tpu.memory_space<hbm>> -> memref<640x128xf32, #tpu.memory_space<hbm>>
      %dma_start3A_59 = arith.constant 0 : i32
      %dma_start3A_60 = tpu.memref_slice %arg12[%mul3A_54, %dma_start3A_59] : memref<10240x128xf32, #tpu.memory_space<vmem_shared>> -> memref<640x128xf32, #tpu.memory_space<vmem_shared>>
      tpu.enqueue_dma source(%dma_start3A_60 : memref<640x128xf32, #tpu.memory_space<vmem_shared>>) target(%dma_start3A_58 : memref<640x128xf32, #tpu.memory_space<hbm>>) target_semaphore(%run_scoped3A : memref<!tpu.dma_semaphore, #tpu.memory_space<semaphore_mem>>)
      %dma_wait3A = arith.constant 0 : i32
      %dma_wait3A_61 = tpu.memref_slice %arg6[%arg0, %mul3A_56, %dma_wait3A] : memref<2x10240x128xf32, #tpu.memory_space<hbm>> -> memref<1x640x128xf32, #tpu.memory_space<hbm>>
      %dma_wait3A_62 = tpu.memref_squeeze %dma_wait3A_61 : memref<1x640x128xf32, #tpu.memory_space<hbm>> -> memref<640x128xf32, #tpu.memory_space<hbm>>
      %dma_wait3A_63 = arith.constant 0 : i32
      %dma_wait3A_64 = tpu.memref_slice %arg12[%mul3A_54, %dma_wait3A_63] : memref<10240x128xf32, #tpu.memory_space<vmem_shared>> -> memref<640x128xf32, #tpu.memory_space<vmem_shared>>
      tpu.wait_dma2 semaphore(%run_scoped3A : memref<!tpu.dma_semaphore, #tpu.memory_space<semaphore_mem>>) src(%dma_wait3A_64 : memref<640x128xf32, #tpu.memory_space<vmem_shared>>) dst(%dma_wait3A_62 : memref<640x128xf32, #tpu.memory_space<hbm>>)
      tpu.yield
    }) : () -> ()
    return
  }
}

module attributes {stable_mosaic.version = 14 : i64} {
  func.func @_k1_body(%arg0: i32, %arg1: memref<1024x128xf32, #tpu.memory_space<vmem>>, %arg2: memref<128x128xf32, #tpu.memory_space<vmem>>, %arg3: memref<128x1xf32, #tpu.memory_space<vmem>>, %arg4: memref<128x1xf32, #tpu.memory_space<vmem>>, %arg5: memref<1x1xf32, #tpu.memory_space<vmem>>, %arg6: memref<1024x128xf32, #tpu.memory_space<vmem>>, %arg7: memref<1024x1xf32, #tpu.memory_space<vmem>>, %arg8: memref<1024x1xf32, #tpu.memory_space<vmem>>) attributes {dimension_semantics = [#tpu.dimension_semantics<arbitrary>], iteration_bounds = array<i64: 10>, scalar_prefetch = 0 : i64, scratch_operands = 0 : i64, tpu.core_type = #tpu.core_type<tc>, window_params = [{transform_indices = @transform_0, window_bounds = array<i64: 1024, 128>}, {pipeline_mode = #tpu.pipeline_mode<synchronous>, transform_indices = @transform_1, window_bounds = array<i64: 128, 128>}, {pipeline_mode = #tpu.pipeline_mode<synchronous>, transform_indices = @transform_2, window_bounds = array<i64: 128, 1>}, {pipeline_mode = #tpu.pipeline_mode<synchronous>, transform_indices = @transform_3, window_bounds = array<i64: 128, 1>}, {pipeline_mode = #tpu.pipeline_mode<synchronous>, transform_indices = @transform_4, window_bounds = array<i64: 1, 1>}, {transform_indices = @transform_5, window_bounds = array<i64: 1024, 128>}, {transform_indices = @transform_6, window_bounds = array<i64: 1024, 1>}, {transform_indices = @transform_7, window_bounds = array<i64: 1024, 1>}]} {
    %get3A = arith.constant 0 : index
    %get3A_0 = arith.constant 0 : index
    %get3A_1 = vector.load %arg1[%get3A, %get3A_0] : memref<1024x128xf32, #tpu.memory_space<vmem>>, vector<1024x128xf32>
    %get3A_2 = arith.constant 0 : index
    %get3A_3 = arith.constant 0 : index
    %get3A_4 = vector.load %arg2[%get3A_2, %get3A_3] : memref<128x128xf32, #tpu.memory_space<vmem>>, vector<128x128xf32>
    %dot_general3A = arith.constant dense<0.000000e+00> : vector<1024x128xf32>
    %dot_general3A_5 = tpu.matmul %get3A_1, %get3A_4, %dot_general3A {dimension_numbers = #tpu.dot_dimension_numbers<[1], [0], [0], [1], [0, 0, 1, 1], [], []>, transpose_lhs_hint = false} : vector<1024x128xf32>, vector<128x128xf32>, vector<1024x128xf32> -> vector<1024x128xf32>
    %get3A_6 = arith.constant 0 : index
    %get3A_7 = arith.constant 0 : index
    %get3A_8 = vector.load %arg3[%get3A_6, %get3A_7] : memref<128x1xf32, #tpu.memory_space<vmem>>, vector<128x1xf32>
    %dot_general3A_9 = arith.constant dense<0.000000e+00> : vector<1024x1xf32>
    %dot_general3A_10 = tpu.matmul %get3A_1, %get3A_8, %dot_general3A_9 {dimension_numbers = #tpu.dot_dimension_numbers<[1], [0], [0], [1], [0, 0, 1, 1], [], []>, transpose_lhs_hint = false} : vector<1024x128xf32>, vector<128x1xf32>, vector<1024x1xf32> -> vector<1024x1xf32>
    %get3A_11 = arith.constant 0 : index
    %get3A_12 = arith.constant 0 : index
    %get3A_13 = vector.load %arg4[%get3A_11, %get3A_12] : memref<128x1xf32, #tpu.memory_space<vmem>>, vector<128x1xf32>
    %dot_general3A_14 = arith.constant dense<0.000000e+00> : vector<1024x1xf32>
    %dot_general3A_15 = tpu.matmul %get3A_1, %get3A_13, %dot_general3A_14 {dimension_numbers = #tpu.dot_dimension_numbers<[1], [0], [0], [1], [0, 0, 1, 1], [], []>, transpose_lhs_hint = false} : vector<1024x128xf32>, vector<128x1xf32>, vector<1024x1xf32> -> vector<1024x1xf32>
    %swap3A = arith.constant 0 : index
    %swap3A_16 = arith.constant 0 : index
    %swap3A_17 = vector.load %arg6[%swap3A, %swap3A_16] : memref<1024x128xf32, #tpu.memory_space<vmem>>, vector<1024x128xf32>
    tpu.vector_store %arg6[%swap3A, %swap3A_16], %dot_general3A_5 {strides = array<i32>} : memref<1024x128xf32, #tpu.memory_space<vmem>>, vector<1024x128xf32>,
    %swap3A_18 = arith.constant 0 : index
    %swap3A_19 = arith.constant 0 : index
    %swap3A_20 = vector.load %arg7[%swap3A_18, %swap3A_19] : memref<1024x1xf32, #tpu.memory_space<vmem>>, vector<1024x1xf32>
    tpu.vector_store %arg7[%swap3A_18, %swap3A_19], %dot_general3A_10 {strides = array<i32>} : memref<1024x1xf32, #tpu.memory_space<vmem>>, vector<1024x1xf32>,
    %add3A = arith.addf %dot_general3A_10, %dot_general3A_15 : vector<1024x1xf32>
    %get3A_21 = arith.constant 0 : index
    %get3A_22 = arith.constant 0 : index
    %get3A_23 = vector.load %arg5[%get3A_21, %get3A_22] : memref<1x1xf32, #tpu.memory_space<vmem>>, vector<1x1xf32>
    %get3A_24 = vector.extract %get3A_23[0, 0] : f32 from vector<1x1xf32>
    %add3A_25 = vector.broadcast %get3A_24 : f32 to vector<1024x1xf32>
    %add3A_26 = arith.addf %add3A, %add3A_25 : vector<1024x1xf32>
    %swap3A_27 = arith.constant 0 : index
    %swap3A_28 = arith.constant 0 : index
    %swap3A_29 = vector.load %arg8[%swap3A_27, %swap3A_28] : memref<1024x1xf32, #tpu.memory_space<vmem>>, vector<1024x1xf32>
    tpu.vector_store %arg8[%swap3A_27, %swap3A_28], %add3A_26 {strides = array<i32>} : memref<1024x1xf32, #tpu.memory_space<vmem>>, vector<1024x1xf32>,
    return
  }
  func.func @transform_0(%arg0: i32) -> (i32, i32) {
    %c0_i32 = arith.constant 0 : i32
    %c0_i32_0 = arith.constant 0 : i32
    return %arg0, %c0_i32 : i32, i32
  }
  func.func @transform_1(%arg0: i32) -> (i32, i32) {
    %c0_i32 = arith.constant 0 : i32
    %c0_i32_0 = arith.constant 0 : i32
    %c0_i32_1 = arith.constant 0 : i32
    return %c0_i32, %c0_i32_0 : i32, i32
  }
  func.func @transform_2(%arg0: i32) -> (i32, i32) {
    %c0_i32 = arith.constant 0 : i32
    %c0_i32_0 = arith.constant 0 : i32
    %c0_i32_1 = arith.constant 0 : i32
    return %c0_i32, %c0_i32_0 : i32, i32
  }
  func.func @transform_3(%arg0: i32) -> (i32, i32) {
    %c0_i32 = arith.constant 0 : i32
    %c0_i32_0 = arith.constant 0 : i32
    %c0_i32_1 = arith.constant 0 : i32
    return %c0_i32, %c0_i32_0 : i32, i32
  }
  func.func @transform_4(%arg0: i32) -> (i32, i32) {
    %c0_i32 = arith.constant 0 : i32
    %c0_i32_0 = arith.constant 0 : i32
    %c0_i32_1 = arith.constant 0 : i32
    return %c0_i32, %c0_i32_0 : i32, i32
  }
  func.func @transform_5(%arg0: i32) -> (i32, i32) {
    %c0_i32 = arith.constant 0 : i32
    %c0_i32_0 = arith.constant 0 : i32
    return %arg0, %c0_i32 : i32, i32
  }
  func.func @transform_6(%arg0: i32) -> (i32, i32) {
    %c0_i32 = arith.constant 0 : i32
    %c0_i32_0 = arith.constant 0 : i32
    return %arg0, %c0_i32 : i32, i32
  }
  func.func @transform_7(%arg0: i32) -> (i32, i32) {
    %c0_i32 = arith.constant 0 : i32
    %c0_i32_0 = arith.constant 0 : i32
    return %arg0, %c0_i32 : i32, i32
  }
}

module attributes {stable_mosaic.version = 14 : i64} {
  func.func @_k2_body(%arg0: i32, %arg1: memref<2x16x3x1024xf32, #tpu.memory_space<vmem>>, %arg2: memref<1024x128xf32, #tpu.memory_space<vmem>>, %arg3: memref<1024x1xf32, #tpu.memory_space<vmem>>, %arg4: memref<1024x128xf32, #tpu.memory_space<vmem>>, %arg5: memref<1024x1xf32, #tpu.memory_space<vmem>>, %arg6: memref<1024x1xf32, #tpu.memory_space<vmem>>) attributes {dimension_semantics = [#tpu.dimension_semantics<arbitrary>], iteration_bounds = array<i64: 10>, scalar_prefetch = 0 : i64, scratch_operands = 0 : i64, tpu.core_type = #tpu.core_type<tc>, window_params = [{transform_indices = @transform_0, window_bounds = array<i64: 2, 16, 3, 1024>}, {transform_indices = @transform_1, window_bounds = array<i64: 1024, 128>}, {transform_indices = @transform_2, window_bounds = array<i64: 1024, 1>}, {transform_indices = @transform_3, window_bounds = array<i64: 1024, 128>}, {transform_indices = @transform_4, window_bounds = array<i64: 1024, 1>}, {transform_indices = @transform_5, window_bounds = array<i64: 1024, 1>}]} {
    %get3A = arith.constant 0 : index
    %get3A_0 = arith.constant 0 : index
    %get3A_1 = arith.constant 0 : index
    %get3A_2 = arith.constant 0 : index
    %get3A_3 = vector.load %arg1[%get3A, %get3A_0, %get3A_1, %get3A_2] : memref<2x16x3x1024xf32, #tpu.memory_space<vmem>>, vector<2x16x3x1024xf32>
    %slice3A = vector.extract_strided_slice %get3A_3 {offsets = [0, 0, 0, 0], sizes = [2, 16, 1, 1024], strides = [1, 1, 1, 1]} : vector<2x16x3x1024xf32> to vector<2x16x1x1024xf32>
    %squeeze3A = vector.shape_cast %slice3A : vector<2x16x1x1024xf32> to vector<2x16x1024xf32>
    %reduce_sum3A = arith.constant dense<0.000000e+00> : vector<1024xf32>
    %reduce_sum3A_4 = vector.multi_reduction <add>, %squeeze3A, %reduce_sum3A [0, 1] : vector<2x16x1024xf32> to vector<1024xf32>
    %broadcast_in_dim3A = vector.shape_cast %reduce_sum3A_4 : vector<1024xf32> to vector<1024x1xf32>
    %add3A = arith.constant 1.000000e+00 : f32
    %add3A_5 = vector.broadcast %add3A : f32 to vector<1024x1xf32>
    %add3A_6 = arith.addf %add3A_5, %broadcast_in_dim3A : vector<1024x1xf32>
    %slice3A_7 = vector.extract_strided_slice %get3A_3 {offsets = [0, 0, 1, 0], sizes = [2, 16, 1, 1024], strides = [1, 1, 1, 1]} : vector<2x16x3x1024xf32> to vector<2x16x1x1024xf32>
    %squeeze3A_8 = vector.shape_cast %slice3A_7 : vector<2x16x1x1024xf32> to vector<2x16x1024xf32>
    %reduce_sum3A_9 = arith.constant dense<0.000000e+00> : vector<1024xf32>
    %reduce_sum3A_10 = vector.multi_reduction <add>, %squeeze3A_8, %reduce_sum3A_9 [0, 1] : vector<2x16x1024xf32> to vector<1024xf32>
    %broadcast_in_dim3A_11 = vector.shape_cast %reduce_sum3A_10 : vector<1024xf32> to vector<1024x1xf32>
    %rsqrt3A = math.rsqrt %add3A_6 : vector<1024x1xf32>
    %get3A_12 = arith.constant 0 : index
    %get3A_13 = arith.constant 0 : index
    %get3A_14 = vector.load %arg2[%get3A_12, %get3A_13] : memref<1024x128xf32, #tpu.memory_space<vmem>>, vector<1024x128xf32>
    %mul3A = vector.broadcast %rsqrt3A : vector<1024x1xf32> to vector<1024x128xf32>
    %mul3A_15 = arith.mulf %mul3A, %get3A_14 : vector<1024x128xf32>
    %swap3A = arith.constant 0 : index
    %swap3A_16 = arith.constant 0 : index
    %swap3A_17 = vector.load %arg4[%swap3A, %swap3A_16] : memref<1024x128xf32, #tpu.memory_space<vmem>>, vector<1024x128xf32>
    tpu.vector_store %arg4[%swap3A, %swap3A_16], %mul3A_15 {strides = array<i32>} : memref<1024x128xf32, #tpu.memory_space<vmem>>, vector<1024x128xf32>,
    %swap3A_18 = arith.constant 0 : index
    %swap3A_19 = arith.constant 0 : index
    %swap3A_20 = vector.load %arg5[%swap3A_18, %swap3A_19] : memref<1024x1xf32, #tpu.memory_space<vmem>>, vector<1024x1xf32>
    tpu.vector_store %arg5[%swap3A_18, %swap3A_19], %rsqrt3A {strides = array<i32>} : memref<1024x1xf32, #tpu.memory_space<vmem>>, vector<1024x1xf32>,
    %get3A_21 = arith.constant 0 : index
    %get3A_22 = arith.constant 0 : index
    %get3A_23 = vector.load %arg3[%get3A_21, %get3A_22] : memref<1024x1xf32, #tpu.memory_space<vmem>>, vector<1024x1xf32>
    %add3A_24 = arith.addf %broadcast_in_dim3A_11, %get3A_23 : vector<1024x1xf32>
    %logistic3A = arith.negf %add3A_24 : vector<1024x1xf32>
    %logistic3A_25 = math.exp %logistic3A : vector<1024x1xf32>
    %logistic3A_26 = arith.constant 1.000000e+00 : f32
    %logistic3A_27 = vector.broadcast %logistic3A_26 : f32 to vector<1024x1xf32>
    %logistic3A_28 = arith.addf %logistic3A_27, %logistic3A_25 : vector<1024x1xf32>
    %logistic3A_29 = arith.divf %logistic3A_27, %logistic3A_28 : vector<1024x1xf32>
    %swap3A_30 = arith.constant 0 : index
    %swap3A_31 = arith.constant 0 : index
    %swap3A_32 = vector.load %arg6[%swap3A_30, %swap3A_31] : memref<1024x1xf32, #tpu.memory_space<vmem>>, vector<1024x1xf32>
    tpu.vector_store %arg6[%swap3A_30, %swap3A_31], %logistic3A_29 {strides = array<i32>} : memref<1024x1xf32, #tpu.memory_space<vmem>>, vector<1024x1xf32>,
    return
  }
  func.func @transform_0(%arg0: i32) -> (i32, i32, i32, i32) {
    %c0_i32 = arith.constant 0 : i32
    %c0_i32_0 = arith.constant 0 : i32
    %c0_i32_1 = arith.constant 0 : i32
    %c0_i32_2 = arith.constant 0 : i32
    return %c0_i32, %c0_i32_0, %c0_i32_1, %arg0 : i32, i32, i32, i32
  }
  func.func @transform_1(%arg0: i32) -> (i32, i32) {
    %c0_i32 = arith.constant 0 : i32
    %c0_i32_0 = arith.constant 0 : i32
    return %arg0, %c0_i32 : i32, i32
  }
  func.func @transform_2(%arg0: i32) -> (i32, i32) {
    %c0_i32 = arith.constant 0 : i32
    %c0_i32_0 = arith.constant 0 : i32
    return %arg0, %c0_i32 : i32, i32
  }
  func.func @transform_3(%arg0: i32) -> (i32, i32) {
    %c0_i32 = arith.constant 0 : i32
    %c0_i32_0 = arith.constant 0 : i32
    return %arg0, %c0_i32 : i32, i32
  }
  func.func @transform_4(%arg0: i32) -> (i32, i32) {
    %c0_i32 = arith.constant 0 : i32
    %c0_i32_0 = arith.constant 0 : i32
    return %arg0, %c0_i32 : i32, i32
  }
  func.func @transform_5(%arg0: i32) -> (i32, i32) {
    %c0_i32 = arith.constant 0 : i32
    %c0_i32_0 = arith.constant 0 : i32
    return %arg0, %c0_i32 : i32, i32
  }
}

module attributes {stable_mosaic.version = 14 : i64} {
  func.func @_k3_body(%arg0: i32, %arg1: memref<2x1024x128xf32, #tpu.memory_space<vmem>>, %arg2: memref<1024x1xf32, #tpu.memory_space<vmem>>, %arg3: memref<1024x128xf32, #tpu.memory_space<vmem>>, %arg4: memref<1x128xf32, #tpu.memory_space<vmem>>, %arg5: memref<128x1xf32, #tpu.memory_space<vmem>>, %arg6: memref<1x1xf32, #tpu.memory_space<vmem>>, %arg7: memref<128x1xf32, #tpu.memory_space<vmem>>, %arg8: memref<1x1xf32, #tpu.memory_space<vmem>>, %arg9: memref<1024x128xf32, #tpu.memory_space<vmem>>, %arg10: memref<1024x128xf32, #tpu.memory_space<vmem>>, %arg11: memref<1024x128xf32, #tpu.memory_space<vmem>>, %arg12: memref<1024x1xf32, #tpu.memory_space<vmem>>, %arg13: memref<1024x1xf32, #tpu.memory_space<vmem>>) attributes {dimension_semantics = [#tpu.dimension_semantics<arbitrary>], iteration_bounds = array<i64: 10>, scalar_prefetch = 0 : i64, scratch_operands = 0 : i64, tpu.core_type = #tpu.core_type<tc>, window_params = [{transform_indices = @transform_0, window_bounds = array<i64: 2, 1024, 128>}, {transform_indices = @transform_1, window_bounds = array<i64: 1024, 1>}, {transform_indices = @transform_2, window_bounds = array<i64: 1024, 128>}, {pipeline_mode = #tpu.pipeline_mode<synchronous>, transform_indices = @transform_3, window_bounds = array<i64: 1, 128>}, {pipeline_mode = #tpu.pipeline_mode<synchronous>, transform_indices = @transform_4, window_bounds = array<i64: 128, 1>}, {pipeline_mode = #tpu.pipeline_mode<synchronous>, transform_indices = @transform_5, window_bounds = array<i64: 1, 1>}, {pipeline_mode = #tpu.pipeline_mode<synchronous>, transform_indices = @transform_6, window_bounds = array<i64: 128, 1>}, {pipeline_mode = #tpu.pipeline_mode<synchronous>, transform_indices = @transform_7, window_bounds = array<i64: 1, 1>}, {transform_indices = @transform_8, window_bounds = array<i64: 1024, 128>}, {transform_indices = @transform_9, window_bounds = array<i64: 1024, 128>}, {transform_indices = @transform_10, window_bounds = array<i64: 1024, 128>}, {transform_indices = @transform_11, window_bounds = array<i64: 1024, 1>}, {transform_indices = @transform_12, window_bounds = array<i64: 1024, 1>}]} {
    %get3A = arith.constant 0 : index
    %get3A_0 = arith.constant 0 : index
    %get3A_1 = arith.constant 0 : index
    %get3A_2 = vector.load %arg1[%get3A, %get3A_0, %get3A_1] : memref<2x1024x128xf32, #tpu.memory_space<vmem>>, vector<2x1024x128xf32>
    %get3A_3 = arith.constant 0 : index
    %get3A_4 = arith.constant 0 : index
    %get3A_5 = vector.load %arg2[%get3A_3, %get3A_4] : memref<1024x1xf32, #tpu.memory_space<vmem>>, vector<1024x1xf32>
    %slice3A = vector.extract_strided_slice %get3A_2 {offsets = [0, 0, 0], sizes = [1, 1024, 128], strides = [1, 1, 1]} : vector<2x1024x128xf32> to vector<1x1024x128xf32>
    %squeeze3A = vector.shape_cast %slice3A : vector<1x1024x128xf32> to vector<1024x128xf32>
    %slice3A_6 = vector.extract_strided_slice %get3A_2 {offsets = [1, 0, 0], sizes = [1, 1024, 128], strides = [1, 1, 1]} : vector<2x1024x128xf32> to vector<1x1024x128xf32>
    %squeeze3A_7 = vector.shape_cast %slice3A_6 : vector<1x1024x128xf32> to vector<1024x128xf32>
    %add3A = arith.addf %squeeze3A, %squeeze3A_7 : vector<1024x128xf32>
    %mul3A = vector.broadcast %get3A_5 : vector<1024x1xf32> to vector<1024x128xf32>
    %mul3A_8 = arith.mulf %mul3A, %add3A : vector<1024x128xf32>
    %mul3A_9 = arith.mulf %get3A_5, %get3A_5 : vector<1024x1xf32>
    %get3A_10 = arith.constant 0 : index
    %get3A_11 = arith.constant 0 : index
    %get3A_12 = vector.load %arg3[%get3A_10, %get3A_11] : memref<1024x128xf32, #tpu.memory_space<vmem>>, vector<1024x128xf32>
    %mul3A_13 = vector.broadcast %mul3A_9 : vector<1024x1xf32> to vector<1024x128xf32>
    %mul3A_14 = arith.mulf %mul3A_13, %get3A_12 : vector<1024x128xf32>
    %add3A_15 = arith.addf %mul3A_8, %mul3A_14 : vector<1024x128xf32>
    %get3A_16 = arith.constant 0 : index
    %get3A_17 = arith.constant 0 : index
    %get3A_18 = vector.load %arg4[%get3A_16, %get3A_17] : memref<1x128xf32, #tpu.memory_space<vmem>>, vector<1x128xf32>
    %add3A_19 = vector.broadcast %get3A_18 : vector<1x128xf32> to vector<1024x128xf32>
    %add3A_20 = arith.addf %add3A_15, %add3A_19 : vector<1024x128xf32>
    %swap3A = arith.constant 0 : index
    %swap3A_21 = arith.constant 0 : index
    %swap3A_22 = vector.load %arg9[%swap3A, %swap3A_21] : memref<1024x128xf32, #tpu.memory_space<vmem>>, vector<1024x128xf32>
    tpu.vector_store %arg9[%swap3A, %swap3A_21], %add3A_20 {strides = array<i32>} : memref<1024x128xf32, #tpu.memory_space<vmem>>, vector<1024x128xf32>,
    %get3A_23 = arith.constant 0 : index
    %get3A_24 = arith.constant 0 : index
    %get3A_25 = vector.load %arg5[%get3A_23, %get3A_24] : memref<128x1xf32, #tpu.memory_space<vmem>>, vector<128x1xf32>
    %dot_general3A = arith.constant dense<0.000000e+00> : vector<1024x1xf32>
    %dot_general3A_26 = tpu.matmul %add3A_20, %get3A_25, %dot_general3A {dimension_numbers = #tpu.dot_dimension_numbers<[1], [0], [0], [1], [0, 0, 1, 1], [], []>, transpose_lhs_hint = false} : vector<1024x128xf32>, vector<128x1xf32>, vector<1024x1xf32> -> vector<1024x1xf32>
    %get3A_27 = arith.constant 0 : index
    %get3A_28 = arith.constant 0 : index
    %get3A_29 = vector.load %arg6[%get3A_27, %get3A_28] : memref<1x1xf32, #tpu.memory_space<vmem>>, vector<1x1xf32>
    %get3A_30 = vector.extract %get3A_29[0, 0] : f32 from vector<1x1xf32>
    %add3A_31 = vector.broadcast %get3A_30 : f32 to vector<1024x1xf32>
    %add3A_32 = arith.addf %dot_general3A_26, %add3A_31 : vector<1024x1xf32>
    %ge3A = arith.constant 0.000000e+00 : f32
    %ge3A_33 = vector.broadcast %ge3A : f32 to vector<1024x1xf32>
    %ge3A_34 = arith.cmpf oge, %add3A_32, %ge3A_33 : vector<1024x1xf32>
    %mul3A_35 = arith.constant 0.00999999977 : f32
    %mul3A_36 = vector.broadcast %mul3A_35 : f32 to vector<1024x1xf32>
    %mul3A_37 = arith.mulf %mul3A_36, %add3A_32 : vector<1024x1xf32>
    %select_n3A = arith.select %ge3A_34, %add3A_32, %mul3A_37 : vector<1024x1xi1>, vector<1024x1xf32>
    %exp3A = math.exp %select_n3A : vector<1024x1xf32>
    %get3A_38 = arith.constant 0 : index
    %get3A_39 = arith.constant 0 : index
    %get3A_40 = vector.load %arg7[%get3A_38, %get3A_39] : memref<128x1xf32, #tpu.memory_space<vmem>>, vector<128x1xf32>
    %dot_general3A_41 = arith.constant dense<0.000000e+00> : vector<1024x1xf32>
    %dot_general3A_42 = tpu.matmul %add3A_20, %get3A_40, %dot_general3A_41 {dimension_numbers = #tpu.dot_dimension_numbers<[1], [0], [0], [1], [0, 0, 1, 1], [], []>, transpose_lhs_hint = false} : vector<1024x128xf32>, vector<128x1xf32>, vector<1024x1xf32> -> vector<1024x1xf32>
    %get3A_43 = arith.constant 0 : index
    %get3A_44 = arith.constant 0 : index
    %get3A_45 = vector.load %arg8[%get3A_43, %get3A_44] : memref<1x1xf32, #tpu.memory_space<vmem>>, vector<1x1xf32>
    %get3A_46 = vector.extract %get3A_45[0, 0] : f32 from vector<1x1xf32>
    %add3A_47 = vector.broadcast %get3A_46 : f32 to vector<1024x1xf32>
    %add3A_48 = arith.addf %dot_general3A_42, %add3A_47 : vector<1024x1xf32>
    %ge3A_49 = arith.constant 0.000000e+00 : f32
    %ge3A_50 = vector.broadcast %ge3A_49 : f32 to vector<1024x1xf32>
    %ge3A_51 = arith.cmpf oge, %add3A_48, %ge3A_50 : vector<1024x1xf32>
    %mul3A_52 = arith.constant 0.00999999977 : f32
    %mul3A_53 = vector.broadcast %mul3A_52 : f32 to vector<1024x1xf32>
    %mul3A_54 = arith.mulf %mul3A_53, %add3A_48 : vector<1024x1xf32>
    %select_n3A_55 = arith.select %ge3A_51, %add3A_48, %mul3A_54 : vector<1024x1xi1>, vector<1024x1xf32>
    %exp3A_56 = math.exp %select_n3A_55 : vector<1024x1xf32>
    %mul3A_57 = vector.broadcast %exp3A : vector<1024x1xf32> to vector<1024x128xf32>
    %mul3A_58 = arith.mulf %mul3A_57, %add3A_20 : vector<1024x128xf32>
    %swap3A_59 = arith.constant 0 : index
    %swap3A_60 = arith.constant 0 : index
    %swap3A_61 = vector.load %arg10[%swap3A_59, %swap3A_60] : memref<1024x128xf32, #tpu.memory_space<vmem>>, vector<1024x128xf32>
    tpu.vector_store %arg10[%swap3A_59, %swap3A_60], %mul3A_58 {strides = array<i32>} : memref<1024x128xf32, #tpu.memory_space<vmem>>, vector<1024x128xf32>,
    %mul3A_62 = vector.broadcast %exp3A_56 : vector<1024x1xf32> to vector<1024x128xf32>
    %mul3A_63 = arith.mulf %mul3A_62, %add3A_20 : vector<1024x128xf32>
    %swap3A_64 = arith.constant 0 : index
    %swap3A_65 = arith.constant 0 : index
    %swap3A_66 = vector.load %arg11[%swap3A_64, %swap3A_65] : memref<1024x128xf32, #tpu.memory_space<vmem>>, vector<1024x128xf32>
    tpu.vector_store %arg11[%swap3A_64, %swap3A_65], %mul3A_63 {strides = array<i32>} : memref<1024x128xf32, #tpu.memory_space<vmem>>, vector<1024x128xf32>,
    %swap3A_67 = arith.constant 0 : index
    %swap3A_68 = arith.constant 0 : index
    %swap3A_69 = vector.load %arg12[%swap3A_67, %swap3A_68] : memref<1024x1xf32, #tpu.memory_space<vmem>>, vector<1024x1xf32>
    tpu.vector_store %arg12[%swap3A_67, %swap3A_68], %exp3A {strides = array<i32>} : memref<1024x1xf32, #tpu.memory_space<vmem>>, vector<1024x1xf32>,
    %swap3A_70 = arith.constant 0 : index
    %swap3A_71 = arith.constant 0 : index
    %swap3A_72 = vector.load %arg13[%swap3A_70, %swap3A_71] : memref<1024x1xf32, #tpu.memory_space<vmem>>, vector<1024x1xf32>
    tpu.vector_store %arg13[%swap3A_70, %swap3A_71], %exp3A_56 {strides = array<i32>} : memref<1024x1xf32, #tpu.memory_space<vmem>>, vector<1024x1xf32>,
    return
  }
  func.func @transform_0(%arg0: i32) -> (i32, i32, i32) {
    %c0_i32 = arith.constant 0 : i32
    %c0_i32_0 = arith.constant 0 : i32
    %c0_i32_1 = arith.constant 0 : i32
    return %c0_i32, %arg0, %c0_i32_0 : i32, i32, i32
  }
  func.func @transform_1(%arg0: i32) -> (i32, i32) {
    %c0_i32 = arith.constant 0 : i32
    %c0_i32_0 = arith.constant 0 : i32
    return %arg0, %c0_i32 : i32, i32
  }
  func.func @transform_2(%arg0: i32) -> (i32, i32) {
    %c0_i32 = arith.constant 0 : i32
    %c0_i32_0 = arith.constant 0 : i32
    return %arg0, %c0_i32 : i32, i32
  }
  func.func @transform_3(%arg0: i32) -> (i32, i32) {
    %c0_i32 = arith.constant 0 : i32
    %c0_i32_0 = arith.constant 0 : i32
    %c0_i32_1 = arith.constant 0 : i32
    return %c0_i32, %c0_i32_0 : i32, i32
  }
  func.func @transform_4(%arg0: i32) -> (i32, i32) {
    %c0_i32 = arith.constant 0 : i32
    %c0_i32_0 = arith.constant 0 : i32
    %c0_i32_1 = arith.constant 0 : i32
    return %c0_i32, %c0_i32_0 : i32, i32
  }
  func.func @transform_5(%arg0: i32) -> (i32, i32) {
    %c0_i32 = arith.constant 0 : i32
    %c0_i32_0 = arith.constant 0 : i32
    %c0_i32_1 = arith.constant 0 : i32
    return %c0_i32, %c0_i32_0 : i32, i32
  }
  func.func @transform_6(%arg0: i32) -> (i32, i32) {
    %c0_i32 = arith.constant 0 : i32
    %c0_i32_0 = arith.constant 0 : i32
    %c0_i32_1 = arith.constant 0 : i32
    return %c0_i32, %c0_i32_0 : i32, i32
  }
  func.func @transform_7(%arg0: i32) -> (i32, i32) {
    %c0_i32 = arith.constant 0 : i32
    %c0_i32_0 = arith.constant 0 : i32
    %c0_i32_1 = arith.constant 0 : i32
    return %c0_i32, %c0_i32_0 : i32, i32
  }
  func.func @transform_8(%arg0: i32) -> (i32, i32) {
    %c0_i32 = arith.constant 0 : i32
    %c0_i32_0 = arith.constant 0 : i32
    return %arg0, %c0_i32 : i32, i32
  }
  func.func @transform_9(%arg0: i32) -> (i32, i32) {
    %c0_i32 = arith.constant 0 : i32
    %c0_i32_0 = arith.constant 0 : i32
    return %arg0, %c0_i32 : i32, i32
  }
  func.func @transform_10(%arg0: i32) -> (i32, i32) {
    %c0_i32 = arith.constant 0 : i32
    %c0_i32_0 = arith.constant 0 : i32
    return %arg0, %c0_i32 : i32, i32
  }
  func.func @transform_11(%arg0: i32) -> (i32, i32) {
    %c0_i32 = arith.constant 0 : i32
    %c0_i32_0 = arith.constant 0 : i32
    return %arg0, %c0_i32 : i32, i32
  }
  func.func @transform_12(%arg0: i32) -> (i32, i32) {
    %c0_i32 = arith.constant 0 : i32
    %c0_i32_0 = arith.constant 0 : i32
    return %arg0, %c0_i32 : i32, i32
  }
}

module attributes {stable_mosaic.version = 14 : i64} {
  func.func @_k4_body(%arg0: i32, %arg1: memref<2x1024x128xf32, #tpu.memory_space<vmem>>, %arg2: memref<2x16x2x1024xf32, #tpu.memory_space<vmem>>, %arg3: memref<1024x128xf32, #tpu.memory_space<vmem>>, %arg4: memref<1024x128xf32, #tpu.memory_space<vmem>>, %arg5: memref<1024x1xf32, #tpu.memory_space<vmem>>, %arg6: memref<1024x1xf32, #tpu.memory_space<vmem>>, %arg7: memref<1024x128xf32, #tpu.memory_space<vmem>>, %arg8: memref<1024x128xf32, #tpu.memory_space<vmem>>, %arg9: memref<1024x1xf32, #tpu.memory_space<vmem>>) attributes {dimension_semantics = [#tpu.dimension_semantics<arbitrary>], iteration_bounds = array<i64: 10>, scalar_prefetch = 0 : i64, scratch_operands = 0 : i64, tpu.core_type = #tpu.core_type<tc>, window_params = [{transform_indices = @transform_0, window_bounds = array<i64: 2, 1024, 128>}, {transform_indices = @transform_1, window_bounds = array<i64: 2, 16, 2, 1024>}, {transform_indices = @transform_2, window_bounds = array<i64: 1024, 128>}, {transform_indices = @transform_3, window_bounds = array<i64: 1024, 128>}, {transform_indices = @transform_4, window_bounds = array<i64: 1024, 1>}, {transform_indices = @transform_5, window_bounds = array<i64: 1024, 1>}, {transform_indices = @transform_6, window_bounds = array<i64: 1024, 128>}, {transform_indices = @transform_7, window_bounds = array<i64: 1024, 128>}, {transform_indices = @transform_8, window_bounds = array<i64: 1024, 1>}]} {
    %get3A = arith.constant 0 : index
    %get3A_0 = arith.constant 0 : index
    %get3A_1 = arith.constant 0 : index
    %get3A_2 = vector.load %arg1[%get3A, %get3A_0, %get3A_1] : memref<2x1024x128xf32, #tpu.memory_space<vmem>>, vector<2x1024x128xf32>
    %get3A_3 = arith.constant 0 : index
    %get3A_4 = arith.constant 0 : index
    %get3A_5 = arith.constant 0 : index
    %get3A_6 = arith.constant 0 : index
    %get3A_7 = vector.load %arg2[%get3A_3, %get3A_4, %get3A_5, %get3A_6] : memref<2x16x2x1024xf32, #tpu.memory_space<vmem>>, vector<2x16x2x1024xf32>
    %get3A_8 = arith.constant 0 : index
    %get3A_9 = arith.constant 0 : index
    %get3A_10 = vector.load %arg3[%get3A_8, %get3A_9] : memref<1024x128xf32, #tpu.memory_space<vmem>>, vector<1024x128xf32>
    %get3A_11 = arith.constant 0 : index
    %get3A_12 = arith.constant 0 : index
    %get3A_13 = vector.load %arg4[%get3A_11, %get3A_12] : memref<1024x128xf32, #tpu.memory_space<vmem>>, vector<1024x128xf32>
    %get3A_14 = arith.constant 0 : index
    %get3A_15 = arith.constant 0 : index
    %get3A_16 = vector.load %arg7[%get3A_14, %get3A_15] : memref<1024x128xf32, #tpu.memory_space<vmem>>, vector<1024x128xf32>
    %slice3A = vector.extract_strided_slice %get3A_7 {offsets = [0, 0, 0, 0], sizes = [2, 16, 1, 1024], strides = [1, 1, 1, 1]} : vector<2x16x2x1024xf32> to vector<2x16x1x1024xf32>
    %squeeze3A = vector.shape_cast %slice3A : vector<2x16x1x1024xf32> to vector<2x16x1024xf32>
    %reduce_sum3A = arith.constant dense<0.000000e+00> : vector<1024xf32>
    %reduce_sum3A_17 = vector.multi_reduction <add>, %squeeze3A, %reduce_sum3A [0, 1] : vector<2x16x1024xf32> to vector<1024xf32>
    %broadcast_in_dim3A = vector.shape_cast %reduce_sum3A_17 : vector<1024xf32> to vector<1024x1xf32>
    %get3A_18 = arith.constant 0 : index
    %get3A_19 = arith.constant 0 : index
    %get3A_20 = vector.load %arg5[%get3A_18, %get3A_19] : memref<1024x1xf32, #tpu.memory_space<vmem>>, vector<1024x1xf32>
    %add3A = arith.addf %broadcast_in_dim3A, %get3A_20 : vector<1024x1xf32>
    %slice3A_21 = vector.extract_strided_slice %get3A_7 {offsets = [0, 0, 1, 0], sizes = [2, 16, 1, 1024], strides = [1, 1, 1, 1]} : vector<2x16x2x1024xf32> to vector<2x16x1x1024xf32>
    %squeeze3A_22 = vector.shape_cast %slice3A_21 : vector<2x16x1x1024xf32> to vector<2x16x1024xf32>
    %reduce_sum3A_23 = arith.constant dense<0.000000e+00> : vector<1024xf32>
    %reduce_sum3A_24 = vector.multi_reduction <add>, %squeeze3A_22, %reduce_sum3A_23 [0, 1] : vector<2x16x1024xf32> to vector<1024xf32>
    %broadcast_in_dim3A_25 = vector.shape_cast %reduce_sum3A_24 : vector<1024xf32> to vector<1024x1xf32>
    %get3A_26 = arith.constant 0 : index
    %get3A_27 = arith.constant 0 : index
    %get3A_28 = vector.load %arg6[%get3A_26, %get3A_27] : memref<1024x1xf32, #tpu.memory_space<vmem>>, vector<1024x1xf32>
    %add3A_29 = arith.addf %broadcast_in_dim3A_25, %get3A_28 : vector<1024x1xf32>
    %slice3A_30 = vector.extract_strided_slice %get3A_2 {offsets = [0, 0, 0], sizes = [1, 1024, 128], strides = [1, 1, 1]} : vector<2x1024x128xf32> to vector<1x1024x128xf32>
    %squeeze3A_31 = vector.shape_cast %slice3A_30 : vector<1x1024x128xf32> to vector<1024x128xf32>
    %add3A_32 = arith.addf %squeeze3A_31, %get3A_10 : vector<1024x128xf32>
    %div3A = vector.broadcast %add3A : vector<1024x1xf32> to vector<1024x128xf32>
    %div3A_33 = arith.divf %add3A_32, %div3A : vector<1024x128xf32>
    %slice3A_34 = vector.extract_strided_slice %get3A_2 {offsets = [1, 0, 0], sizes = [1, 1024, 128], strides = [1, 1, 1]} : vector<2x1024x128xf32> to vector<1x1024x128xf32>
    %squeeze3A_35 = vector.shape_cast %slice3A_34 : vector<1x1024x128xf32> to vector<1024x128xf32>
    %add3A_36 = arith.addf %squeeze3A_35, %get3A_13 : vector<1024x128xf32>
    %div3A_37 = vector.broadcast %add3A_29 : vector<1024x1xf32> to vector<1024x128xf32>
    %div3A_38 = arith.divf %add3A_36, %div3A_37 : vector<1024x128xf32>
    %swap3A = arith.constant 0 : index
    %swap3A_39 = arith.constant 0 : index
    %swap3A_40 = vector.load %arg8[%swap3A, %swap3A_39] : memref<1024x128xf32, #tpu.memory_space<vmem>>, vector<1024x128xf32>
    tpu.vector_store %arg8[%swap3A, %swap3A_39], %div3A_38 {strides = array<i32>} : memref<1024x128xf32, #tpu.memory_space<vmem>>, vector<1024x128xf32>,
    %sub3A = arith.subf %div3A_33, %get3A_16 : vector<1024x128xf32>
    %abs3A = math.absf %sub3A : vector<1024x128xf32>
    %reduce_sum3A_41 = arith.constant dense<0.000000e+00> : vector<1024xf32>
    %reduce_sum3A_42 = vector.multi_reduction <add>, %abs3A, %reduce_sum3A_41 [1] : vector<1024x128xf32> to vector<1024xf32>
    %broadcast_in_dim3A_43 = vector.shape_cast %reduce_sum3A_42 : vector<1024xf32> to vector<1024x1xf32>
    %swap3A_44 = arith.constant 0 : index
    %swap3A_45 = arith.constant 0 : index
    %swap3A_46 = vector.load %arg9[%swap3A_44, %swap3A_45] : memref<1024x1xf32, #tpu.memory_space<vmem>>, vector<1024x1xf32>
    tpu.vector_store %arg9[%swap3A_44, %swap3A_45], %broadcast_in_dim3A_43 {strides = array<i32>} : memref<1024x1xf32, #tpu.memory_space<vmem>>, vector<1024x1xf32>,
    return
  }
  func.func @transform_0(%arg0: i32) -> (i32, i32, i32) {
    %c0_i32 = arith.constant 0 : i32
    %c0_i32_0 = arith.constant 0 : i32
    %c0_i32_1 = arith.constant 0 : i32
    return %c0_i32, %arg0, %c0_i32_0 : i32, i32, i32
  }
  func.func @transform_1(%arg0: i32) -> (i32, i32, i32, i32) {
    %c0_i32 = arith.constant 0 : i32
    %c0_i32_0 = arith.constant 0 : i32
    %c0_i32_1 = arith.constant 0 : i32
    %c0_i32_2 = arith.constant 0 : i32
    return %c0_i32, %c0_i32_0, %c0_i32_1, %arg0 : i32, i32, i32, i32
  }
  func.func @transform_2(%arg0: i32) -> (i32, i32) {
    %c0_i32 = arith.constant 0 : i32
    %c0_i32_0 = arith.constant 0 : i32
    return %arg0, %c0_i32 : i32, i32
  }
  func.func @transform_3(%arg0: i32) -> (i32, i32) {
    %c0_i32 = arith.constant 0 : i32
    %c0_i32_0 = arith.constant 0 : i32
    return %arg0, %c0_i32 : i32, i32
  }
  func.func @transform_4(%arg0: i32) -> (i32, i32) {
    %c0_i32 = arith.constant 0 : i32
    %c0_i32_0 = arith.constant 0 : i32
    return %arg0, %c0_i32 : i32, i32
  }
  func.func @transform_5(%arg0: i32) -> (i32, i32) {
    %c0_i32 = arith.constant 0 : i32
    %c0_i32_0 = arith.constant 0 : i32
    return %arg0, %c0_i32 : i32, i32
  }
  func.func @transform_6(%arg0: i32) -> (i32, i32) {
    %c0_i32 = arith.constant 0 : i32
    %c0_i32_0 = arith.constant 0 : i32
    return %arg0, %c0_i32 : i32, i32
  }
  func.func @transform_7(%arg0: i32) -> (i32, i32) {
    %c0_i32 = arith.constant 0 : i32
    %c0_i32_0 = arith.constant 0 : i32
    return %arg0, %c0_i32 : i32, i32
  }
  func.func @transform_8(%arg0: i32) -> (i32, i32) {
    %c0_i32 = arith.constant 0 : i32
    %c0_i32_0 = arith.constant 0 : i32
    return %arg0, %c0_i32 : i32, i32
  }
}

module attributes {stable_mosaic.version = 14 : i64} {
  func.func @_k5_body(%arg0: i32, %arg1: memref<2x16x3x1024xf32, #tpu.memory_space<vmem>>, %arg2: memref<1024x1xf32, #tpu.memory_space<vmem>>, %arg3: memref<2x1024x128xf32, #tpu.memory_space<vmem>>, %arg4: memref<1024x1xf32, #tpu.memory_space<vmem>>, %arg5: memref<1024x1xf32, #tpu.memory_space<vmem>>) attributes {dimension_semantics = [#tpu.dimension_semantics<arbitrary>], iteration_bounds = array<i64: 10>, scalar_prefetch = 0 : i64, scratch_operands = 0 : i64, tpu.core_type = #tpu.core_type<tc>, window_params = [{transform_indices = @transform_0, window_bounds = array<i64: 2, 16, 3, 1024>}, {transform_indices = @transform_1, window_bounds = array<i64: 1024, 1>}, {transform_indices = @transform_2, window_bounds = array<i64: 2, 1024, 128>}, {transform_indices = @transform_3, window_bounds = array<i64: 1024, 1>}, {transform_indices = @transform_4, window_bounds = array<i64: 1024, 1>}]} {
    %get3A = arith.constant 0 : index
    %get3A_0 = arith.constant 0 : index
    %get3A_1 = arith.constant 0 : index
    %get3A_2 = arith.constant 0 : index
    %get3A_3 = vector.load %arg1[%get3A, %get3A_0, %get3A_1, %get3A_2] : memref<2x16x3x1024xf32, #tpu.memory_space<vmem>>, vector<2x16x3x1024xf32>
    %get3A_4 = arith.constant 0 : index
    %get3A_5 = arith.constant 0 : index
    %get3A_6 = arith.constant 0 : index
    %get3A_7 = vector.load %arg3[%get3A_4, %get3A_5, %get3A_6] : memref<2x1024x128xf32, #tpu.memory_space<vmem>>, vector<2x1024x128xf32>
    %slice3A = vector.extract_strided_slice %get3A_3 {offsets = [0, 0, 2, 0], sizes = [2, 16, 1, 1024], strides = [1, 1, 1, 1]} : vector<2x16x3x1024xf32> to vector<2x16x1x1024xf32>
    %squeeze3A = vector.shape_cast %slice3A : vector<2x16x1x1024xf32> to vector<2x16x1024xf32>
    %reduce_sum3A = arith.constant dense<0.000000e+00> : vector<1024xf32>
    %reduce_sum3A_8 = vector.multi_reduction <add>, %squeeze3A, %reduce_sum3A [0, 1] : vector<2x16x1024xf32> to vector<1024xf32>
    %broadcast_in_dim3A = vector.shape_cast %reduce_sum3A_8 : vector<1024xf32> to vector<1024x1xf32>
    %slice3A_9 = vector.extract_strided_slice %get3A_7 {offsets = [0, 0, 0], sizes = [1, 1024, 128], strides = [1, 1, 1]} : vector<2x1024x128xf32> to vector<1x1024x128xf32>
    %squeeze3A_10 = vector.shape_cast %slice3A_9 : vector<1x1024x128xf32> to vector<1024x128xf32>
    %slice3A_11 = vector.extract_strided_slice %get3A_7 {offsets = [1, 0, 0], sizes = [1, 1024, 128], strides = [1, 1, 1]} : vector<2x1024x128xf32> to vector<1x1024x128xf32>
    %squeeze3A_12 = vector.shape_cast %slice3A_11 : vector<1x1024x128xf32> to vector<1024x128xf32>
    %add3A = arith.addf %squeeze3A_10, %squeeze3A_12 : vector<1024x128xf32>
    %reduce_sum3A_13 = arith.constant dense<0.000000e+00> : vector<1024xf32>
    %reduce_sum3A_14 = vector.multi_reduction <add>, %add3A, %reduce_sum3A_13 [1] : vector<1024x128xf32> to vector<1024xf32>
    %broadcast_in_dim3A_15 = vector.shape_cast %reduce_sum3A_14 : vector<1024xf32> to vector<1024x1xf32>
    %get3A_16 = arith.constant 0 : index
    %get3A_17 = arith.constant 0 : index
    %get3A_18 = vector.load %arg4[%get3A_16, %get3A_17] : memref<1024x1xf32, #tpu.memory_space<vmem>>, vector<1024x1xf32>
    %get3A_19 = arith.constant 0 : index
    %get3A_20 = arith.constant 0 : index
    %get3A_21 = vector.load %arg2[%get3A_19, %get3A_20] : memref<1024x1xf32, #tpu.memory_space<vmem>>, vector<1024x1xf32>
    %mul3A = arith.mulf %broadcast_in_dim3A, %get3A_21 : vector<1024x1xf32>
    %sub3A = arith.subf %mul3A, %broadcast_in_dim3A_15 : vector<1024x1xf32>
    %mul3A_22 = arith.constant 1.000000e-01 : f32
    %mul3A_23 = vector.broadcast %mul3A_22 : f32 to vector<1024x1xf32>
    %mul3A_24 = arith.mulf %mul3A_23, %sub3A : vector<1024x1xf32>
    %sub3A_25 = arith.subf %get3A_18, %mul3A_24 : vector<1024x1xf32>
    %swap3A = arith.constant 0 : index
    %swap3A_26 = arith.constant 0 : index
    %swap3A_27 = vector.load %arg5[%swap3A, %swap3A_26] : memref<1024x1xf32, #tpu.memory_space<vmem>>, vector<1024x1xf32>
    tpu.vector_store %arg5[%swap3A, %swap3A_26], %sub3A_25 {strides = array<i32>} : memref<1024x1xf32, #tpu.memory_space<vmem>>, vector<1024x1xf32>,
    return
  }
  func.func @transform_0(%arg0: i32) -> (i32, i32, i32, i32) {
    %c0_i32 = arith.constant 0 : i32
    %c0_i32_0 = arith.constant 0 : i32
    %c0_i32_1 = arith.constant 0 : i32
    %c0_i32_2 = arith.constant 0 : i32
    return %c0_i32, %c0_i32_0, %c0_i32_1, %arg0 : i32, i32, i32, i32
  }
  func.func @transform_1(%arg0: i32) -> (i32, i32) {
    %c0_i32 = arith.constant 0 : i32
    %c0_i32_0 = arith.constant 0 : i32
    return %arg0, %c0_i32 : i32, i32
  }
  func.func @transform_2(%arg0: i32) -> (i32, i32, i32) {
    %c0_i32 = arith.constant 0 : i32
    %c0_i32_0 = arith.constant 0 : i32
    %c0_i32_1 = arith.constant 0 : i32
    return %c0_i32, %arg0, %c0_i32_0 : i32, i32, i32
  }
  func.func @transform_3(%arg0: i32) -> (i32, i32) {
    %c0_i32 = arith.constant 0 : i32
    %c0_i32_0 = arith.constant 0 : i32
    return %arg0, %c0_i32 : i32, i32
  }
  func.func @transform_4(%arg0: i32) -> (i32, i32) {
    %c0_i32 = arith.constant 0 : i32
    %c0_i32_0 = arith.constant 0 : i32
    return %arg0, %c0_i32 : i32, i32
  }
}

</mosaic_0001>

<sc_bundles>
// kernel: kernel.12.cloned.1.call-start
scs
__scs_entry_jumppad:
0x0: {  	(pc) =	sbr.rel $0x88, $3  }
0x1: {  	(tag) =	ssettag $0x0;
	lr =	simm.s32 $0x1  }
0x2: {  	[smem:$0x3F96] =	sst lr;
	_ =	strace $0xD0000000  }
0x3: {  	_ = 	snop  }
0x4: {  	_ = 	snop  }
0x5: {  	_ = 	snop  }
0x6: {  	_ = 	snop  }
0x7: {  	_ = 	snop  }
__scs_overlays_trampoline_lowered:
0x8: {  	[smem:$0x3FA5] =	sst s0  }
0x9: {  	[smem:$0x3FA6] =	sst s1  }
0xa: {  	[smem:$0x3FA7] =	sst s2  }
0xb: {  	[smem:$0x3FA8] =	sst s3  }
0xc: {  	[smem:$0x3FA9] =	sst s4  }
0xd: {  	[smem:$0x3FAA] =	sst s5  }
0xe: {  	[smem:$0x3FAB] =	sst s6  }
0xf: {  	[smem:$0x3FAC] =	sst s7  }
0x10: {  	[smem:$0x3FAD] =	sst s8  }
0x11: {  	[smem:$0x3FAE] =	sst s9;
	s0 =	simm.s32 @!p0 $0x0  }
0x12: {  	s1 =	sld [smem:$0x3F94];
	s0 =	simm.s32 @p0 $0x1  }
0x13: {  	[smem:$0x3FAF] =	sst s0;
	s0 =	simm.s32 @!p1 $0x0  }
0x14: {  	s2 =	sld [smem:$0x3F93];
	s0 =	simm.s32 @p1 $0x1  }
0x15: {  	[smem:$0x3FB0] =	sst s0;
	s0 =	simm.s32 @!p2 $0x0  }
0x16: {  	s3 =	sld [smem:$0x3FDB];
	s0 =	simm.s32 @p2 $0x1  }
0x17: {  	s4 =	simm.s32 $0x1BF5;
	[smem:$0x3FB2] =	sst s0  }
0x18: {  	s0 =	sld [smem:$0x3F95];
	_ =	swait.ge [sflag:s4], $0x0  }
0x19: {  	s7 =	sld [smem:$0x3F96]  }
0x1a: {  	s8 =	sadd.s32 $0xFFFFE003, lr  }
0x1b: {  	s9 =	sadd.s32 $0xFFFFFEF7, lr;
	s5 =	simm.s32 $0xFFFFFFFF;
	p2 =	slt.u32 s8, $0xFFFFF086  }
0x1c: {  	p1 =	slt.u32 s9, $0xF7A;
	s5 =	simm.s32 @!p2 $0x0  }
0x1d: {  	s5 =	simm.s32 @p1 $0x1;
	p0 =	seq.s32 s7, s2  }
0x1e: {  	s7 =	smul.u32 @!p0 $0xF7A, s2;
	p2 =	seq.s32 @!p0 s5, $0x0  }
0x1f: {  	s9 =	smul.u32 $0xF7A, s1;
	s8 =	simm.s32 @!p0 $0x1BF5;
	p2 =	por !p2, p0  }
0x20: {  	[sflag:s8] =	ssyncset.s32 @!p0 $0xFFFFF086;
	s6 =	sadd.s32 @!p0 s3, s7;
	s7 =	simm.s32 @!p0 $0x108  }
0x21: {  	s3 =	sadd.s32 s3, s9;
	s6 =	sadd.s32 @!p0 $0x88, s6;
	s7 =	simm.s32 @p2 $0x1082  }
0x22: {  	[simem:s7], [sflag:s8] =	dma.local @!p0 [hbm:s6], $0xF7A  }
0x23: {  	s9 =	sor.u32 $0xD0000000, s2;
	s6 =	simm.s32 $0x108;
	_ =	swait.ge @!p0 [sflag:s8], $0x0  }
0x24: {  	s3 =	sadd.s32 $0x88, s3;
	s6 =	simm.s32 @!p1 $0x1082;
	[sflag:s4] =	ssyncset.s32 $0xFFFFF086  }
0x25: {  	[simem:s6], [sflag:s4] =	dma.local [hbm:s3], $0xF7A  }
0x26: {  	[smem:$0x3F96] =	sst s1;
	(tag) =	ssettag s2;
	_ =	strace s9  }
0x27: {  	s1 =	sld [smem:$0x3FA6]  }
0x28: {  	s2 =	sld [smem:$0x3FA7]  }
0x29: {  	s4 =	sld [smem:$0x3FA9]  }
0x2a: {  	p0 =	seq.s32 s5, $0x0;
	s5 =	sld [smem:$0x3FAA]  }
0x2b: {  	s6 =	sld [smem:$0x3FAB]  }
0x2c: {  	s7 =	sld [smem:$0x3FAC]  }
0x2d: {  	s3 =	simm.s32 $0x108;
	s8 =	sld [smem:$0x3FAD]  }
0x2e: {  	s3 =	simm.s32 @!p0 $0x1082;
	s9 =	sld [smem:$0x3FAE]  }
0x2f: {  	lr =	sadd.s32 s0, s3;
	s0 =	sld [smem:$0x3FA5]  }
0x30: {  	s3 =	sld [smem:$0x3FA8]  }
0x31: {  	[smem:$0x3FB1] =	sst s10  }
0x32: {  	s10 =	sld [smem:$0x3FAF];
	_ =	sdelay $0x3  }
0x33: {  	p0 =	seq.s32 s10, $0x1;
	s10 =	sld [smem:$0x3FB1];
	_ =	sdelay $0x3  }
0x34: {  	[smem:$0x3FB1] =	sst s10  }
0x35: {  	s10 =	sld [smem:$0x3FB0];
	_ =	sdelay $0x3  }
0x36: {  	p1 =	seq.s32 s10, $0x1;
	s10 =	sld [smem:$0x3FB1];
	_ =	sdelay $0x3  }
0x37: {  	[smem:$0x3FB1] =	sst s10  }
0x38: {  	s10 =	sld [smem:$0x3FB2]  }
0x39: {  	_ = 	snop;
	(pc) =	sbr.ind lr, $3  }
0x3a: {  	_ = 	snop  }
0x3b: {  	_ = 	snop  }
0x3c: {  	p2 =	seq.s32 s10, $0x1;
	s10 =	sld [smem:$0x3FB1]  }
0x3d: {  	_ =	shalt  }
0x3e: {  	_ =	shalt  }
0x3f: {  	_ =	shalt  }
0x40: {  	_ =	shalt  }
0x41: {  	_ =	shalt  }
0x42: {  	_ =	shalt  }
0x43: {  	_ =	shalt  }
0x44: {  	_ =	shalt  }
0x45: {  	_ =	shalt  }
0x46: {  	_ =	shalt  }
0x47: {  	_ =	shalt  }
0x48: {  	_ =	shalt  }
0x49: {  	_ =	shalt  }
0x4a: {  	_ =	shalt  }
0x4b: {  	_ =	shalt  }
0x4c: {  	_ =	shalt  }
0x4d: {  	_ =	shalt  }
0x4e: {  	_ =	shalt  }
0x4f: {  	_ =	shalt  }
0x50: {  	_ =	shalt  }
0x51: {  	_ =	shalt  }
0x52: {  	_ =	shalt  }
0x53: {  	_ =	shalt  }
0x54: {  	_ =	shalt  }
0x55: {  	_ =	shalt  }
0x56: {  	_ =	shalt  }
0x57: {  	_ =	shalt  }
0x58: {  	_ =	shalt  }
0x59: {  	_ =	shalt  }
0x5a: {  	_ =	shalt  }
0x5b: {  	_ =	shalt  }
0x5c: {  	_ =	shalt  }
0x5d: {  	_ =	shalt  }
0x5e: {  	_ =	shalt  }
0x5f: {  	_ =	shalt  }
0x60: {  	_ =	shalt  }
0x61: {  	_ =	shalt  }
0x62: {  	_ =	shalt  }
0x63: {  	_ =	shalt  }
0x64: {  	_ =	shalt  }
0x65: {  	_ =	shalt  }
0x66: {  	_ =	shalt  }
0x67: {  	_ =	shalt  }
0x68: {  	_ =	shalt  }
0x69: {  	_ =	shalt  }
0x6a: {  	_ =	shalt  }
0x6b: {  	_ =	shalt  }
0x6c: {  	_ =	shalt  }
0x6d: {  	_ =	shalt  }
0x6e: {  	_ =	shalt  }
0x6f: {  	_ =	shalt  }
0x70: {  	_ =	shalt  }
0x71: {  	_ =	shalt  }
0x72: {  	_ =	shalt  }
0x73: {  	_ =	shalt  }
0x74: {  	_ =	shalt  }
0x75: {  	_ =	shalt  }
0x76: {  	_ =	shalt  }
0x77: {  	_ =	shalt  }
0x78: {  	_ =	shalt  }
0x79: {  	_ =	shalt  }
0x7a: {  	_ =	shalt  }
0x7b: {  	_ =	shalt  }
0x7c: {  	_ =	shalt  }
0x7d: {  	_ =	shalt  }
0x7e: {  	_ =	shalt  }
0x7f: {  	_ =	shalt  }
0x80: {  	_ =	shalt  }
0x81: {  	_ =	shalt  }
0x82: {  	_ =	shalt  }
0x83: {  	_ =	shalt  }
0x84: {  	_ =	shalt  }
0x85: {  	_ =	shalt  }
0x86: {  	_ =	shalt  }
0x87: {  	_ =	shalt  }
.Lfunc_end0:
.L_simem_size_0:
called_computation_lowered:
.L_overlay_start_0:
0x88: {  	s2 =	sld [smem:$0x3FD9]  }
0x89: {  	s3 =	sld [smem:$0x3FFE];
	_ =	sdelay $0x1  }
0x8a: {  	s1 =	srdreg.scid  }
0x8b: {  	s0 =	sand.u32 $0x1, s1  }
0x8c: {  	s17 =	sshll.u32 s0, $0xA;
	s2 =	sadd.s32 s3, s2  }
0x8d: {  	s2 =	sadd.s32 s2, s17  }
0x8e: {  	[smem:$0x3FBD] =	sst s2  }
0x8f: {  	_ = 	snop  }
0x90: {  	s2 =	sld [smem:$0x3FD0];
	(tm) =	ssettm $0x1  }
0x91: {  	s18 =	sld [smem:$0x3FFB];
	_ =	sdelay $0x3  }
0x92: {  	_ =	strace s18  }
0x93: {  	s3 =	sld [smem:$0x3FFC];
	_ =	sdelay $0x3  }
0x94: {  	_ =	strace s3  }
0x95: {  	s3 =	sld [smem:$0x3FFD];
	_ =	sdelay $0x3  }
0x96: {  	_ =	strace s3  }
0x97: {  	_ =	strace $0x8FFFFFFF  }
0x98: {  	s19 =	sld [smem:$0x3FDB];
	_ =	sdelay $0x1  }
0x99: {  	s4 =	simm.s32 $_scs_section_size  }
0x9a: {  	s5 =	simm.s32 $_size__tile_overlayer_lowered;
	s6 =	simm.s32 $_tile_overlayer_lowered  }
0x9b: {  	s22 =	simm.s32 $0x1BFF;
	s21 =	sshll.u32 s6, $0x1;
	s3 =	sadd.s32 s4, s19  }
0x9c: {  	s7 =	simm.s32 $0x0;
	s20 =	sshll.u32 s5, $0x1;
	s5 =	sadd.s32 s21, s3  }
0x9d: {  	[timem:s7], [sflag:s22] =	dma.local [hbm:s5], s20  }
0x9e: {  	_ =	swait.ge [sflag:s22], s20  }
0x9f: {  	s4 =	ssub.s32 $0x0, s20;
	[sflag:s22] =	ssyncset.done $0x0  }
0xa0: {  	[sflag:s22] =	ssyncadd.s32 s4;
	_ =	sdelay $0x1  }
0xa1: {  	s23 =	simm.s32 $0x1B8B  }
0xa2: {  	_ =	swait.ge [sflag:s23], $0x1  }
0xa3: {  	[sflag:s23] =	ssyncset.done $0x0  }
0xa4: {  	s25 =	simm.s32 $0x1B8E;
	s24 =	sld [smem:$0x3FFE];
	[sflag:s23] =	ssyncadd.s32 $0xFFFFFFFF  }
0xa5: {  	s26 =	simm.s32 $execute0_lowered;
	[smem:$0x3FD2] =	sst s25  }
0xa6: {  	s5 =	sshll.u32 s26, $0x1;
	_ =	strace $0x80000046;
	[dreg:$0x1] =	wrdreg $0xFFFFFFFF  }
0xa7: {  	s28 =	simm.s32 $_size_execute0_lowered;
	s3 =	sadd.s32 s3, s5;
	[dreg:$0x0] =	wrdreg $0x0  }
0xa8: {  	s5 =	sshll.u32 s28, $0x1;
	[dreg:$0x2] =	wrdreg s3  }
0xa9: {  	[dreg:$0x3] =	wrdreg s5  }
0xaa: {  	[dreg:$0x4] =	wrdreg $0xC0  }
0xab: {  	_ =	task [dreg:s7], $0x5FFFF  }
0xac: {  	[dreg:$0x1] =	wrdreg $0xFFFFFFFF  }
0xad: {  	[dreg:$0x0] =	wrdreg $0x60  }
0xae: {  	[dreg:$0x2] =	wrdreg s2  }
0xaf: {  	[dreg:$0x3] =	wrdreg s24  }
0xb0: {  	[dreg:$0x4] =	wrdreg $0x9  }
0xb1: {  	_ =	task.clear_ibuf [dreg:s7], $0x5FFFF;
	_ =	strace $0x90000046  }
0xb2: {  	s29 =	simm.s32 $0x9;
	_ =	strace $0x80000048  }
0xb3: {  	_ =	swait.ge [sflag:s29], $0x1  }
0xb4: {  	[sflag:s29] =	ssyncadd.s32 $0xFFFFFFFF  }
0xb5: {  	_ =	strace $0x90000048  }
0xb6: {  	_ =	sfence  }
0xb7: {  	s30 =	sld [smem:$0x0];
	_ =	sdelay $0x2  }
0xb8: {  	s31 =	sshll.u32 s1, $0xD;
	s1 =	sshrl.u32 s1, $0x2  }
0xb9: {  	s3 =	sand.u32 $0x4000, s31;
	s1 =	sadd.s32 s1, s30  }
0xba: {  	s0 =	sor.u32 s3, s0;
	s1 =	sshll.u32 s1, $0x11  }
0xbb: {  	s0 =	sor.u32 s1, s0  }
0xbc: {  	s0 =	sadd.s32 $0x8F2B, s0  }
0xbd: {  	[sflag:s0] =	ssyncadd.remote.s32 $0x1  }
0xbe: {  	_ =	sfence.sel $0xFFFF  }
0xbf: {  	[dreg:$0x0] =	wrdreg $0xFFFFFFFF;
	(pc) =	sbr.abs _section_cstart, $3  }
0xc0: {  	[dreg:$0x1] =	wrdreg $0xFFFFFFFF  }
0xc1: {  	_ =	task.clear_ibuf [dreg:s7], $0x2FFFF;
	_ =	strace $0x9FFFFFFF  }
0xc2: {  	(tm) =	ssettm $0x7FFFFFFF  }
0xc3: {  	_ =	shalt  }
tec
execute0_lowered:
.L_overlay_start_1:
0x0: {  	(tag) =	ssettag $0x1  }
0x1: {  	s1 =	rddreg [dreg:$0x0]  }
0x2: {  	s5 =	rddreg [dreg:$0x1]  }
0x3: {  	s2 =	srdreg.scid;
	s0 =	rddreg [dreg:$0x2];
	s3 =	simm.s32 $0x0  }
0x4: {  	s13 =	simm.s32 $0x80;
	s14 =	simm.s32 $0x5100;
	s15 =	simm.s32 $0x2900  }
0x5: {  	s16 =	simm.s32 $0x7900;
	s17 =	simm.s32 $0x0;
	s6 =	sand.u32 $0x1, s2  }
0x6: {  	s2 =	stileid.u32;
	[smem:$0x7FF] =	sst s3;
	s10 =	sadd.s32 $0x7BE00, s5  }
0x7: {  	s4 =	sshll.u32 s6, $0x4;
	s7 =	smul.u32 $0x28000, s6;
	_ =	strace $0x80000047  }
0x8: {  	s6 =	ssub.s32 $0x2, s6;
	s11 =	smul.u32 $0x2800, s2;
	s8 =	sor.u32 s2, s4  }
0x9: {  	s4 =	sadd.s32 $0x21E00, s5;
	s12 =	sshrl.u32 s6, $0x1;
	s9 =	smul.u32 $0x7800, s8  }
0xa: {  	s5 =	sadd.s32 $0x17E00, s5;
	s8 =	smul.u32 $0xF00, s8;
	s12 =	ssub.s32 s6, s12  }
0xb: {  	s6 =	sadd.s32 s11, s7;
	s11 =	simm.s32 $0x100;
	s9 =	sshrl.u32 s9, $0x3  }
0xc: {  	s7 =	sadd.s32 s10, s8;
	s9 =	sadd.s32 s10, s9;
	s10 =	smax.u32 s12, $0x1  }
0xd: {  	v0 =	vimm.f32 $0.0e+00;
	v1 =	vimm.f32 $1.000000000e+00;
	s12 =	simm.s32 $0x1;
	s8 =	sadd.s32 $0x500, s9;
	s9 =	sadd.s32 $0xA00, s9  }
.LBB2_1:
0xe: {  	[tilespmem:s11], [sflag:$0x1] =	stream.linear.gather [hbm4b:s1+s3], $0x2800, $0x38;
	[tilespmem:$0xA100] =	vst v63  }
0xf: {  	_ =	swait.ge [sflag:s12], $0x2800  }
0x10: {  	[sflag:s12] =	ssyncset.done $0x0  }
0x11: {  	s18 =	simm.s32 $0x40;
	s19 =	simm.s32 $0x0;
	[sflag:s12] =	ssyncadd.s32 $0xFFFFD800  }
.LBB2_2:
0x12: {  	p0 =	sne.s32 s18, $0x9FC0;
	[tilespmem:s19+$0x2900] =	vst v0;
	s19 =	smov.u32 s18;
	s18 =	sadd.s32 $0x40, s18  }
.Ltmp0:
0x13: {  	(pc) =	sbr.rel @p0 .LBB2_2-.Ltmp0, $2  }
0x14: {  	_ =	sdelay $0x2  }
0x15: {  	s19 =	sshra.s32 s19, $0x2  }
0x16: {  	[tilespmem:s19+$0x2900] =	vst v0;
	s18 =	simm.s32 $0x0;
	s19 =	simm.s32 $0x40;
	s20 =	simm.s32 $0x0  }
.LBB2_4:
0x17: {  	p0 =	sne.s32 s19, $0x9FC0;
	[tilespmem:s20+$0x5100] =	vst v0;
	s20 =	smov.u32 s19;
	s19 =	sadd.s32 $0x40, s19  }
.Ltmp1:
0x18: {  	(pc) =	sbr.rel @p0 .LBB2_4-.Ltmp1, $2  }
0x19: {  	_ =	sdelay $0x2  }
0x1a: {  	s20 =	sshra.s32 s20, $0x2  }
0x1b: {  	[tilespmem:s20+$0x5100] =	vst v0  }
.LBB2_6:
0x1c: {  	p0 =	sne.s32 s18, $0x9FC0  }
.Ltmp2:
0x1d: {  	_ = 	snop;
	(pc) =	sbr.rel @p0 .LBB2_6-.Ltmp2, $3  }
0x1e: {  	_ =	sdelay $0x1  }
0x1f: {  	s19 =	sshra.s32 s18, $0x2  }
0x20: {  	s18 =	sadd.s32 $0x40, s18;
	[tilespmem:s19+$0x7900] =	vst v0  }
0x21: {  	s18 =	simm.s32 $0x0  }
.LBB2_8:
0x22: {  	s19 =	sand.u32 $0x3C00, s18  }
0x23: {  	s20 =	sand.u32 $0x380, s18;
	s19 =	sadd.s32 s19, s6  }
0x24: {  	s19 =	sor.u32 s20, s19  }
0x25: {  	s19 =	sshrl.u32 s19, $0x3  }
0x26: {  	s31 =	sadd.s32 s4, s19  }
0x27: {  	[tilespmem:s3], [sflag:$0x1] =	stream.linear.gather [hbm4b:s31+s3], $0x80, $0x38;
	[tilespmem:$0xA100] =	vst v63  }
0x28: {  	_ =	swait.ge [sflag:s12], $0x80  }
0x29: {  	[sflag:s12] =	ssyncset.done $0x0  }
0x2a: {  	s19 =	sadd.s32 s5, s19;
	[sflag:s12] =	ssyncadd.s32 $0xFFFFFF80  }
0x2b: {  	[tilespmem:s13], [sflag:$0x1] =	stream.linear.gather [hbm4b:s19+s3], $0x80, $0x38;
	[tilespmem:$0xA100] =	vst v63  }
0x2c: {  	_ =	swait.ge [sflag:s12], $0x80  }
0x2d: {  	[sflag:s12] =	ssyncset.done $0x0  }
0x2e: {  	[sflag:s12] =	ssyncadd.s32 $0xFFFFFF80  }
0x2f: {  	v2 =	vld [tilespmem:$0x0];
	_ =	sdelay $0x4  }
0x30: {  	v3 =	vld [tilespmem:$0x80];
	_ =	sdelay $0x2  }
0x31: {  	v4 =	vld.idx.msk [tilespmem:v2+s11+$0x0], $0xffff;
	_ =	sdelay $0x4  }
0x32: {  	[tilespmem:v3+s14+$0x0] =	vst.idx.add.f32.msk $0xffff, v4  }
0x33: {  	[tilespmem:v3+s15+$0x0] =	vst.idx.add.f32.msk $0xffff, v1  }
0x34: {  	[tilespmem:v2+s16+$0x0] =	vst.idx.add.f32.msk $0xffff, v1  }
0x35: {  	v2 =	vld [tilespmem:$0x10];
	_ =	sdelay $0x4  }
0x36: {  	v3 =	vld [tilespmem:$0x90];
	_ =	sdelay $0x2  }
0x37: {  	v4 =	vld.idx.msk [tilespmem:v2+s11+$0x0], $0xffff;
	_ =	sdelay $0x4  }
0x38: {  	[tilespmem:v3+s14+$0x0] =	vst.idx.add.f32.msk $0xffff, v4  }
0x39: {  	[tilespmem:v3+s15+$0x0] =	vst.idx.add.f32.msk $0xffff, v1  }
0x3a: {  	[tilespmem:v2+s16+$0x0] =	vst.idx.add.f32.msk $0xffff, v1  }
0x3b: {  	v2 =	vld [tilespmem:$0x20];
	_ =	sdelay $0x4  }
0x3c: {  	v3 =	vld [tilespmem:$0xA0];
	_ =	sdelay $0x2  }
0x3d: {  	v4 =	vld.idx.msk [tilespmem:v2+s11+$0x0], $0xffff;
	_ =	sdelay $0x4  }
0x3e: {  	[tilespmem:v3+s14+$0x0] =	vst.idx.add.f32.msk $0xffff, v4  }
0x3f: {  	[tilespmem:v3+s15+$0x0] =	vst.idx.add.f32.msk $0xffff, v1  }
0x40: {  	[tilespmem:v2+s16+$0x0] =	vst.idx.add.f32.msk $0xffff, v1  }
0x41: {  	v2 =	vld [tilespmem:$0x30];
	_ =	sdelay $0x4  }
0x42: {  	v3 =	vld [tilespmem:$0xB0];
	_ =	sdelay $0x2  }
0x43: {  	v4 =	vld.idx.msk [tilespmem:v2+s11+$0x0], $0xffff;
	_ =	sdelay $0x4  }
0x44: {  	[tilespmem:v3+s14+$0x0] =	vst.idx.add.f32.msk $0xffff, v4  }
0x45: {  	[tilespmem:v3+s15+$0x0] =	vst.idx.add.f32.msk $0xffff, v1  }
0x46: {  	[tilespmem:v2+s16+$0x0] =	vst.idx.add.f32.msk $0xffff, v1  }
0x47: {  	v2 =	vld [tilespmem:$0x40];
	_ =	sdelay $0x4  }
0x48: {  	v3 =	vld [tilespmem:$0xC0];
	_ =	sdelay $0x2  }
0x49: {  	v4 =	vld.idx.msk [tilespmem:v2+s11+$0x0], $0xffff;
	_ =	sdelay $0x4  }
0x4a: {  	[tilespmem:v3+s14+$0x0] =	vst.idx.add.f32.msk $0xffff, v4  }
0x4b: {  	[tilespmem:v3+s15+$0x0] =	vst.idx.add.f32.msk $0xffff, v1  }
0x4c: {  	[tilespmem:v2+s16+$0x0] =	vst.idx.add.f32.msk $0xffff, v1  }
0x4d: {  	v2 =	vld [tilespmem:$0x50];
	_ =	sdelay $0x4  }
0x4e: {  	v3 =	vld [tilespmem:$0xD0];
	_ =	sdelay $0x2  }
0x4f: {  	v4 =	vld.idx.msk [tilespmem:v2+s11+$0x0], $0xffff;
	_ =	sdelay $0x4  }
0x50: {  	[tilespmem:v3+s14+$0x0] =	vst.idx.add.f32.msk $0xffff, v4  }
0x51: {  	[tilespmem:v3+s15+$0x0] =	vst.idx.add.f32.msk $0xffff, v1  }
0x52: {  	[tilespmem:v2+s16+$0x0] =	vst.idx.add.f32.msk $0xffff, v1  }
0x53: {  	v2 =	vld [tilespmem:$0x60];
	_ =	sdelay $0x4  }
0x54: {  	v3 =	vld [tilespmem:$0xE0];
	_ =	sdelay $0x2  }
0x55: {  	v4 =	vld.idx.msk [tilespmem:v2+s11+$0x0], $0xffff;
	_ =	sdelay $0x4  }
0x56: {  	[tilespmem:v3+s14+$0x0] =	vst.idx.add.f32.msk $0xffff, v4  }
0x57: {  	[tilespmem:v3+s15+$0x0] =	vst.idx.add.f32.msk $0xffff, v1  }
0x58: {  	[tilespmem:v2+s16+$0x0] =	vst.idx.add.f32.msk $0xffff, v1  }
0x59: {  	v2 =	vld [tilespmem:$0x70];
	_ =	sdelay $0x4  }
0x5a: {  	v3 =	vld [tilespmem:$0xF0];
	_ =	sdelay $0x2  }
0x5b: {  	v4 =	vld.idx.msk [tilespmem:v2+s11+$0x0], $0xffff;
	_ =	sdelay $0x1  }
0x5c: {  	p0 =	sne.s32 s18, $0x2780  }
.Ltmp3:
0x5d: {  	_ = 	snop;
	(pc) =	sbr.rel @p0 .LBB2_8-.Ltmp3, $4  }
0x5e: {  	_ = 	snop  }
0x5f: {  	[tilespmem:v3+s14+$0x0] =	vst.idx.add.f32.msk $0xffff, v4  }
0x60: {  	[tilespmem:v3+s15+$0x0] =	vst.idx.add.f32.msk $0xffff, v1  }
0x61: {  	s18 =	sadd.s32 $0x80, s18;
	[tilespmem:v2+s16+$0x0] =	vst.idx.add.f32.msk $0xffff, v1  }
0x62: {  	[hbm4b:s7+s3] =	stream.linear.scatter [tilespmem:s15], [sflag:$0x1], $0x2800, $0x38;
	[tilespmem:$0xA100] =	vst v63  }
0x63: {  	_ =	swait.ge [sflag:s12], $0x2800  }
0x64: {  	[sflag:s12] =	ssyncset.done $0x0  }
0x65: {  	[sflag:s12] =	ssyncadd.s32 $0xFFFFD800  }
0x66: {  	[hbm4b:s8+s3] =	stream.linear.scatter [tilespmem:s14], [sflag:$0x1], $0x2800, $0x38;
	[tilespmem:$0xA100] =	vst v63  }
0x67: {  	s17 =	sadd.s32 $0x1, s17;
	_ =	swait.ge [sflag:s12], $0x2800  }
0x68: {  	p0 =	sne.s32 s17, s10;
	[sflag:s12] =	ssyncset.done $0x0  }
.Ltmp4:
0x69: {  	[sflag:s12] =	ssyncadd.s32 $0xFFFFD800;
	(pc) =	sbr.rel @p0 .LBB2_1-.Ltmp4, $4  }
0x6a: {  	[hbm4b:s9+s3] =	stream.linear.scatter [tilespmem:s16], [sflag:$0x1], $0x2800, $0x38;
	[tilespmem:$0xA100] =	vst v63  }
0x6b: {  	_ =	swait.ge [sflag:s12], $0x2800  }
0x6c: {  	[sflag:s12] =	ssyncset.done $0x0  }
0x6d: {  	[sflag:s12] =	ssyncadd.s32 $0xFFFFD800  }
0x6e: {  	_ =	sfence.sel $0x180000  }
0x6f: {  	[bflag:$0x0] =	sbarrier.arrive $0xFFFF  }
0x70: {  	p0 =	sne.s32 s2, $0x0;
	_ =	strace $0x90000047  }
0x71: {  	s0 =	sadd.s32 @!p0 $0x100000, s0;
	[bflag:$0x2] =	sbarrier.arrive $0xFFFF  }
0x72: {  	[sflag:s0] =	ssyncadd.tile.s32 @!p0 $0x1;
	_ =	shalt  }
.Lfunc_end2:
_tile_overlayer_lowered:
.L_overlay_start_2:
0x73: {  	(tag) =	ssettag $0x2  }
0x74: {  	s0 =	rddreg [dreg:$0x0];
	s2 =	stileid.u32  }
0x75: {  	s1 =	rddreg [dreg:$0x1];
	p0 =	sne.s32 s2, $0x0  }
0x76: {  	s3 =	rddreg [dreg:$0x2];
	[bflag:$0x3] =	sbarrier.arrive $0xFFFF;
	s2 =	simm.s32 @!p0 $0x1C01  }
0x77: {  	[timem:s3], [sflag:s2] =	dma.local @!p0 [hbm:s0], s1  }
0x78: {  	s0 =	simm.s32 @!p0 $0x1  }
0x79: {  	_ =	swait.ge @!p0 [sflag:s0], s1  }
0x7a: {  	s1 =	ssub.s32 @!p0 $0x0, s1;
	[sflag:s0] =	ssyncset.done @!p0 $0x0  }
0x7b: {  	[sflag:s0] =	ssyncadd.s32 @!p0 s1  }
0x7c: {  	[bflag:$0x3] =	sbarrier.arrive $0xFFFF  }
0x7d: {  	_ =	shalt  }

// kernel: kernel.15.cloned.1.call-start
scs
__scs_entry_jumppad:
0x0: {  	(pc) =	sbr.rel $0x88, $3  }
0x1: {  	(tag) =	ssettag $0x0;
	lr =	simm.s32 $0x1  }
0x2: {  	[smem:$0x3F96] =	sst lr;
	_ =	strace $0xD0000000  }
0x3: {  	_ = 	snop  }
0x4: {  	_ = 	snop  }
0x5: {  	_ = 	snop  }
0x6: {  	_ = 	snop  }
0x7: {  	_ = 	snop  }
__scs_overlays_trampoline_lowered:
0x8: {  	[smem:$0x3FA5] =	sst s0  }
0x9: {  	[smem:$0x3FA6] =	sst s1  }
0xa: {  	[smem:$0x3FA7] =	sst s2  }
0xb: {  	[smem:$0x3FA8] =	sst s3  }
0xc: {  	[smem:$0x3FA9] =	sst s4  }
0xd: {  	[smem:$0x3FAA] =	sst s5  }
0xe: {  	[smem:$0x3FAB] =	sst s6  }
0xf: {  	[smem:$0x3FAC] =	sst s7  }
0x10: {  	[smem:$0x3FAD] =	sst s8  }
0x11: {  	[smem:$0x3FAE] =	sst s9;
	s0 =	simm.s32 @!p0 $0x0  }
0x12: {  	s1 =	sld [smem:$0x3F94];
	s0 =	simm.s32 @p0 $0x1  }
0x13: {  	[smem:$0x3FAF] =	sst s0;
	s0 =	simm.s32 @!p1 $0x0  }
0x14: {  	s2 =	sld [smem:$0x3F93];
	s0 =	simm.s32 @p1 $0x1  }
0x15: {  	[smem:$0x3FB0] =	sst s0;
	s0 =	simm.s32 @!p2 $0x0  }
0x16: {  	s3 =	sld [smem:$0x3FDB];
	s0 =	simm.s32 @p2 $0x1  }
0x17: {  	s4 =	simm.s32 $0x1BF5;
	[smem:$0x3FB2] =	sst s0  }
0x18: {  	s0 =	sld [smem:$0x3F95];
	_ =	swait.ge [sflag:s4], $0x0  }
0x19: {  	s7 =	sld [smem:$0x3F96]  }
0x1a: {  	s8 =	sadd.s32 $0xFFFFE003, lr  }
0x1b: {  	s9 =	sadd.s32 $0xFFFFFEF7, lr;
	s5 =	simm.s32 $0xFFFFFFFF;
	p2 =	slt.u32 s8, $0xFFFFF086  }
0x1c: {  	p1 =	slt.u32 s9, $0xF7A;
	s5 =	simm.s32 @!p2 $0x0  }
0x1d: {  	s5 =	simm.s32 @p1 $0x1;
	p0 =	seq.s32 s7, s2  }
0x1e: {  	s7 =	smul.u32 @!p0 $0xF7A, s2;
	p2 =	seq.s32 @!p0 s5, $0x0  }
0x1f: {  	s9 =	smul.u32 $0xF7A, s1;
	s8 =	simm.s32 @!p0 $0x1BF5;
	p2 =	por !p2, p0  }
0x20: {  	[sflag:s8] =	ssyncset.s32 @!p0 $0xFFFFF086;
	s6 =	sadd.s32 @!p0 s3, s7;
	s7 =	simm.s32 @!p0 $0x108  }
0x21: {  	s3 =	sadd.s32 s3, s9;
	s6 =	sadd.s32 @!p0 $0x88, s6;
	s7 =	simm.s32 @p2 $0x1082  }
0x22: {  	[simem:s7], [sflag:s8] =	dma.local @!p0 [hbm:s6], $0xF7A  }
0x23: {  	s9 =	sor.u32 $0xD0000000, s2;
	s6 =	simm.s32 $0x108;
	_ =	swait.ge @!p0 [sflag:s8], $0x0  }
0x24: {  	s3 =	sadd.s32 $0x88, s3;
	s6 =	simm.s32 @!p1 $0x1082;
	[sflag:s4] =	ssyncset.s32 $0xFFFFF086  }
0x25: {  	[simem:s6], [sflag:s4] =	dma.local [hbm:s3], $0xF7A  }
0x26: {  	[smem:$0x3F96] =	sst s1;
	(tag) =	ssettag s2;
	_ =	strace s9  }
0x27: {  	s1 =	sld [smem:$0x3FA6]  }
0x28: {  	s2 =	sld [smem:$0x3FA7]  }
0x29: {  	s4 =	sld [smem:$0x3FA9]  }
0x2a: {  	p0 =	seq.s32 s5, $0x0;
	s5 =	sld [smem:$0x3FAA]  }
0x2b: {  	s6 =	sld [smem:$0x3FAB]  }
0x2c: {  	s7 =	sld [smem:$0x3FAC]  }
0x2d: {  	s3 =	simm.s32 $0x108;
	s8 =	sld [smem:$0x3FAD]  }
0x2e: {  	s3 =	simm.s32 @!p0 $0x1082;
	s9 =	sld [smem:$0x3FAE]  }
0x2f: {  	lr =	sadd.s32 s0, s3;
	s0 =	sld [smem:$0x3FA5]  }
0x30: {  	s3 =	sld [smem:$0x3FA8]  }
0x31: {  	[smem:$0x3FB1] =	sst s10  }
0x32: {  	s10 =	sld [smem:$0x3FAF];
	_ =	sdelay $0x3  }
0x33: {  	p0 =	seq.s32 s10, $0x1;
	s10 =	sld [smem:$0x3FB1];
	_ =	sdelay $0x3  }
0x34: {  	[smem:$0x3FB1] =	sst s10  }
0x35: {  	s10 =	sld [smem:$0x3FB0];
	_ =	sdelay $0x3  }
0x36: {  	p1 =	seq.s32 s10, $0x1;
	s10 =	sld [smem:$0x3FB1];
	_ =	sdelay $0x3  }
0x37: {  	[smem:$0x3FB1] =	sst s10  }
0x38: {  	s10 =	sld [smem:$0x3FB2]  }
0x39: {  	_ = 	snop;
	(pc) =	sbr.ind lr, $3  }
0x3a: {  	_ = 	snop  }
0x3b: {  	_ = 	snop  }
0x3c: {  	p2 =	seq.s32 s10, $0x1;
	s10 =	sld [smem:$0x3FB1]  }
0x3d: {  	_ =	shalt  }
0x3e: {  	_ =	shalt  }
0x3f: {  	_ =	shalt  }
0x40: {  	_ =	shalt  }
0x41: {  	_ =	shalt  }
0x42: {  	_ =	shalt  }
0x43: {  	_ =	shalt  }
0x44: {  	_ =	shalt  }
0x45: {  	_ =	shalt  }
0x46: {  	_ =	shalt  }
0x47: {  	_ =	shalt  }
0x48: {  	_ =	shalt  }
0x49: {  	_ =	shalt  }
0x4a: {  	_ =	shalt  }
0x4b: {  	_ =	shalt  }
0x4c: {  	_ =	shalt  }
0x4d: {  	_ =	shalt  }
0x4e: {  	_ =	shalt  }
0x4f: {  	_ =	shalt  }
0x50: {  	_ =	shalt  }
0x51: {  	_ =	shalt  }
0x52: {  	_ =	shalt  }
0x53: {  	_ =	shalt  }
0x54: {  	_ =	shalt  }
0x55: {  	_ =	shalt  }
0x56: {  	_ =	shalt  }
0x57: {  	_ =	shalt  }
0x58: {  	_ =	shalt  }
0x59: {  	_ =	shalt  }
0x5a: {  	_ =	shalt  }
0x5b: {  	_ =	shalt  }
0x5c: {  	_ =	shalt  }
0x5d: {  	_ =	shalt  }
0x5e: {  	_ =	shalt  }
0x5f: {  	_ =	shalt  }
0x60: {  	_ =	shalt  }
0x61: {  	_ =	shalt  }
0x62: {  	_ =	shalt  }
0x63: {  	_ =	shalt  }
0x64: {  	_ =	shalt  }
0x65: {  	_ =	shalt  }
0x66: {  	_ =	shalt  }
0x67: {  	_ =	shalt  }
0x68: {  	_ =	shalt  }
0x69: {  	_ =	shalt  }
0x6a: {  	_ =	shalt  }
0x6b: {  	_ =	shalt  }
0x6c: {  	_ =	shalt  }
0x6d: {  	_ =	shalt  }
0x6e: {  	_ =	shalt  }
0x6f: {  	_ =	shalt  }
0x70: {  	_ =	shalt  }
0x71: {  	_ =	shalt  }
0x72: {  	_ =	shalt  }
0x73: {  	_ =	shalt  }
0x74: {  	_ =	shalt  }
0x75: {  	_ =	shalt  }
0x76: {  	_ =	shalt  }
0x77: {  	_ =	shalt  }
0x78: {  	_ =	shalt  }
0x79: {  	_ =	shalt  }
0x7a: {  	_ =	shalt  }
0x7b: {  	_ =	shalt  }
0x7c: {  	_ =	shalt  }
0x7d: {  	_ =	shalt  }
0x7e: {  	_ =	shalt  }
0x7f: {  	_ =	shalt  }
0x80: {  	_ =	shalt  }
0x81: {  	_ =	shalt  }
0x82: {  	_ =	shalt  }
0x83: {  	_ =	shalt  }
0x84: {  	_ =	shalt  }
0x85: {  	_ =	shalt  }
0x86: {  	_ =	shalt  }
0x87: {  	_ =	shalt  }
.Lfunc_end0:
.L_simem_size_0:
called_computation.1_lowered:
.L_overlay_start_0:
0x88: {  	s2 =	sld [smem:$0x3FD9]  }
0x89: {  	s3 =	sld [smem:$0x3FFE];
	_ =	sdelay $0x1  }
0x8a: {  	s1 =	srdreg.scid  }
0x8b: {  	s0 =	sand.u32 $0x1, s1  }
0x8c: {  	s16 =	sshll.u32 s0, $0xA;
	s2 =	sadd.s32 s3, s2  }
0x8d: {  	s2 =	sadd.s32 s2, s16  }
0x8e: {  	[smem:$0x3FBD] =	sst s2  }
0x8f: {  	_ = 	snop  }
0x90: {  	(tm) =	ssettm $0x1  }
0x91: {  	s17 =	sld [smem:$0x3FFB];
	_ =	sdelay $0x3  }
0x92: {  	_ =	strace s17  }
0x93: {  	s2 =	sld [smem:$0x3FFC];
	_ =	sdelay $0x3  }
0x94: {  	_ =	strace s2  }
0x95: {  	s2 =	sld [smem:$0x3FFD];
	_ =	sdelay $0x3  }
0x96: {  	_ =	strace s2  }
0x97: {  	_ =	strace $0x8FFFFFFF  }
0x98: {  	s18 =	sld [smem:$0x3FDB];
	_ =	sdelay $0x1  }
0x99: {  	s19 =	simm.s32 $_scs_section_size  }
0x9a: {  	s4 =	simm.s32 $_size__tile_overlayer_lowered;
	s5 =	simm.s32 $_tile_overlayer_lowered  }
0x9b: {  	s22 =	simm.s32 $0x1BFF;
	s21 =	sshll.u32 s5, $0x1;
	s2 =	sadd.s32 s19, s18  }
0x9c: {  	s6 =	simm.s32 $0x0;
	s20 =	sshll.u32 s4, $0x1;
	s4 =	sadd.s32 s21, s2  }
0x9d: {  	[timem:s6], [sflag:s22] =	dma.local [hbm:s4], s20  }
0x9e: {  	_ =	swait.ge [sflag:s22], s20  }
0x9f: {  	s3 =	ssub.s32 $0x0, s20;
	[sflag:s22] =	ssyncset.done $0x0  }
0xa0: {  	[sflag:s22] =	ssyncadd.s32 s3;
	_ =	sdelay $0x1  }
0xa1: {  	s23 =	simm.s32 $0x1B8B  }
0xa2: {  	_ =	swait.ge [sflag:s23], $0x1  }
0xa3: {  	[sflag:s23] =	ssyncset.done $0x0  }
0xa4: {  	s25 =	simm.s32 $0x1B8E;
	s24 =	sld [smem:$0x3FFE];
	[sflag:s23] =	ssyncadd.s32 $0xFFFFFFFF  }
0xa5: {  	s26 =	simm.s32 $execute0_lowered;
	[smem:$0x3FD2] =	sst s25  }
0xa6: {  	s4 =	sshll.u32 s26, $0x1;
	_ =	strace $0x80000049;
	[dreg:$0x1] =	wrdreg $0xFFFFFFFF  }
0xa7: {  	s28 =	simm.s32 $_size_execute0_lowered;
	s2 =	sadd.s32 s2, s4;
	[dreg:$0x0] =	wrdreg $0x0  }
0xa8: {  	s4 =	sshll.u32 s28, $0x1;
	[dreg:$0x2] =	wrdreg s2  }
0xa9: {  	[dreg:$0x3] =	wrdreg s4  }
0xaa: {  	[dreg:$0x4] =	wrdreg $0xC0  }
0xab: {  	_ =	task [dreg:s6], $0x5FFFF  }
0xac: {  	[dreg:$0x1] =	wrdreg $0xFFFFFFFF  }
0xad: {  	[dreg:$0x0] =	wrdreg $0x60  }
0xae: {  	[dreg:$0x2] =	wrdreg s24  }
0xaf: {  	[dreg:$0x3] =	wrdreg $0x41000  }
0xb0: {  	[dreg:$0x4] =	wrdreg $0x9  }
0xb1: {  	_ =	task.clear_ibuf [dreg:s6], $0x5FFFF;
	_ =	strace $0x90000049  }
0xb2: {  	s29 =	simm.s32 $0x9;
	_ =	strace $0x8000004B  }
0xb3: {  	_ =	swait.ge [sflag:s29], $0x1  }
0xb4: {  	[sflag:s29] =	ssyncadd.s32 $0xFFFFFFFF  }
0xb5: {  	_ =	strace $0x9000004B  }
0xb6: {  	_ =	sfence  }
0xb7: {  	s30 =	sld [smem:$0x0];
	_ =	sdelay $0x2  }
0xb8: {  	s31 =	sshll.u32 s1, $0xD;
	s1 =	sshrl.u32 s1, $0x2  }
0xb9: {  	s3 =	sand.u32 $0x4000, s31;
	s1 =	sadd.s32 s1, s30  }
0xba: {  	s0 =	sor.u32 s3, s0;
	s1 =	sshll.u32 s1, $0x11  }
0xbb: {  	s0 =	sor.u32 s1, s0  }
0xbc: {  	s0 =	sadd.s32 $0x8F2B, s0  }
0xbd: {  	[sflag:s0] =	ssyncadd.remote.s32 $0x1  }
0xbe: {  	_ =	sfence.sel $0xFFFF  }
0xbf: {  	[dreg:$0x0] =	wrdreg $0xFFFFFFFF;
	(pc) =	sbr.abs _section_cstart, $3  }
0xc0: {  	[dreg:$0x1] =	wrdreg $0xFFFFFFFF  }
0xc1: {  	_ =	task.clear_ibuf [dreg:s6], $0x2FFFF;
	_ =	strace $0x9FFFFFFF  }
0xc2: {  	(tm) =	ssettm $0x7FFFFFFF  }
0xc3: {  	_ =	shalt  }
tec
execute0_lowered:
.L_overlay_start_1:
0x0: {  	(tag) =	ssettag $0x1  }
0x1: {  	s7 =	rddreg [dreg:$0x0];
	s0 =	srdreg.scid  }
0x2: {  	s2 =	rddreg [dreg:$0x1];
	s1 =	stileid.u32  }
0x3: {  	s3 =	simm.s32 $0x0;
	s16 =	simm.s32 $0x2;
	s17 =	simm.s32 $0x80  }
0x4: {  	s18 =	simm.s32 $0x1;
	s21 =	simm.s32 $0x0;
	s6 =	smul.u32 $0x14000, s1  }
0x5: {  	s8 =	sand.u32 $0x1, s0;
	s0 =	rddreg [dreg:$0x2];
	s10 =	smul.u32 $0x50000, s1  }
0x6: {  	[smem:$0x7FF] =	sst s3;
	s4 =	sadd.s32 $0x2BE00, s7;
	s15 =	smul.u32 $0x2800, s1  }
0x7: {  	s19 =	sshll.u32 s1, $0x6;
	s5 =	smul.u32 $0x140000, s8;
	_ =	strace $0x8000004A  }
0x8: {  	s30 =	ssub.s32 $0x2, s8;
	s12 =	smul.u32 $0x28000, s8;
	s19 =	sor.u32 $0x1C02, s19  }
0x9: {  	s31 =	sshrl.u32 s30, $0x1;
	s10 =	sshrl.u32 s10, $0x2;
	s6 =	sadd.s32 s6, s5  }
0xa: {  	s5 =	sadd.s32 $0x21E00, s7;
	s14 =	ssub.s32 s30, s31;
	s12 =	sadd.s32 s15, s12  }
0xb: {  	s15 =	simm.s32 $0x100;
	s9 =	sshrl.u32 s6, $0x3;
	s6 =	sadd.s32 $0x17E00, s7  }
0xc: {  	s14 =	smax.u32 s14, $0x1;
	s13 =	sadd.s32 s9, s7;
	s7 =	sadd.s32 s10, s2  }
0xd: {  	s8 =	sadd.s32 $0x4000, s7;
	s9 =	sadd.s32 $0x8000, s7;
	s10 =	sadd.s32 $0xC000, s7  }
0xe: {  	v0 =	vimm.f32 $0.0e+00;
	s11 =	sadd.s32 $0x10000, s7;
	s13 =	sadd.s32 $0xCBE00, s13;
	s20 =	sshrl.u32 s7, $0x3  }
.LBB2_1:
0xf: {  	s22 =	simm.s32 $0x0;
	s23 =	simm.s32 $0x200  }
.LBB2_2:
0x10: {  	p0 =	sne.s32 s23, $0xFE00;
	[tilespmem:s22+$0x170] =	vst v0  }
0x11: {  	[tilespmem:s22+$0x100] =	vst v0  }
0x12: {  	[tilespmem:s22+$0x110] =	vst v0  }
.Ltmp0:
0x13: {  	[tilespmem:s22+$0x120] =	vst v0;
	(pc) =	sbr.rel @p0 .LBB2_2-.Ltmp0, $4  }
0x14: {  	[tilespmem:s22+$0x130] =	vst v0  }
0x15: {  	[tilespmem:s22+$0x140] =	vst v0  }
0x16: {  	[tilespmem:s22+$0x150] =	vst v0  }
0x17: {  	[tilespmem:s22+$0x160] =	vst v0;
	s22 =	sshra.s32 s23, $0x2;
	s23 =	sadd.s32 $0x200, s23  }
0x18: {  	[tilespmem:s22+$0x170] =	vst v0  }
0x19: {  	[tilespmem:s22+$0x100] =	vst v0  }
0x1a: {  	[tilespmem:s22+$0x110] =	vst v0  }
0x1b: {  	[tilespmem:s22+$0x120] =	vst v0  }
0x1c: {  	[tilespmem:s22+$0x130] =	vst v0  }
0x1d: {  	[tilespmem:s22+$0x140] =	vst v0  }
0x1e: {  	[tilespmem:s22+$0x150] =	vst v0  }
0x1f: {  	[tilespmem:s22+$0x160] =	vst v0  }
0x20: {  	[spmem:s7] =	stream.linear.scatter [tilespmem:s15], [sflag:$0x2], $0x4000, $0x38;
	[tilespmem:$0x18100] =	vst v63  }
0x21: {  	_ =	swait.ge [sflag:s16], $0x4000  }
0x22: {  	[sflag:s16] =	ssyncset.done $0x0  }
0x23: {  	[sflag:s16] =	ssyncadd.s32 $0xFFFFC000  }
0x24: {  	[spmem:s8] =	stream.linear.scatter [tilespmem:s15], [sflag:$0x2], $0x4000, $0x38;
	[tilespmem:$0x18100] =	vst v63  }
0x25: {  	_ =	swait.ge [sflag:s16], $0x4000  }
0x26: {  	[sflag:s16] =	ssyncset.done $0x0  }
0x27: {  	[sflag:s16] =	ssyncadd.s32 $0xFFFFC000  }
0x28: {  	[spmem:s9] =	stream.linear.scatter [tilespmem:s15], [sflag:$0x2], $0x4000, $0x38;
	[tilespmem:$0x18100] =	vst v63  }
0x29: {  	_ =	swait.ge [sflag:s16], $0x4000  }
0x2a: {  	[sflag:s16] =	ssyncset.done $0x0  }
0x2b: {  	[sflag:s16] =	ssyncadd.s32 $0xFFFFC000  }
0x2c: {  	[spmem:s10] =	stream.linear.scatter [tilespmem:s15], [sflag:$0x2], $0x4000, $0x38;
	[tilespmem:$0x18100] =	vst v63  }
0x2d: {  	_ =	swait.ge [sflag:s16], $0x4000  }
0x2e: {  	s28 =	simm.s32 $0x0;
	[sflag:s16] =	ssyncset.done $0x0  }
0x2f: {  	s23 =	sand.u32 $0x3C00, s28;
	[sflag:s16] =	ssyncadd.s32 $0xFFFFC000  }
0x30: {  	[spmem:s11] =	stream.linear.scatter [tilespmem:s15], [sflag:$0x2], $0x4000, $0x38;
	[tilespmem:$0x18100] =	vst v63  }
0x31: {  	s22 =	sand.u32 $0x380, s28;
	s23 =	sadd.s32 s23, s12;
	_ =	swait.ge [sflag:s16], $0x4000  }
0x32: {  	s22 =	sor.u32 s22, s23;
	[sflag:s16] =	ssyncset.done $0x0  }
0x33: {  	s22 =	sshrl.u32 s22, $0x3;
	[sflag:s16] =	ssyncadd.s32 $0xFFFFC000  }
0x34: {  	s29 =	sadd.s32 s5, s22;
	[bflag:$0x0] =	sbarrier.arrive $0xFFFF  }
0x35: {  	[tilespmem:s3], [sflag:$0x2] =	stream.linear.gather [hbm4b:s29+s3], $0x80, $0x38;
	[tilespmem:$0x18100] =	vst v63  }
0x36: {  	_ =	swait.ge [sflag:s16], $0x80  }
0x37: {  	[sflag:s16] =	ssyncset.done $0x0  }
0x38: {  	s22 =	sadd.s32 s6, s22;
	[sflag:s16] =	ssyncadd.s32 $0xFFFFFF80  }
0x39: {  	[tilespmem:s17], [sflag:$0x2] =	stream.linear.gather [hbm4b:s22+s3], $0x80, $0x38;
	[tilespmem:$0x18100] =	vst v63  }
0x3a: {  	_ =	swait.ge [sflag:s16], $0x80  }
0x3b: {  	[sflag:s16] =	ssyncset.done $0x0  }
0x3c: {  	[sflag:s16] =	ssyncadd.s32 $0xFFFFFF80  }
0x3d: {  	[tilespmem:s15], [sflag:$0x1] =	stream.indirect.gather [hbm4b:s4+s17], $0x80, s3, s17, $0xb8;
	[tilespmem:$0x18100] =	vst v63  }
0x3e: {  	_ =	swait.ge [sflag:s18], $0x4000  }
0x3f: {  	s30 =	simm.s32 $0x80;
	[sflag:s18] =	ssyncset.done $0x0  }
0x40: {  	s31 =	sand.u32 $0x3C00, s30;
	[sflag:s18] =	ssyncadd.s32 $0xFFFFC000  }
0x41: {  	[spmem:s2] =	stream.indirect.scatter.add.f32 [tilespmem:s15], [sflag:$0x2], $0x80, s17, s17, $0xb8;
	[tilespmem:$0x18100] =	vst v63  }
0x42: {  	s24 =	sand.u32 $0x380, s30;
	s23 =	sadd.s32 s31, s12;
	_ =	swait.ge [sflag:s16], $0x4000  }
0x43: {  	s23 =	sor.u32 s24, s23;
	s22 =	simm.s32 $0x100;
	[sflag:s16] =	ssyncset.done $0x0  }
.LBB2_4:
0x44: {  	s23 =	sshrl.u32 s23, $0x3  }
0x45: {  	[sflag:s16] =	ssyncadd.s32 $0xFFFFC000;
	s24 =	smov.u32 s22;
	s25 =	sadd.s32 $0x80, s22  }
0x46: {  	p0 =	sne.s32 s22, $0x2780;
	s22 =	sadd.s32 s5, s23  }
0x47: {  	[tilespmem:s3], [sflag:$0x2] =	stream.linear.gather [hbm4b:s22+s3], $0x80, $0x38;
	[tilespmem:$0x18100] =	vst v63  }
0x48: {  	_ =	swait.ge [sflag:s16], $0x80  }
0x49: {  	[sflag:s16] =	ssyncset.done $0x0  }
0x4a: {  	s22 =	sadd.s32 s6, s23;
	[sflag:s16] =	ssyncadd.s32 $0xFFFFFF80  }
0x4b: {  	[tilespmem:s17], [sflag:$0x2] =	stream.linear.gather [hbm4b:s22+s3], $0x80, $0x38;
	[tilespmem:$0x18100] =	vst v63  }
0x4c: {  	_ =	swait.ge [sflag:s16], $0x80  }
0x4d: {  	[sflag:s16] =	ssyncset.done $0x0  }
0x4e: {  	[sflag:s16] =	ssyncadd.s32 $0xFFFFFF80  }
0x4f: {  	[tilespmem:s15], [sflag:$0x1] =	stream.indirect.gather [hbm4b:s4+s17], $0x80, s3, s17, $0xb8;
	[tilespmem:$0x18100] =	vst v63  }
0x50: {  	_ =	swait.ge [sflag:s18], $0x4000  }
.Ltmp1:
0x51: {  	[sflag:s18] =	ssyncset.done $0x0;
	(pc) =	sbr.rel @p0 .LBB2_4-.Ltmp1, $4  }
0x52: {  	s22 =	sand.u32 $0x3C00, s24;
	[sflag:s18] =	ssyncadd.s32 $0xFFFFC000  }
0x53: {  	[spmem:s2] =	stream.indirect.scatter.add.f32 [tilespmem:s15], [sflag:$0x2], $0x80, s17, s17, $0xb8;
	[tilespmem:$0x18100] =	vst v63  }
0x54: {  	s23 =	sand.u32 $0x380, s24;
	s22 =	sadd.s32 s22, s12;
	_ =	swait.ge [sflag:s16], $0x4000  }
0x55: {  	s23 =	sor.u32 s23, s22;
	s22 =	smov.u32 s25;
	[sflag:s16] =	ssyncset.done $0x0  }
0x56: {  	s22 =	sshrl.u32 s23, $0x3  }
0x57: {  	[sflag:s16] =	ssyncadd.s32 $0xFFFFC000;
	s23 =	sadd.s32 s5, s22  }
0x58: {  	[tilespmem:s3], [sflag:$0x2] =	stream.linear.gather [hbm4b:s23+s3], $0x80, $0x38;
	[tilespmem:$0x18100] =	vst v63  }
0x59: {  	_ =	swait.ge [sflag:s16], $0x80  }
0x5a: {  	[sflag:s16] =	ssyncset.done $0x0  }
0x5b: {  	s22 =	sadd.s32 s6, s22;
	[sflag:s16] =	ssyncadd.s32 $0xFFFFFF80  }
0x5c: {  	[tilespmem:s17], [sflag:$0x2] =	stream.linear.gather [hbm4b:s22+s3], $0x80, $0x38;
	[tilespmem:$0x18100] =	vst v63  }
0x5d: {  	_ =	swait.ge [sflag:s16], $0x80  }
0x5e: {  	[sflag:s16] =	ssyncset.done $0x0  }
0x5f: {  	[sflag:s16] =	ssyncadd.s32 $0xFFFFFF80  }
0x60: {  	[tilespmem:s15], [sflag:$0x1] =	stream.indirect.gather [hbm4b:s4+s17], $0x80, s3, s17, $0xb8;
	[tilespmem:$0x18100] =	vst v63  }
0x61: {  	_ =	swait.ge [sflag:s18], $0x4000  }
0x62: {  	[sflag:s18] =	ssyncset.done $0x0  }
0x63: {  	[sflag:s18] =	ssyncadd.s32 $0xFFFFC000  }
0x64: {  	[spmem:s2] =	stream.indirect.scatter.add.f32 [tilespmem:s15], [sflag:$0x2], $0x80, s17, s17, $0xb8;
	[tilespmem:$0x18100] =	vst v63  }
0x65: {  	_ =	swait.ge [sflag:s16], $0x4000  }
0x66: {  	s21 =	sadd.s32 $0x1, s21;
	[sflag:s16] =	ssyncset.done $0x0  }
0x67: {  	p0 =	sne.s32 s21, s14;
	[sflag:s16] =	ssyncadd.s32 $0xFFFFC000  }
.Ltmp2:
0x68: {  	[bflag:$0x0] =	sbarrier.arrive $0xFFFF;
	(pc) =	sbr.rel @p0 .LBB2_1-.Ltmp2, $4  }
0x69: {  	[hbm:s13], [sflag:s19] =	dma.local [spmem:s20], $0x2800  }
0x6a: {  	_ =	swait.ge [sflag:s16], $0x2800  }
0x6b: {  	[sflag:s16] =	ssyncset.done $0x0  }
0x6c: {  	[sflag:s16] =	ssyncadd.s32 $0xFFFFD800  }
0x6d: {  	_ =	sfence.sel $0x180000  }
0x6e: {  	[bflag:$0x0] =	sbarrier.arrive $0xFFFF  }
0x6f: {  	p0 =	sne.s32 s1, $0x0;
	_ =	strace $0x9000004A  }
0x70: {  	s0 =	sadd.s32 @!p0 $0x100000, s0;
	[bflag:$0x2] =	sbarrier.arrive $0xFFFF  }
0x71: {  	[sflag:s0] =	ssyncadd.tile.s32 @!p0 $0x1;
	_ =	shalt  }
.Lfunc_end2:
_tile_overlayer_lowered:
.L_overlay_start_2:
0x72: {  	(tag) =	ssettag $0x2  }
0x73: {  	s0 =	rddreg [dreg:$0x0];
	s2 =	stileid.u32  }
0x74: {  	s1 =	rddreg [dreg:$0x1];
	p0 =	sne.s32 s2, $0x0  }
0x75: {  	s3 =	rddreg [dreg:$0x2];
	[bflag:$0x3] =	sbarrier.arrive $0xFFFF;
	s2 =	simm.s32 @!p0 $0x1C02  }
0x76: {  	[timem:s3], [sflag:s2] =	dma.local @!p0 [hbm:s0], s1  }
0x77: {  	s0 =	simm.s32 @!p0 $0x2  }
0x78: {  	_ =	swait.ge @!p0 [sflag:s0], s1  }
0x79: {  	s1 =	ssub.s32 @!p0 $0x0, s1;
	[sflag:s0] =	ssyncset.done @!p0 $0x0  }
0x7a: {  	[sflag:s0] =	ssyncadd.s32 @!p0 s1  }
0x7b: {  	[bflag:$0x3] =	sbarrier.arrive $0xFFFF  }
0x7c: {  	_ =	shalt  }

// kernel: kernel.18.cloned.1.call-start
scs
__scs_entry_jumppad:
0x0: {  	(pc) =	sbr.rel $0x88, $3  }
0x1: {  	(tag) =	ssettag $0x0;
	lr =	simm.s32 $0x1  }
0x2: {  	[smem:$0x3F96] =	sst lr;
	_ =	strace $0xD0000000  }
0x3: {  	_ = 	snop  }
0x4: {  	_ = 	snop  }
0x5: {  	_ = 	snop  }
0x6: {  	_ = 	snop  }
0x7: {  	_ = 	snop  }
__scs_overlays_trampoline_lowered:
0x8: {  	[smem:$0x3FA5] =	sst s0  }
0x9: {  	[smem:$0x3FA6] =	sst s1  }
0xa: {  	[smem:$0x3FA7] =	sst s2  }
0xb: {  	[smem:$0x3FA8] =	sst s3  }
0xc: {  	[smem:$0x3FA9] =	sst s4  }
0xd: {  	[smem:$0x3FAA] =	sst s5  }
0xe: {  	[smem:$0x3FAB] =	sst s6  }
0xf: {  	[smem:$0x3FAC] =	sst s7  }
0x10: {  	[smem:$0x3FAD] =	sst s8  }
0x11: {  	[smem:$0x3FAE] =	sst s9;
	s0 =	simm.s32 @!p0 $0x0  }
0x12: {  	s1 =	sld [smem:$0x3F94];
	s0 =	simm.s32 @p0 $0x1  }
0x13: {  	[smem:$0x3FAF] =	sst s0;
	s0 =	simm.s32 @!p1 $0x0  }
0x14: {  	s2 =	sld [smem:$0x3F93];
	s0 =	simm.s32 @p1 $0x1  }
0x15: {  	[smem:$0x3FB0] =	sst s0;
	s0 =	simm.s32 @!p2 $0x0  }
0x16: {  	s3 =	sld [smem:$0x3FDB];
	s0 =	simm.s32 @p2 $0x1  }
0x17: {  	s4 =	simm.s32 $0x1BF5;
	[smem:$0x3FB2] =	sst s0  }
0x18: {  	s0 =	sld [smem:$0x3F95];
	_ =	swait.ge [sflag:s4], $0x0  }
0x19: {  	s7 =	sld [smem:$0x3F96]  }
0x1a: {  	s8 =	sadd.s32 $0xFFFFE003, lr  }
0x1b: {  	s9 =	sadd.s32 $0xFFFFFEF7, lr;
	s5 =	simm.s32 $0xFFFFFFFF;
	p2 =	slt.u32 s8, $0xFFFFF086  }
0x1c: {  	p1 =	slt.u32 s9, $0xF7A;
	s5 =	simm.s32 @!p2 $0x0  }
0x1d: {  	s5 =	simm.s32 @p1 $0x1;
	p0 =	seq.s32 s7, s2  }
0x1e: {  	s7 =	smul.u32 @!p0 $0xF7A, s2;
	p2 =	seq.s32 @!p0 s5, $0x0  }
0x1f: {  	s9 =	smul.u32 $0xF7A, s1;
	s8 =	simm.s32 @!p0 $0x1BF5;
	p2 =	por !p2, p0  }
0x20: {  	[sflag:s8] =	ssyncset.s32 @!p0 $0xFFFFF086;
	s6 =	sadd.s32 @!p0 s3, s7;
	s7 =	simm.s32 @!p0 $0x108  }
0x21: {  	s3 =	sadd.s32 s3, s9;
	s6 =	sadd.s32 @!p0 $0x88, s6;
	s7 =	simm.s32 @p2 $0x1082  }
0x22: {  	[simem:s7], [sflag:s8] =	dma.local @!p0 [hbm:s6], $0xF7A  }
0x23: {  	s9 =	sor.u32 $0xD0000000, s2;
	s6 =	simm.s32 $0x108;
	_ =	swait.ge @!p0 [sflag:s8], $0x0  }
0x24: {  	s3 =	sadd.s32 $0x88, s3;
	s6 =	simm.s32 @!p1 $0x1082;
	[sflag:s4] =	ssyncset.s32 $0xFFFFF086  }
0x25: {  	[simem:s6], [sflag:s4] =	dma.local [hbm:s3], $0xF7A  }
0x26: {  	[smem:$0x3F96] =	sst s1;
	(tag) =	ssettag s2;
	_ =	strace s9  }
0x27: {  	s1 =	sld [smem:$0x3FA6]  }
0x28: {  	s2 =	sld [smem:$0x3FA7]  }
0x29: {  	s4 =	sld [smem:$0x3FA9]  }
0x2a: {  	p0 =	seq.s32 s5, $0x0;
	s5 =	sld [smem:$0x3FAA]  }
0x2b: {  	s6 =	sld [smem:$0x3FAB]  }
0x2c: {  	s7 =	sld [smem:$0x3FAC]  }
0x2d: {  	s3 =	simm.s32 $0x108;
	s8 =	sld [smem:$0x3FAD]  }
0x2e: {  	s3 =	simm.s32 @!p0 $0x1082;
	s9 =	sld [smem:$0x3FAE]  }
0x2f: {  	lr =	sadd.s32 s0, s3;
	s0 =	sld [smem:$0x3FA5]  }
0x30: {  	s3 =	sld [smem:$0x3FA8]  }
0x31: {  	[smem:$0x3FB1] =	sst s10  }
0x32: {  	s10 =	sld [smem:$0x3FAF];
	_ =	sdelay $0x3  }
0x33: {  	p0 =	seq.s32 s10, $0x1;
	s10 =	sld [smem:$0x3FB1];
	_ =	sdelay $0x3  }
0x34: {  	[smem:$0x3FB1] =	sst s10  }
0x35: {  	s10 =	sld [smem:$0x3FB0];
	_ =	sdelay $0x3  }
0x36: {  	p1 =	seq.s32 s10, $0x1;
	s10 =	sld [smem:$0x3FB1];
	_ =	sdelay $0x3  }
0x37: {  	[smem:$0x3FB1] =	sst s10  }
0x38: {  	s10 =	sld [smem:$0x3FB2]  }
0x39: {  	_ = 	snop;
	(pc) =	sbr.ind lr, $3  }
0x3a: {  	_ = 	snop  }
0x3b: {  	_ = 	snop  }
0x3c: {  	p2 =	seq.s32 s10, $0x1;
	s10 =	sld [smem:$0x3FB1]  }
0x3d: {  	_ =	shalt  }
0x3e: {  	_ =	shalt  }
0x3f: {  	_ =	shalt  }
0x40: {  	_ =	shalt  }
0x41: {  	_ =	shalt  }
0x42: {  	_ =	shalt  }
0x43: {  	_ =	shalt  }
0x44: {  	_ =	shalt  }
0x45: {  	_ =	shalt  }
0x46: {  	_ =	shalt  }
0x47: {  	_ =	shalt  }
0x48: {  	_ =	shalt  }
0x49: {  	_ =	shalt  }
0x4a: {  	_ =	shalt  }
0x4b: {  	_ =	shalt  }
0x4c: {  	_ =	shalt  }
0x4d: {  	_ =	shalt  }
0x4e: {  	_ =	shalt  }
0x4f: {  	_ =	shalt  }
0x50: {  	_ =	shalt  }
0x51: {  	_ =	shalt  }
0x52: {  	_ =	shalt  }
0x53: {  	_ =	shalt  }
0x54: {  	_ =	shalt  }
0x55: {  	_ =	shalt  }
0x56: {  	_ =	shalt  }
0x57: {  	_ =	shalt  }
0x58: {  	_ =	shalt  }
0x59: {  	_ =	shalt  }
0x5a: {  	_ =	shalt  }
0x5b: {  	_ =	shalt  }
0x5c: {  	_ =	shalt  }
0x5d: {  	_ =	shalt  }
0x5e: {  	_ =	shalt  }
0x5f: {  	_ =	shalt  }
0x60: {  	_ =	shalt  }
0x61: {  	_ =	shalt  }
0x62: {  	_ =	shalt  }
0x63: {  	_ =	shalt  }
0x64: {  	_ =	shalt  }
0x65: {  	_ =	shalt  }
0x66: {  	_ =	shalt  }
0x67: {  	_ =	shalt  }
0x68: {  	_ =	shalt  }
0x69: {  	_ =	shalt  }
0x6a: {  	_ =	shalt  }
0x6b: {  	_ =	shalt  }
0x6c: {  	_ =	shalt  }
0x6d: {  	_ =	shalt  }
0x6e: {  	_ =	shalt  }
0x6f: {  	_ =	shalt  }
0x70: {  	_ =	shalt  }
0x71: {  	_ =	shalt  }
0x72: {  	_ =	shalt  }
0x73: {  	_ =	shalt  }
0x74: {  	_ =	shalt  }
0x75: {  	_ =	shalt  }
0x76: {  	_ =	shalt  }
0x77: {  	_ =	shalt  }
0x78: {  	_ =	shalt  }
0x79: {  	_ =	shalt  }
0x7a: {  	_ =	shalt  }
0x7b: {  	_ =	shalt  }
0x7c: {  	_ =	shalt  }
0x7d: {  	_ =	shalt  }
0x7e: {  	_ =	shalt  }
0x7f: {  	_ =	shalt  }
0x80: {  	_ =	shalt  }
0x81: {  	_ =	shalt  }
0x82: {  	_ =	shalt  }
0x83: {  	_ =	shalt  }
0x84: {  	_ =	shalt  }
0x85: {  	_ =	shalt  }
0x86: {  	_ =	shalt  }
0x87: {  	_ =	shalt  }
.Lfunc_end0:
.L_simem_size_0:
called_computation.2_lowered:
.L_overlay_start_0:
0x88: {  	s2 =	sld [smem:$0x3FD9]  }
0x89: {  	s3 =	sld [smem:$0x3FFE];
	_ =	sdelay $0x1  }
0x8a: {  	s1 =	srdreg.scid  }
0x8b: {  	s0 =	sand.u32 $0x1, s1  }
0x8c: {  	s17 =	sshll.u32 s0, $0xA;
	s2 =	sadd.s32 s3, s2  }
0x8d: {  	s2 =	sadd.s32 s2, s17  }
0x8e: {  	[smem:$0x3FBD] =	sst s2  }
0x8f: {  	_ = 	snop  }
0x90: {  	(tm) =	ssettm $0x1  }
0x91: {  	s18 =	sld [smem:$0x3FFB];
	_ =	sdelay $0x3  }
0x92: {  	_ =	strace s18  }
0x93: {  	s2 =	sld [smem:$0x3FFC];
	_ =	sdelay $0x3  }
0x94: {  	_ =	strace s2  }
0x95: {  	s2 =	sld [smem:$0x3FFD];
	_ =	sdelay $0x3  }
0x96: {  	_ =	strace s2  }
0x97: {  	_ =	strace $0x8FFFFFFF  }
0x98: {  	s19 =	sld [smem:$0x3FDB];
	_ =	sdelay $0x1  }
0x99: {  	s20 =	simm.s32 $_scs_section_size  }
0x9a: {  	s4 =	simm.s32 $_size__tile_overlayer_lowered;
	s5 =	simm.s32 $_tile_overlayer_lowered  }
0x9b: {  	s6 =	simm.s32 $0x1BFF;
	s21 =	sshll.u32 s5, $0x1;
	s3 =	sadd.s32 s20, s19  }
0x9c: {  	s22 =	simm.s32 $0x0;
	s4 =	sshll.u32 s4, $0x1;
	s5 =	sadd.s32 s21, s3  }
0x9d: {  	[timem:s22], [sflag:s6] =	dma.local [hbm:s5], s4  }
0x9e: {  	_ =	swait.ge [sflag:s6], s4  }
0x9f: {  	s4 =	ssub.s32 $0x0, s4;
	[sflag:s6] =	ssyncset.done $0x0  }
0xa0: {  	[sflag:s6] =	ssyncadd.s32 s4;
	_ =	sdelay $0x1  }
0xa1: {  	s23 =	simm.s32 $0x1B8B  }
0xa2: {  	_ =	swait.ge [sflag:s23], $0x1  }
0xa3: {  	[sflag:s23] =	ssyncset.done $0x0  }
0xa4: {  	[sflag:s23] =	ssyncadd.s32 $0xFFFFFFFF  }
0xa5: {  	s4 =	sld [smem:$0x0]  }
0xa6: {  	s5 =	sand.u32 $0xFFFFFFFE, s1  }
0xa7: {  	p0 =	sne.s32 s1, s5  }
0xa8: {  	s5 =	sshll.u32 @p0 s5, $0xE  }
0xa9: {  	s5 =	sadd.s32 @p0 $0x11B8D, s5;
	s6 =	sshll.u32 @p0 s4, $0x11  }
0xaa: {  	s5 =	sor.u32 @p0 s6, s5  }
0xab: {  	[sflag:s5] =	ssyncadd.remote.s32 @p0 $0x1;
	_ =	sdelay $0x1  }
0xac: {  	s5 =	simm.s32 @p0 $0x1B8D  }
0xad: {  	_ =	swait.eq @p0 [sflag:s5], $0x1  }
0xae: {  	[sflag:s5] =	ssyncadd.s32 @p0 $0xFFFFFFFF  }
0xaf: {  	s6 =	sshll.u32 @!p0 s1, $0xE  }
0xb0: {  	s6 =	sor.u32 @!p0 $0x4000, s6;
	s5 =	simm.s32 @!p0 $0x1B8D  }
0xb1: {  	s4 =	sshll.u32 @!p0 s4, $0x11;
	s6 =	sadd.s32 @!p0 $0x11B8D, s6;
	_ =	swait.eq @!p0 [sflag:s5], $0x1  }
0xb2: {  	s4 =	sor.u32 @!p0 s4, s6;
	[sflag:s5] =	ssyncadd.s32 @!p0 $0xFFFFFFFF  }
0xb3: {  	s25 =	simm.s32 $0x1B8E;
	s24 =	sld [smem:$0x3FFE];
	[sflag:s4] =	ssyncadd.remote.s32 @!p0 $0x1  }
0xb4: {  	s26 =	simm.s32 $execute0_lowered;
	[smem:$0x3FD2] =	sst s25  }
0xb5: {  	s5 =	sshll.u32 s26, $0x1;
	_ =	strace $0x8000004F;
	[dreg:$0x1] =	wrdreg $0xFFFFFFFF  }
0xb6: {  	s28 =	simm.s32 $_size_execute0_lowered;
	s3 =	sadd.s32 s3, s5;
	[dreg:$0x0] =	wrdreg $0x0  }
0xb7: {  	s5 =	sshll.u32 s28, $0x1;
	[dreg:$0x2] =	wrdreg s3  }
0xb8: {  	[dreg:$0x3] =	wrdreg s5  }
0xb9: {  	[dreg:$0x4] =	wrdreg $0xC0  }
0xba: {  	_ =	task [dreg:s22], $0x5FFFF  }
0xbb: {  	[dreg:$0x1] =	wrdreg $0xFFFFFFFF  }
0xbc: {  	[dreg:$0x0] =	wrdreg $0x60  }
0xbd: {  	[dreg:$0x2] =	wrdreg s24  }
0xbe: {  	[dreg:$0x3] =	wrdreg $0x41000  }
0xbf: {  	[dreg:$0x4] =	wrdreg $0x9  }
0xc0: {  	_ =	task.clear_ibuf [dreg:s22], $0x5FFFF;
	_ =	strace $0x9000004F  }
0xc1: {  	s29 =	simm.s32 $0x9;
	_ =	strace $0x80000051  }
0xc2: {  	_ =	swait.ge [sflag:s29], $0x1  }
0xc3: {  	[sflag:s29] =	ssyncadd.s32 $0xFFFFFFFF  }
0xc4: {  	_ =	strace $0x90000051  }
0xc5: {  	_ =	sfence  }
0xc6: {  	s30 =	sld [smem:$0x0];
	_ =	sdelay $0x2  }
0xc7: {  	s31 =	sshll.u32 s1, $0xD;
	s1 =	sshrl.u32 s1, $0x2  }
0xc8: {  	s4 =	sand.u32 $0x4000, s31;
	s1 =	sadd.s32 s1, s30  }
0xc9: {  	s0 =	sor.u32 s4, s0;
	s1 =	sshll.u32 s1, $0x11  }
0xca: {  	s0 =	sor.u32 s1, s0  }
0xcb: {  	s0 =	sadd.s32 $0x8F2B, s0  }
0xcc: {  	[sflag:s0] =	ssyncadd.remote.s32 $0x1  }
0xcd: {  	_ =	sfence.sel $0xFFFF  }
0xce: {  	[dreg:$0x0] =	wrdreg $0xFFFFFFFF;
	(pc) =	sbr.abs _section_cstart, $3  }
0xcf: {  	[dreg:$0x1] =	wrdreg $0xFFFFFFFF  }
0xd0: {  	_ =	task.clear_ibuf [dreg:s22], $0x2FFFF;
	_ =	strace $0x9FFFFFFF  }
0xd1: {  	(tm) =	ssettm $0x7FFFFFFF  }
tec
execute0_lowered:
.L_overlay_start_1:
0x0: {  	(tag) =	ssettag $0x1  }
0x1: {  	s9 =	rddreg [dreg:$0x0]  }
0x2: {  	s1 =	rddreg [dreg:$0x1]  }
0x3: {  	s2 =	srdreg.scid;
	s0 =	rddreg [dreg:$0x2];
	s3 =	simm.s32 $0x0  }
0x4: {  	s17 =	simm.s32 $0x2;
	s18 =	simm.s32 $0x80;
	s19 =	simm.s32 $0x1  }
0x5: {  	s22 =	simm.s32 $0x0;
	s13 =	sand.u32 $0x1, s2;
	s2 =	stileid.u32  }
0x6: {  	[smem:$0x7FF] =	sst s3;
	s4 =	sadd.s32 $0xCBE00, s9;
	s8 =	smul.u32 $0x140000, s13  }
0x7: {  	s5 =	sadd.s32 $0x7BE00, s9;
	s6 =	sadd.s32 $0x130400, s9;
	s10 =	smul.u32 $0x14000, s2  }
0x8: {  	s7 =	sadd.s32 $0x4200, s9;
	_ =	strace $0x80000050;
	s11 =	smul.u32 $0x50000, s2  }
0x9: {  	s31 =	ssub.s32 $0x2, s13;
	p0 =	seq.s32 s13, $0x1;
	s20 =	sshll.u32 s2, $0x6  }
0xa: {  	s13 =	smul.u32 $0x5000, s2;
	s14 =	sshrl.u32 s31, $0x1;
	s20 =	sor.u32 $0x1C02, s20  }
.Ltmp0:
0xb: {  	s8 =	sadd.s32 s10, s8;
	s11 =	sshrl.u32 s11, $0x2;
	(pc) =	sbr.rel .LBB2_1-.Ltmp0, $4  }
0xc: {  	s16 =	ssub.s32 s31, s14;
	s12 =	sshrl.u32 s8, $0x3;
	s8 =	sadd.s32 s11, s1  }
0xd: {  	s15 =	sadd.s32 s12, s9;
	s9 =	sadd.s32 $0x4000, s8;
	s10 =	sadd.s32 $0x8000, s8  }
0xe: {  	s11 =	sadd.s32 $0xC000, s8;
	s12 =	sadd.s32 $0x10000, s8;
	s21 =	sshrl.u32 s8, $0x3  }
0xf: {  	v0 =	vimm.f32 $0.0e+00;
	s14 =	sadd.s32 $0x13A400, s15;
	s15 =	smax.u32 s16, $0x1;
	s16 =	simm.s32 $0x100  }
.LBB2_6:
0x10: {  	s23 =	sshrl.u32 s24, $0x3  }
0x11: {  	[sflag:s17] =	ssyncadd.s32 $0xFFFFC000;
	s24 =	sadd.s32 s7, s23  }
0x12: {  	[tilespmem:s18], [sflag:$0x2] =	stream.linear.gather [hbm4b:s24+s3], $0x80, $0x38;
	[tilespmem:$0x18100] =	vst v63  }
0x13: {  	_ =	swait.ge [sflag:s17], $0x80  }
0x14: {  	[sflag:s17] =	ssyncset.done $0x0  }
0x15: {  	s23 =	sadd.s32 s6, s23;
	[sflag:s17] =	ssyncadd.s32 $0xFFFFFF80  }
0x16: {  	[tilespmem:s3], [sflag:$0x2] =	stream.linear.gather [hbm4b:s23+s3], $0x80, $0x38;
	[tilespmem:$0x18100] =	vst v63  }
0x17: {  	_ =	swait.ge [sflag:s17], $0x80  }
0x18: {  	[sflag:s17] =	ssyncset.done $0x0  }
0x19: {  	[sflag:s17] =	ssyncadd.s32 $0xFFFFFF80  }
0x1a: {  	[tilespmem:s16], [sflag:$0x1] =	stream.indirect.gather [hbm4b:s4+s18], $0x80, s18, s18, $0xb8;
	[tilespmem:$0x18100] =	vst v63  }
0x1b: {  	_ =	swait.ge [sflag:s19], $0x4000  }
0x1c: {  	[sflag:s19] =	ssyncset.done $0x0  }
0x1d: {  	[sflag:s19] =	ssyncadd.s32 $0xFFFFC000  }
0x1e: {  	[spmem:s1] =	stream.indirect.scatter.add.f32 [tilespmem:s16], [sflag:$0x2], $0x80, s3, s18, $0xb8;
	[tilespmem:$0x18100] =	vst v63  }
0x1f: {  	_ =	swait.ge [sflag:s17], $0x4000  }
0x20: {  	[sflag:s17] =	ssyncset.done $0x0  }
0x21: {  	[sflag:s17] =	ssyncadd.s32 $0xFFFFC000  }
.LBB2_10:
0x22: {  	s22 =	sadd.s32 $0x1, s22  }
0x23: {  	p1 =	sne.s32 s22, s15  }
.Ltmp1:
0x24: {  	[bflag:$0x0] =	sbarrier.arrive $0xFFFF;
	(pc) =	sbr.rel @!p1 .LBB2_11-.Ltmp1, $4  }
0x25: {  	[hbm:s14], [sflag:s20] =	dma.local [spmem:s21], $0x2800  }
0x26: {  	_ =	swait.ge [sflag:s17], $0x2800  }
0x27: {  	[sflag:s17] =	ssyncset.done $0x0  }
0x28: {  	[sflag:s17] =	ssyncadd.s32 $0xFFFFD800  }
.LBB2_1:
0x29: {  	s23 =	simm.s32 $0x0;
	s24 =	simm.s32 $0x200  }
.LBB2_2:
0x2a: {  	p1 =	sne.s32 s24, $0xFE00;
	[tilespmem:s23+$0x170] =	vst v0  }
0x2b: {  	[tilespmem:s23+$0x100] =	vst v0  }
0x2c: {  	[tilespmem:s23+$0x110] =	vst v0  }
.Ltmp2:
0x2d: {  	[tilespmem:s23+$0x120] =	vst v0;
	(pc) =	sbr.rel @p1 .LBB2_2-.Ltmp2, $4  }
0x2e: {  	[tilespmem:s23+$0x130] =	vst v0  }
0x2f: {  	[tilespmem:s23+$0x140] =	vst v0  }
0x30: {  	[tilespmem:s23+$0x150] =	vst v0  }
0x31: {  	[tilespmem:s23+$0x160] =	vst v0;
	s23 =	sshra.s32 s24, $0x2;
	s24 =	sadd.s32 $0x200, s24  }
0x32: {  	[tilespmem:s23+$0x170] =	vst v0  }
0x33: {  	[tilespmem:s23+$0x100] =	vst v0  }
0x34: {  	[tilespmem:s23+$0x110] =	vst v0  }
0x35: {  	[tilespmem:s23+$0x120] =	vst v0  }
0x36: {  	[tilespmem:s23+$0x130] =	vst v0  }
0x37: {  	[tilespmem:s23+$0x140] =	vst v0  }
0x38: {  	[tilespmem:s23+$0x150] =	vst v0  }
0x39: {  	[tilespmem:s23+$0x160] =	vst v0  }
0x3a: {  	[spmem:s8] =	stream.linear.scatter [tilespmem:s16], [sflag:$0x2], $0x4000, $0x38;
	[tilespmem:$0x18100] =	vst v63  }
0x3b: {  	_ =	swait.ge [sflag:s17], $0x4000  }
0x3c: {  	[sflag:s17] =	ssyncset.done $0x0  }
0x3d: {  	[sflag:s17] =	ssyncadd.s32 $0xFFFFC000  }
0x3e: {  	[spmem:s9] =	stream.linear.scatter [tilespmem:s16], [sflag:$0x2], $0x4000, $0x38;
	[tilespmem:$0x18100] =	vst v63  }
0x3f: {  	_ =	swait.ge [sflag:s17], $0x4000  }
0x40: {  	[sflag:s17] =	ssyncset.done $0x0  }
0x41: {  	[sflag:s17] =	ssyncadd.s32 $0xFFFFC000  }
0x42: {  	[spmem:s10] =	stream.linear.scatter [tilespmem:s16], [sflag:$0x2], $0x4000, $0x38;
	[tilespmem:$0x18100] =	vst v63  }
0x43: {  	_ =	swait.ge [sflag:s17], $0x4000  }
0x44: {  	[sflag:s17] =	ssyncset.done $0x0  }
0x45: {  	[sflag:s17] =	ssyncadd.s32 $0xFFFFC000  }
0x46: {  	[spmem:s11] =	stream.linear.scatter [tilespmem:s16], [sflag:$0x2], $0x4000, $0x38;
	[tilespmem:$0x18100] =	vst v63  }
0x47: {  	_ =	swait.ge [sflag:s17], $0x4000  }
0x48: {  	[sflag:s17] =	ssyncset.done $0x0  }
0x49: {  	s31 =	simm.s32 $0x0;
	[sflag:s17] =	ssyncadd.s32 $0xFFFFC000  }
0x4a: {  	[spmem:s12] =	stream.linear.scatter [tilespmem:s16], [sflag:$0x2], $0x4000, $0x38;
	[tilespmem:$0x18100] =	vst v63  }
.Ltmp3:
0x4b: {  	s24 =	sand.u32 $0x7C00, s31;
	_ =	swait.ge [sflag:s17], $0x4000;
	(pc) =	sbr.rel @!p0 .LBB2_4-.Ltmp3, $4  }
0x4c: {  	s23 =	sand.u32 $0x380, s31;
	s24 =	sadd.s32 s13, s24;
	[sflag:s17] =	ssyncset.done $0x0  }
0x4d: {  	s23 =	sor.u32 s23, s24;
	[sflag:s17] =	ssyncadd.s32 $0xFFFFC000  }
0x4e: {  	s23 =	sshrl.u32 s23, $0x3;
	[bflag:$0x0] =	sbarrier.arrive $0xFFFF  }
0x4f: {  	s24 =	sadd.s32 s7, s23  }
0x50: {  	[tilespmem:s18], [sflag:$0x2] =	stream.linear.gather [hbm4b:s24+s3], $0x80, $0x38;
	[tilespmem:$0x18100] =	vst v63  }
0x51: {  	_ =	swait.ge [sflag:s17], $0x80  }
0x52: {  	[sflag:s17] =	ssyncset.done $0x0  }
0x53: {  	s23 =	sadd.s32 s6, s23;
	[sflag:s17] =	ssyncadd.s32 $0xFFFFFF80  }
0x54: {  	[tilespmem:s3], [sflag:$0x2] =	stream.linear.gather [hbm4b:s23+s3], $0x80, $0x38;
	[tilespmem:$0x18100] =	vst v63  }
0x55: {  	_ =	swait.ge [sflag:s17], $0x80  }
0x56: {  	[sflag:s17] =	ssyncset.done $0x0  }
0x57: {  	[sflag:s17] =	ssyncadd.s32 $0xFFFFFF80  }
0x58: {  	[tilespmem:s16], [sflag:$0x1] =	stream.indirect.gather [hbm4b:s5+s18], $0x80, s18, s18, $0xb8;
	[tilespmem:$0x18100] =	vst v63  }
0x59: {  	_ =	swait.ge [sflag:s19], $0x4000  }
0x5a: {  	s30 =	simm.s32 $0x80;
	[sflag:s19] =	ssyncset.done $0x0  }
0x5b: {  	s31 =	sand.u32 $0x7C00, s30;
	[sflag:s19] =	ssyncadd.s32 $0xFFFFC000  }
0x5c: {  	[spmem:s1] =	stream.indirect.scatter.add.f32 [tilespmem:s16], [sflag:$0x2], $0x80, s3, s18, $0xb8;
	[tilespmem:$0x18100] =	vst v63  }
0x5d: {  	s25 =	sand.u32 $0x380, s30;
	s24 =	sadd.s32 s13, s31;
	_ =	swait.ge [sflag:s17], $0x4000  }
0x5e: {  	s24 =	sor.u32 s25, s24;
	s23 =	simm.s32 $0x100;
	[sflag:s17] =	ssyncset.done $0x0  }
.LBB2_8:
0x5f: {  	s24 =	sshrl.u32 s24, $0x3  }
0x60: {  	[sflag:s17] =	ssyncadd.s32 $0xFFFFC000;
	s25 =	smov.u32 s23;
	s26 =	sadd.s32 $0x80, s23  }
0x61: {  	p1 =	sne.s32 s23, $0x4E00;
	s23 =	sadd.s32 s7, s24  }
0x62: {  	[tilespmem:s18], [sflag:$0x2] =	stream.linear.gather [hbm4b:s23+s3], $0x80, $0x38;
	[tilespmem:$0x18100] =	vst v63  }
0x63: {  	_ =	swait.ge [sflag:s17], $0x80  }
0x64: {  	[sflag:s17] =	ssyncset.done $0x0  }
0x65: {  	s23 =	sadd.s32 s6, s24;
	[sflag:s17] =	ssyncadd.s32 $0xFFFFFF80  }
0x66: {  	[tilespmem:s3], [sflag:$0x2] =	stream.linear.gather [hbm4b:s23+s3], $0x80, $0x38;
	[tilespmem:$0x18100] =	vst v63  }
0x67: {  	_ =	swait.ge [sflag:s17], $0x80  }
0x68: {  	[sflag:s17] =	ssyncset.done $0x0  }
0x69: {  	[sflag:s17] =	ssyncadd.s32 $0xFFFFFF80  }
0x6a: {  	[tilespmem:s16], [sflag:$0x1] =	stream.indirect.gather [hbm4b:s5+s18], $0x80, s18, s18, $0xb8;
	[tilespmem:$0x18100] =	vst v63  }
0x6b: {  	_ =	swait.ge [sflag:s19], $0x4000  }
.Ltmp4:
0x6c: {  	[sflag:s19] =	ssyncset.done $0x0;
	(pc) =	sbr.rel @p1 .LBB2_8-.Ltmp4, $4  }
0x6d: {  	s23 =	sand.u32 $0x7C00, s25;
	[sflag:s19] =	ssyncadd.s32 $0xFFFFC000  }
0x6e: {  	[spmem:s1] =	stream.indirect.scatter.add.f32 [tilespmem:s16], [sflag:$0x2], $0x80, s3, s18, $0xb8;
	[tilespmem:$0x18100] =	vst v63  }
0x6f: {  	s24 =	sand.u32 $0x380, s25;
	s23 =	sadd.s32 s13, s23;
	_ =	swait.ge [sflag:s17], $0x4000  }
0x70: {  	s24 =	sor.u32 s24, s23;
	s23 =	smov.u32 s26;
	[sflag:s17] =	ssyncset.done $0x0  }
0x71: {  	s23 =	sshrl.u32 s24, $0x3  }
0x72: {  	[sflag:s17] =	ssyncadd.s32 $0xFFFFC000;
	s24 =	sadd.s32 s7, s23  }
0x73: {  	[tilespmem:s18], [sflag:$0x2] =	stream.linear.gather [hbm4b:s24+s3], $0x80, $0x38;
	[tilespmem:$0x18100] =	vst v63  }
0x74: {  	_ =	swait.ge [sflag:s17], $0x80  }
0x75: {  	[sflag:s17] =	ssyncset.done $0x0  }
0x76: {  	s23 =	sadd.s32 s6, s23;
	[sflag:s17] =	ssyncadd.s32 $0xFFFFFF80  }
0x77: {  	[tilespmem:s3], [sflag:$0x2] =	stream.linear.gather [hbm4b:s23+s3], $0x80, $0x38;
	[tilespmem:$0x18100] =	vst v63  }
0x78: {  	_ =	swait.ge [sflag:s17], $0x80  }
0x79: {  	[sflag:s17] =	ssyncset.done $0x0  }
0x7a: {  	[sflag:s17] =	ssyncadd.s32 $0xFFFFFF80  }
0x7b: {  	[tilespmem:s16], [sflag:$0x1] =	stream.indirect.gather [hbm4b:s5+s18], $0x80, s18, s18, $0xb8;
	[tilespmem:$0x18100] =	vst v63  }
0x7c: {  	_ =	swait.ge [sflag:s19], $0x4000  }
0x7d: {  	[sflag:s19] =	ssyncset.done $0x0  }
.Ltmp5:
0x7e: {  	[sflag:s19] =	ssyncadd.s32 $0xFFFFC000;
	(pc) =	sbr.rel .LBB2_10-.Ltmp5, $4  }
0x7f: {  	[spmem:s1] =	stream.indirect.scatter.add.f32 [tilespmem:s16], [sflag:$0x2], $0x80, s3, s18, $0xb8;
	[tilespmem:$0x18100] =	vst v63  }
0x80: {  	_ =	swait.ge [sflag:s17], $0x4000  }
0x81: {  	[sflag:s17] =	ssyncset.done $0x0  }
0x82: {  	[sflag:s17] =	ssyncadd.s32 $0xFFFFC000  }
.LBB2_4:
0x83: {  	[tilespmem:s18], [sflag:$0x2] =	stream.linear.gather [hbm4b:s24+s3], $0x80, $0x38;
	[tilespmem:$0x18100] =	vst v63  }
0x84: {  	_ =	swait.ge [sflag:s17], $0x80  }
0x85: {  	[sflag:s17] =	ssyncset.done $0x0  }
0x86: {  	s23 =	sadd.s32 s6, s23;
	[sflag:s17] =	ssyncadd.s32 $0xFFFFFF80  }
0x87: {  	[tilespmem:s3], [sflag:$0x2] =	stream.linear.gather [hbm4b:s23+s3], $0x80, $0x38;
	[tilespmem:$0x18100] =	vst v63  }
0x88: {  	_ =	swait.ge [sflag:s17], $0x80  }
0x89: {  	[sflag:s17] =	ssyncset.done $0x0  }
0x8a: {  	[sflag:s17] =	ssyncadd.s32 $0xFFFFFF80  }
0x8b: {  	[tilespmem:s16], [sflag:$0x1] =	stream.indirect.gather [hbm4b:s4+s18], $0x80, s18, s18, $0xb8;
	[tilespmem:$0x18100] =	vst v63  }
0x8c: {  	_ =	swait.ge [sflag:s19], $0x4000  }
0x8d: {  	s30 =	simm.s32 $0x80;
	[sflag:s19] =	ssyncset.done $0x0  }
0x8e: {  	s31 =	sand.u32 $0x7C00, s30;
	[sflag:s19] =	ssyncadd.s32 $0xFFFFC000  }
0x8f: {  	[spmem:s1] =	stream.indirect.scatter.add.f32 [tilespmem:s16], [sflag:$0x2], $0x80, s3, s18, $0xb8;
	[tilespmem:$0x18100] =	vst v63  }
0x90: {  	s25 =	sand.u32 $0x380, s30;
	s24 =	sadd.s32 s13, s31;
	_ =	swait.ge [sflag:s17], $0x4000  }
0x91: {  	s24 =	sor.u32 s25, s24;
	s23 =	simm.s32 $0x100;
	[sflag:s17] =	ssyncset.done $0x0  }
.LBB2_5:
0x92: {  	s24 =	sshrl.u32 s24, $0x3  }
0x93: {  	[sflag:s17] =	ssyncadd.s32 $0xFFFFC000;
	s25 =	smov.u32 s23;
	s26 =	sadd.s32 $0x80, s23  }
0x94: {  	p1 =	seq.s32 s23, $0x4E00;
	s23 =	sadd.s32 s7, s24  }
0x95: {  	[tilespmem:s18], [sflag:$0x2] =	stream.linear.gather [hbm4b:s23+s3], $0x80, $0x38;
	[tilespmem:$0x18100] =	vst v63  }
0x96: {  	_ =	swait.ge [sflag:s17], $0x80  }
0x97: {  	[sflag:s17] =	ssyncset.done $0x0  }
0x98: {  	s23 =	sadd.s32 s6, s24;
	[sflag:s17] =	ssyncadd.s32 $0xFFFFFF80  }
0x99: {  	[tilespmem:s3], [sflag:$0x2] =	stream.linear.gather [hbm4b:s23+s3], $0x80, $0x38;
	[tilespmem:$0x18100] =	vst v63  }
0x9a: {  	_ =	swait.ge [sflag:s17], $0x80  }
0x9b: {  	[sflag:s17] =	ssyncset.done $0x0  }
0x9c: {  	[sflag:s17] =	ssyncadd.s32 $0xFFFFFF80  }
0x9d: {  	[tilespmem:s16], [sflag:$0x1] =	stream.indirect.gather [hbm4b:s4+s18], $0x80, s18, s18, $0xb8;
	[tilespmem:$0x18100] =	vst v63  }
0x9e: {  	_ =	swait.ge [sflag:s19], $0x4000  }
.Ltmp6:
0x9f: {  	[sflag:s19] =	ssyncset.done $0x0;
	(pc) =	sbr.rel @!p1 .LBB2_5-.Ltmp6, $4  }
0xa0: {  	s23 =	sand.u32 $0x7C00, s25;
	[sflag:s19] =	ssyncadd.s32 $0xFFFFC000  }
0xa1: {  	[spmem:s1] =	stream.indirect.scatter.add.f32 [tilespmem:s16], [sflag:$0x2], $0x80, s3, s18, $0xb8;
	[tilespmem:$0x18100] =	vst v63  }
0xa2: {  	s24 =	sand.u32 $0x380, s25;
	s23 =	sadd.s32 s13, s23;
	_ =	swait.ge [sflag:s17], $0x4000  }
0xa3: {  	s24 =	sor.u32 s24, s23;
	s23 =	smov.u32 s26;
	[sflag:s17] =	ssyncset.done $0x0  }
.Ltmp7:
0xa4: {  	_ = 	snop;
	(pc) =	sbr.rel .LBB2_6-.Ltmp7, $1  }
0xa5: {  	_ =	sdelay $0x3  }
.LBB2_11:
0xa6: {  	_ =	sfence.sel $0x180000  }
0xa7: {  	[bflag:$0x0] =	sbarrier.arrive $0xFFFF  }
0xa8: {  	p0 =	sne.s32 s2, $0x0;
	_ =	strace $0x90000050  }
0xa9: {  	s0 =	sadd.s32 @!p0 $0x100000, s0;
	[bflag:$0x2] =	sbarrier.arrive $0xFFFF  }
0xaa: {  	[sflag:s0] =	ssyncadd.tile.s32 @!p0 $0x1;
	_ =	shalt  }
.Lfunc_end2:
_tile_overlayer_lowered:
.L_overlay_start_2:
0xab: {  	(tag) =	ssettag $0x2  }
0xac: {  	s0 =	rddreg [dreg:$0x0];
	s2 =	stileid.u32  }
0xad: {  	s1 =	rddreg [dreg:$0x1];
	p0 =	sne.s32 s2, $0x0  }
0xae: {  	s3 =	rddreg [dreg:$0x2];
	[bflag:$0x3] =	sbarrier.arrive $0xFFFF;
	s2 =	simm.s32 @!p0 $0x1C02  }
0xaf: {  	[timem:s3], [sflag:s2] =	dma.local @!p0 [hbm:s0], s1  }
0xb0: {  	s0 =	simm.s32 @!p0 $0x2  }
0xb1: {  	_ =	swait.ge @!p0 [sflag:s0], s1  }
0xb2: {  	s1 =	ssub.s32 @!p0 $0x0, s1;
	[sflag:s0] =	ssyncset.done @!p0 $0x0  }
0xb3: {  	[sflag:s0] =	ssyncadd.s32 @!p0 s1  }
0xb4: {  	[bflag:$0x3] =	sbarrier.arrive $0xFFFF  }
0xb5: {  	_ =	shalt  }

// kernel: kernel.21.cloned.1.call-start
scs
__scs_entry_jumppad:
0x0: {  	(pc) =	sbr.rel $0x88, $3  }
0x1: {  	(tag) =	ssettag $0x0;
	lr =	simm.s32 $0x1  }
0x2: {  	[smem:$0x3F96] =	sst lr;
	_ =	strace $0xD0000000  }
0x3: {  	_ = 	snop  }
0x4: {  	_ = 	snop  }
0x5: {  	_ = 	snop  }
0x6: {  	_ = 	snop  }
0x7: {  	_ = 	snop  }
__scs_overlays_trampoline_lowered:
0x8: {  	[smem:$0x3FA5] =	sst s0  }
0x9: {  	[smem:$0x3FA6] =	sst s1  }
0xa: {  	[smem:$0x3FA7] =	sst s2  }
0xb: {  	[smem:$0x3FA8] =	sst s3  }
0xc: {  	[smem:$0x3FA9] =	sst s4  }
0xd: {  	[smem:$0x3FAA] =	sst s5  }
0xe: {  	[smem:$0x3FAB] =	sst s6  }
0xf: {  	[smem:$0x3FAC] =	sst s7  }
0x10: {  	[smem:$0x3FAD] =	sst s8  }
0x11: {  	[smem:$0x3FAE] =	sst s9;
	s0 =	simm.s32 @!p0 $0x0  }
0x12: {  	s1 =	sld [smem:$0x3F94];
	s0 =	simm.s32 @p0 $0x1  }
0x13: {  	[smem:$0x3FAF] =	sst s0;
	s0 =	simm.s32 @!p1 $0x0  }
0x14: {  	s2 =	sld [smem:$0x3F93];
	s0 =	simm.s32 @p1 $0x1  }
0x15: {  	[smem:$0x3FB0] =	sst s0;
	s0 =	simm.s32 @!p2 $0x0  }
0x16: {  	s3 =	sld [smem:$0x3FDB];
	s0 =	simm.s32 @p2 $0x1  }
0x17: {  	s4 =	simm.s32 $0x1BF5;
	[smem:$0x3FB2] =	sst s0  }
0x18: {  	s0 =	sld [smem:$0x3F95];
	_ =	swait.ge [sflag:s4], $0x0  }
0x19: {  	s7 =	sld [smem:$0x3F96]  }
0x1a: {  	s8 =	sadd.s32 $0xFFFFE003, lr  }
0x1b: {  	s9 =	sadd.s32 $0xFFFFFEF7, lr;
	s5 =	simm.s32 $0xFFFFFFFF;
	p2 =	slt.u32 s8, $0xFFFFF086  }
0x1c: {  	p1 =	slt.u32 s9, $0xF7A;
	s5 =	simm.s32 @!p2 $0x0  }
0x1d: {  	s5 =	simm.s32 @p1 $0x1;
	p0 =	seq.s32 s7, s2  }
0x1e: {  	s7 =	smul.u32 @!p0 $0xF7A, s2;
	p2 =	seq.s32 @!p0 s5, $0x0  }
0x1f: {  	s9 =	smul.u32 $0xF7A, s1;
	s8 =	simm.s32 @!p0 $0x1BF5;
	p2 =	por !p2, p0  }
0x20: {  	[sflag:s8] =	ssyncset.s32 @!p0 $0xFFFFF086;
	s6 =	sadd.s32 @!p0 s3, s7;
	s7 =	simm.s32 @!p0 $0x108  }
0x21: {  	s3 =	sadd.s32 s3, s9;
	s6 =	sadd.s32 @!p0 $0x88, s6;
	s7 =	simm.s32 @p2 $0x1082  }
0x22: {  	[simem:s7], [sflag:s8] =	dma.local @!p0 [hbm:s6], $0xF7A  }
0x23: {  	s9 =	sor.u32 $0xD0000000, s2;
	s6 =	simm.s32 $0x108;
	_ =	swait.ge @!p0 [sflag:s8], $0x0  }
0x24: {  	s3 =	sadd.s32 $0x88, s3;
	s6 =	simm.s32 @!p1 $0x1082;
	[sflag:s4] =	ssyncset.s32 $0xFFFFF086  }
0x25: {  	[simem:s6], [sflag:s4] =	dma.local [hbm:s3], $0xF7A  }
0x26: {  	[smem:$0x3F96] =	sst s1;
	(tag) =	ssettag s2;
	_ =	strace s9  }
0x27: {  	s1 =	sld [smem:$0x3FA6]  }
0x28: {  	s2 =	sld [smem:$0x3FA7]  }
0x29: {  	s4 =	sld [smem:$0x3FA9]  }
0x2a: {  	p0 =	seq.s32 s5, $0x0;
	s5 =	sld [smem:$0x3FAA]  }
0x2b: {  	s6 =	sld [smem:$0x3FAB]  }
0x2c: {  	s7 =	sld [smem:$0x3FAC]  }
0x2d: {  	s3 =	simm.s32 $0x108;
	s8 =	sld [smem:$0x3FAD]  }
0x2e: {  	s3 =	simm.s32 @!p0 $0x1082;
	s9 =	sld [smem:$0x3FAE]  }
0x2f: {  	lr =	sadd.s32 s0, s3;
	s0 =	sld [smem:$0x3FA5]  }
0x30: {  	s3 =	sld [smem:$0x3FA8]  }
0x31: {  	[smem:$0x3FB1] =	sst s10  }
0x32: {  	s10 =	sld [smem:$0x3FAF];
	_ =	sdelay $0x3  }
0x33: {  	p0 =	seq.s32 s10, $0x1;
	s10 =	sld [smem:$0x3FB1];
	_ =	sdelay $0x3  }
0x34: {  	[smem:$0x3FB1] =	sst s10  }
0x35: {  	s10 =	sld [smem:$0x3FB0];
	_ =	sdelay $0x3  }
0x36: {  	p1 =	seq.s32 s10, $0x1;
	s10 =	sld [smem:$0x3FB1];
	_ =	sdelay $0x3  }
0x37: {  	[smem:$0x3FB1] =	sst s10  }
0x38: {  	s10 =	sld [smem:$0x3FB2]  }
0x39: {  	_ = 	snop;
	(pc) =	sbr.ind lr, $3  }
0x3a: {  	_ = 	snop  }
0x3b: {  	_ = 	snop  }
0x3c: {  	p2 =	seq.s32 s10, $0x1;
	s10 =	sld [smem:$0x3FB1]  }
0x3d: {  	_ =	shalt  }
0x3e: {  	_ =	shalt  }
0x3f: {  	_ =	shalt  }
0x40: {  	_ =	shalt  }
0x41: {  	_ =	shalt  }
0x42: {  	_ =	shalt  }
0x43: {  	_ =	shalt  }
0x44: {  	_ =	shalt  }
0x45: {  	_ =	shalt  }
0x46: {  	_ =	shalt  }
0x47: {  	_ =	shalt  }
0x48: {  	_ =	shalt  }
0x49: {  	_ =	shalt  }
0x4a: {  	_ =	shalt  }
0x4b: {  	_ =	shalt  }
0x4c: {  	_ =	shalt  }
0x4d: {  	_ =	shalt  }
0x4e: {  	_ =	shalt  }
0x4f: {  	_ =	shalt  }
0x50: {  	_ =	shalt  }
0x51: {  	_ =	shalt  }
0x52: {  	_ =	shalt  }
0x53: {  	_ =	shalt  }
0x54: {  	_ =	shalt  }
0x55: {  	_ =	shalt  }
0x56: {  	_ =	shalt  }
0x57: {  	_ =	shalt  }
0x58: {  	_ =	shalt  }
0x59: {  	_ =	shalt  }
0x5a: {  	_ =	shalt  }
0x5b: {  	_ =	shalt  }
0x5c: {  	_ =	shalt  }
0x5d: {  	_ =	shalt  }
0x5e: {  	_ =	shalt  }
0x5f: {  	_ =	shalt  }
0x60: {  	_ =	shalt  }
0x61: {  	_ =	shalt  }
0x62: {  	_ =	shalt  }
0x63: {  	_ =	shalt  }
0x64: {  	_ =	shalt  }
0x65: {  	_ =	shalt  }
0x66: {  	_ =	shalt  }
0x67: {  	_ =	shalt  }
0x68: {  	_ =	shalt  }
0x69: {  	_ =	shalt  }
0x6a: {  	_ =	shalt  }
0x6b: {  	_ =	shalt  }
0x6c: {  	_ =	shalt  }
0x6d: {  	_ =	shalt  }
0x6e: {  	_ =	shalt  }
0x6f: {  	_ =	shalt  }
0x70: {  	_ =	shalt  }
0x71: {  	_ =	shalt  }
0x72: {  	_ =	shalt  }
0x73: {  	_ =	shalt  }
0x74: {  	_ =	shalt  }
0x75: {  	_ =	shalt  }
0x76: {  	_ =	shalt  }
0x77: {  	_ =	shalt  }
0x78: {  	_ =	shalt  }
0x79: {  	_ =	shalt  }
0x7a: {  	_ =	shalt  }
0x7b: {  	_ =	shalt  }
0x7c: {  	_ =	shalt  }
0x7d: {  	_ =	shalt  }
0x7e: {  	_ =	shalt  }
0x7f: {  	_ =	shalt  }
0x80: {  	_ =	shalt  }
0x81: {  	_ =	shalt  }
0x82: {  	_ =	shalt  }
0x83: {  	_ =	shalt  }
0x84: {  	_ =	shalt  }
0x85: {  	_ =	shalt  }
0x86: {  	_ =	shalt  }
0x87: {  	_ =	shalt  }
.Lfunc_end0:
.L_simem_size_0:
called_computation.3_lowered:
.L_overlay_start_0:
0x88: {  	s2 =	sld [smem:$0x3FD9]  }
0x89: {  	s3 =	sld [smem:$0x3FFE];
	_ =	sdelay $0x1  }
0x8a: {  	s1 =	srdreg.scid  }
0x8b: {  	s0 =	sand.u32 $0x1, s1  }
0x8c: {  	s17 =	sshll.u32 s0, $0xA;
	s2 =	sadd.s32 s3, s2  }
0x8d: {  	s2 =	sadd.s32 s2, s17  }
0x8e: {  	[smem:$0x3FBD] =	sst s2  }
0x8f: {  	_ = 	snop  }
0x90: {  	s2 =	sld [smem:$0x3FD0];
	(tm) =	ssettm $0x1  }
0x91: {  	s18 =	sld [smem:$0x3FFB];
	_ =	sdelay $0x3  }
0x92: {  	_ =	strace s18  }
0x93: {  	s3 =	sld [smem:$0x3FFC];
	_ =	sdelay $0x3  }
0x94: {  	_ =	strace s3  }
0x95: {  	s3 =	sld [smem:$0x3FFD];
	_ =	sdelay $0x3  }
0x96: {  	_ =	strace s3  }
0x97: {  	_ =	strace $0x8FFFFFFF  }
0x98: {  	s19 =	sld [smem:$0x3FDB];
	_ =	sdelay $0x1  }
0x99: {  	s4 =	simm.s32 $_scs_section_size  }
0x9a: {  	s5 =	simm.s32 $_size__tile_overlayer_lowered;
	s6 =	simm.s32 $_tile_overlayer_lowered  }
0x9b: {  	s22 =	simm.s32 $0x1BFF;
	s21 =	sshll.u32 s6, $0x1;
	s3 =	sadd.s32 s4, s19  }
0x9c: {  	s7 =	simm.s32 $0x0;
	s20 =	sshll.u32 s5, $0x1;
	s5 =	sadd.s32 s21, s3  }
0x9d: {  	[timem:s7], [sflag:s22] =	dma.local [hbm:s5], s20  }
0x9e: {  	_ =	swait.ge [sflag:s22], s20  }
0x9f: {  	s4 =	ssub.s32 $0x0, s20;
	[sflag:s22] =	ssyncset.done $0x0  }
0xa0: {  	[sflag:s22] =	ssyncadd.s32 s4;
	_ =	sdelay $0x1  }
0xa1: {  	s23 =	simm.s32 $0x1B8B  }
0xa2: {  	_ =	swait.ge [sflag:s23], $0x1  }
0xa3: {  	[sflag:s23] =	ssyncset.done $0x0  }
0xa4: {  	s25 =	simm.s32 $0x1B8E;
	s24 =	sld [smem:$0x3FFE];
	[sflag:s23] =	ssyncadd.s32 $0xFFFFFFFF  }
0xa5: {  	s26 =	simm.s32 $execute0_lowered;
	[smem:$0x3FD2] =	sst s25  }
0xa6: {  	s5 =	sshll.u32 s26, $0x1;
	_ =	strace $0x8000004C;
	[dreg:$0x1] =	wrdreg $0xFFFFFFFF  }
0xa7: {  	s28 =	simm.s32 $_size_execute0_lowered;
	s3 =	sadd.s32 s3, s5;
	[dreg:$0x0] =	wrdreg $0x0  }
0xa8: {  	s5 =	sshll.u32 s28, $0x1;
	[dreg:$0x2] =	wrdreg s3  }
0xa9: {  	[dreg:$0x3] =	wrdreg s5  }
0xaa: {  	[dreg:$0x4] =	wrdreg $0xC0  }
0xab: {  	_ =	task [dreg:s7], $0x5FFFF  }
0xac: {  	[dreg:$0x1] =	wrdreg $0xFFFFFFFF  }
0xad: {  	[dreg:$0x0] =	wrdreg $0x60  }
0xae: {  	[dreg:$0x2] =	wrdreg s2  }
0xaf: {  	[dreg:$0x3] =	wrdreg s24  }
0xb0: {  	[dreg:$0x4] =	wrdreg $0xA  }
0xb1: {  	_ =	task.clear_ibuf [dreg:s7], $0x5FFFF;
	_ =	strace $0x9000004C  }
0xb2: {  	s29 =	simm.s32 $0xA;
	_ =	strace $0x8000004E  }
0xb3: {  	_ =	swait.ge [sflag:s29], $0x1  }
0xb4: {  	[sflag:s29] =	ssyncadd.s32 $0xFFFFFFFF  }
0xb5: {  	_ =	strace $0x9000004E  }
0xb6: {  	_ =	sfence  }
0xb7: {  	s30 =	sld [smem:$0x0];
	_ =	sdelay $0x2  }
0xb8: {  	s31 =	sshll.u32 s1, $0xD;
	s1 =	sshrl.u32 s1, $0x2  }
0xb9: {  	s3 =	sand.u32 $0x4000, s31;
	s1 =	sadd.s32 s1, s30  }
0xba: {  	s0 =	sor.u32 s3, s0;
	s1 =	sshll.u32 s1, $0x11  }
0xbb: {  	s0 =	sor.u32 s1, s0  }
0xbc: {  	s0 =	sadd.s32 $0x8F2B, s0  }
0xbd: {  	[sflag:s0] =	ssyncadd.remote.s32 $0x1  }
0xbe: {  	_ =	sfence.sel $0xFFFF  }
0xbf: {  	[dreg:$0x0] =	wrdreg $0xFFFFFFFF;
	(pc) =	sbr.abs _section_cstart, $3  }
0xc0: {  	[dreg:$0x1] =	wrdreg $0xFFFFFFFF  }
0xc1: {  	_ =	task.clear_ibuf [dreg:s7], $0x2FFFF;
	_ =	strace $0x9FFFFFFF  }
0xc2: {  	(tm) =	ssettm $0x7FFFFFFF  }
0xc3: {  	_ =	shalt  }
tec
execute0_lowered:
.L_overlay_start_1:
0x0: {  	(tag) =	ssettag $0x1  }
0x1: {  	s1 =	rddreg [dreg:$0x0]  }
0x2: {  	s7 =	rddreg [dreg:$0x1]  }
0x3: {  	s0 =	rddreg [dreg:$0x2];
	s2 =	simm.s32 $0x0;
	s3 =	srdreg.scid  }
0x4: {  	s15 =	simm.s32 $0x5100;
	s16 =	simm.s32 $0x7900;
	s17 =	simm.s32 $0x0  }
0x5: {  	[smem:$0x7FF] =	sst s2;
	s6 =	sand.u32 $0x1, s3;
	s3 =	stileid.u32  }
0x6: {  	s4 =	sadd.s32 $0x11BE00, s7;
	s8 =	smul.u32 $0x28000, s6;
	s5 =	sshll.u32 s6, $0x4  }
0x7: {  	s14 =	sadd.s32 $0x11C400, s7;
	s9 =	smul.u32 $0x2800, s3;
	s10 =	sor.u32 s3, s5  }
0x8: {  	_ =	strace $0x8000004D;
	s11 =	ssub.s32 $0x2, s6;
	s12 =	smul.u32 $0x5000, s10  }
0x9: {  	s6 =	sadd.s32 $0x17E00, s7;
	s13 =	sshrl.u32 s11, $0x1;
	s10 =	smul.u32 $0xA00, s10  }
0xa: {  	s5 =	sadd.s32 $0x21E00, s7;
	s11 =	ssub.s32 s11, s13;
	s7 =	sadd.s32 s9, s8  }
0xb: {  	s13 =	simm.s32 $0x2900;
	s12 =	sshrl.u32 s12, $0x3;
	s8 =	sadd.s32 s14, s10  }
0xc: {  	s10 =	smax.u32 s11, $0x1;
	s11 =	simm.s32 $0x100;
	s31 =	sadd.s32 s14, s12  }
0xd: {  	v0 =	vimm.f32 $0.0e+00;
	s12 =	simm.s32 $0x1;
	s14 =	simm.s32 $0x80;
	s9 =	sadd.s32 $0x500, s31  }
.LBB2_1:
0xe: {  	[tilespmem:s11], [sflag:$0x1] =	stream.linear.gather [hbm4b:s1+s2], $0x2800, $0x38;
	[tilespmem:$0xA100] =	vst v63  }
0xf: {  	_ =	swait.ge [sflag:s12], $0x2800  }
0x10: {  	[sflag:s12] =	ssyncset.done $0x0  }
0x11: {  	[sflag:s12] =	ssyncadd.s32 $0xFFFFD800  }
0x12: {  	[tilespmem:s13], [sflag:$0x1] =	stream.linear.gather [hbm4b:s4+s2], $0x2800, $0x38;
	[tilespmem:$0xA100] =	vst v63  }
0x13: {  	_ =	swait.ge [sflag:s12], $0x2800  }
0x14: {  	[sflag:s12] =	ssyncset.done $0x0  }
0x15: {  	s18 =	simm.s32 $0x40;
	s19 =	simm.s32 $0x0;
	[sflag:s12] =	ssyncadd.s32 $0xFFFFD800  }
.LBB2_2:
0x16: {  	p0 =	sne.s32 s18, $0x9FC0;
	[tilespmem:s19+$0x5100] =	vst v0;
	s19 =	smov.u32 s18;
	s18 =	sadd.s32 $0x40, s18  }
.Ltmp0:
0x17: {  	(pc) =	sbr.rel @p0 .LBB2_2-.Ltmp0, $2  }
0x18: {  	_ =	sdelay $0x2  }
0x19: {  	s19 =	sshra.s32 s19, $0x2  }
0x1a: {  	[tilespmem:s19+$0x5100] =	vst v0;
	s18 =	simm.s32 $0x0;
	s19 =	simm.s32 $0x40;
	s20 =	simm.s32 $0x0  }
.LBB2_4:
0x1b: {  	p0 =	sne.s32 s19, $0x9FC0;
	[tilespmem:s20+$0x7900] =	vst v0;
	s20 =	smov.u32 s19;
	s19 =	sadd.s32 $0x40, s19  }
.Ltmp1:
0x1c: {  	(pc) =	sbr.rel @p0 .LBB2_4-.Ltmp1, $2  }
0x1d: {  	_ =	sdelay $0x2  }
0x1e: {  	s20 =	sshra.s32 s20, $0x2  }
0x1f: {  	[tilespmem:s20+$0x7900] =	vst v0  }
.LBB2_6:
0x20: {  	s19 =	sand.u32 $0x3C00, s18  }
0x21: {  	s20 =	sand.u32 $0x380, s18;
	s19 =	sadd.s32 s19, s7  }
0x22: {  	s19 =	sor.u32 s20, s19  }
0x23: {  	s19 =	sshrl.u32 s19, $0x3  }
0x24: {  	s31 =	sadd.s32 s5, s19  }
0x25: {  	[tilespmem:s2], [sflag:$0x1] =	stream.linear.gather [hbm4b:s31+s2], $0x80, $0x38;
	[tilespmem:$0xA100] =	vst v63  }
0x26: {  	_ =	swait.ge [sflag:s12], $0x80  }
0x27: {  	[sflag:s12] =	ssyncset.done $0x0  }
0x28: {  	s19 =	sadd.s32 s6, s19;
	[sflag:s12] =	ssyncadd.s32 $0xFFFFFF80  }
0x29: {  	[tilespmem:s14], [sflag:$0x1] =	stream.linear.gather [hbm4b:s19+s2], $0x80, $0x38;
	[tilespmem:$0xA100] =	vst v63  }
0x2a: {  	_ =	swait.ge [sflag:s12], $0x80  }
0x2b: {  	[sflag:s12] =	ssyncset.done $0x0  }
0x2c: {  	[sflag:s12] =	ssyncadd.s32 $0xFFFFFF80  }
0x2d: {  	v1 =	vld [tilespmem:$0x80];
	_ =	sdelay $0x4  }
0x2e: {  	v2 =	vld [tilespmem:$0x0];
	_ =	sdelay $0x2  }
0x2f: {  	v3 =	vld.idx.msk [tilespmem:v1+s11+$0x0], $0xffff;
	_ =	sdelay $0x4  }
0x30: {  	[tilespmem:v2+s15+$0x0] =	vst.idx.add.f32.msk $0xffff, v3  }
0x31: {  	v1 =	vld.idx.msk [tilespmem:v1+s13+$0x0], $0xffff;
	_ =	sdelay $0x4  }
0x32: {  	[tilespmem:v2+s16+$0x0] =	vst.idx.add.f32.msk $0xffff, v1  }
0x33: {  	v1 =	vld [tilespmem:$0x90];
	_ =	sdelay $0x4  }
0x34: {  	v2 =	vld [tilespmem:$0x10];
	_ =	sdelay $0x2  }
0x35: {  	v3 =	vld.idx.msk [tilespmem:v1+s11+$0x0], $0xffff;
	_ =	sdelay $0x4  }
0x36: {  	[tilespmem:v2+s15+$0x0] =	vst.idx.add.f32.msk $0xffff, v3  }
0x37: {  	v1 =	vld.idx.msk [tilespmem:v1+s13+$0x0], $0xffff;
	_ =	sdelay $0x4  }
0x38: {  	[tilespmem:v2+s16+$0x0] =	vst.idx.add.f32.msk $0xffff, v1  }
0x39: {  	v1 =	vld [tilespmem:$0xA0];
	_ =	sdelay $0x4  }
0x3a: {  	v2 =	vld [tilespmem:$0x20];
	_ =	sdelay $0x2  }
0x3b: {  	v3 =	vld.idx.msk [tilespmem:v1+s11+$0x0], $0xffff;
	_ =	sdelay $0x4  }
0x3c: {  	[tilespmem:v2+s15+$0x0] =	vst.idx.add.f32.msk $0xffff, v3  }
0x3d: {  	v1 =	vld.idx.msk [tilespmem:v1+s13+$0x0], $0xffff;
	_ =	sdelay $0x4  }
0x3e: {  	[tilespmem:v2+s16+$0x0] =	vst.idx.add.f32.msk $0xffff, v1  }
0x3f: {  	v1 =	vld [tilespmem:$0xB0];
	_ =	sdelay $0x4  }
0x40: {  	v2 =	vld [tilespmem:$0x30];
	_ =	sdelay $0x2  }
0x41: {  	v3 =	vld.idx.msk [tilespmem:v1+s11+$0x0], $0xffff;
	_ =	sdelay $0x4  }
0x42: {  	[tilespmem:v2+s15+$0x0] =	vst.idx.add.f32.msk $0xffff, v3  }
0x43: {  	v1 =	vld.idx.msk [tilespmem:v1+s13+$0x0], $0xffff;
	_ =	sdelay $0x4  }
0x44: {  	[tilespmem:v2+s16+$0x0] =	vst.idx.add.f32.msk $0xffff, v1  }
0x45: {  	v1 =	vld [tilespmem:$0xC0];
	_ =	sdelay $0x4  }
0x46: {  	v2 =	vld [tilespmem:$0x40];
	_ =	sdelay $0x2  }
0x47: {  	v3 =	vld.idx.msk [tilespmem:v1+s11+$0x0], $0xffff;
	_ =	sdelay $0x4  }
0x48: {  	[tilespmem:v2+s15+$0x0] =	vst.idx.add.f32.msk $0xffff, v3  }
0x49: {  	v1 =	vld.idx.msk [tilespmem:v1+s13+$0x0], $0xffff;
	_ =	sdelay $0x4  }
0x4a: {  	[tilespmem:v2+s16+$0x0] =	vst.idx.add.f32.msk $0xffff, v1  }
0x4b: {  	v1 =	vld [tilespmem:$0xD0];
	_ =	sdelay $0x4  }
0x4c: {  	v2 =	vld [tilespmem:$0x50];
	_ =	sdelay $0x2  }
0x4d: {  	v3 =	vld.idx.msk [tilespmem:v1+s11+$0x0], $0xffff;
	_ =	sdelay $0x4  }
0x4e: {  	[tilespmem:v2+s15+$0x0] =	vst.idx.add.f32.msk $0xffff, v3  }
0x4f: {  	v1 =	vld.idx.msk [tilespmem:v1+s13+$0x0], $0xffff;
	_ =	sdelay $0x4  }
0x50: {  	[tilespmem:v2+s16+$0x0] =	vst.idx.add.f32.msk $0xffff, v1  }
0x51: {  	v1 =	vld [tilespmem:$0xE0];
	_ =	sdelay $0x4  }
0x52: {  	v2 =	vld [tilespmem:$0x60];
	_ =	sdelay $0x2  }
0x53: {  	v3 =	vld.idx.msk [tilespmem:v1+s11+$0x0], $0xffff;
	_ =	sdelay $0x4  }
0x54: {  	[tilespmem:v2+s15+$0x0] =	vst.idx.add.f32.msk $0xffff, v3  }
0x55: {  	v1 =	vld.idx.msk [tilespmem:v1+s13+$0x0], $0xffff;
	_ =	sdelay $0x4  }
0x56: {  	[tilespmem:v2+s16+$0x0] =	vst.idx.add.f32.msk $0xffff, v1  }
0x57: {  	v1 =	vld [tilespmem:$0xF0];
	_ =	sdelay $0x4  }
0x58: {  	v2 =	vld [tilespmem:$0x70];
	_ =	sdelay $0x2  }
0x59: {  	v3 =	vld.idx.msk [tilespmem:v1+s11+$0x0], $0xffff;
	_ =	sdelay $0x4  }
0x5a: {  	[tilespmem:v2+s15+$0x0] =	vst.idx.add.f32.msk $0xffff, v3  }
0x5b: {  	p0 =	sne.s32 s18, $0x2780;
	v1 =	vld.idx.msk [tilespmem:v1+s13+$0x0], $0xffff  }
.Ltmp2:
0x5c: {  	_ = 	snop;
	(pc) =	sbr.rel @p0 .LBB2_6-.Ltmp2, $2  }
0x5d: {  	_ =	sdelay $0x2  }
0x5e: {  	s18 =	sadd.s32 $0x80, s18;
	[tilespmem:v2+s16+$0x0] =	vst.idx.add.f32.msk $0xffff, v1  }
0x5f: {  	[hbm4b:s8+s2] =	stream.linear.scatter [tilespmem:s15], [sflag:$0x1], $0x2800, $0x38;
	[tilespmem:$0xA100] =	vst v63  }
0x60: {  	s17 =	sadd.s32 $0x1, s17;
	_ =	swait.ge [sflag:s12], $0x2800  }
0x61: {  	p0 =	sne.s32 s17, s10;
	[sflag:s12] =	ssyncset.done $0x0  }
.Ltmp3:
0x62: {  	[sflag:s12] =	ssyncadd.s32 $0xFFFFD800;
	(pc) =	sbr.rel @p0 .LBB2_1-.Ltmp3, $4  }
0x63: {  	[hbm4b:s9+s2] =	stream.linear.scatter [tilespmem:s16], [sflag:$0x1], $0x2800, $0x38;
	[tilespmem:$0xA100] =	vst v63  }
0x64: {  	_ =	swait.ge [sflag:s12], $0x2800  }
0x65: {  	[sflag:s12] =	ssyncset.done $0x0  }
0x66: {  	[sflag:s12] =	ssyncadd.s32 $0xFFFFD800  }
0x67: {  	_ =	sfence.sel $0x180000  }
0x68: {  	[bflag:$0x0] =	sbarrier.arrive $0xFFFF  }
0x69: {  	p0 =	sne.s32 s3, $0x0;
	_ =	strace $0x9000004D  }
0x6a: {  	s0 =	sadd.s32 @!p0 $0x100000, s0;
	[bflag:$0x2] =	sbarrier.arrive $0xFFFF  }
0x6b: {  	[sflag:s0] =	ssyncadd.tile.s32 @!p0 $0x1;
	_ =	shalt  }
.Lfunc_end2:
_tile_overlayer_lowered:
.L_overlay_start_2:
0x6c: {  	(tag) =	ssettag $0x2  }
0x6d: {  	s0 =	rddreg [dreg:$0x0];
	s2 =	stileid.u32  }
0x6e: {  	s1 =	rddreg [dreg:$0x1];
	p0 =	sne.s32 s2, $0x0  }
0x6f: {  	s3 =	rddreg [dreg:$0x2];
	[bflag:$0x3] =	sbarrier.arrive $0xFFFF;
	s2 =	simm.s32 @!p0 $0x1C01  }
0x70: {  	[timem:s3], [sflag:s2] =	dma.local @!p0 [hbm:s0], s1  }
0x71: {  	s0 =	simm.s32 @!p0 $0x1  }
0x72: {  	_ =	swait.ge @!p0 [sflag:s0], s1  }
0x73: {  	s1 =	ssub.s32 @!p0 $0x0, s1;
	[sflag:s0] =	ssyncset.done @!p0 $0x0  }
0x74: {  	[sflag:s0] =	ssyncadd.s32 @!p0 s1  }
0x75: {  	[bflag:$0x3] =	sbarrier.arrive $0xFFFF  }
0x76: {  	_ =	shalt  }

// kernel: kernel.24.cloned.1.call-start
scs
__scs_entry_jumppad:
0x0: {  	(pc) =	sbr.rel $0x88, $3  }
0x1: {  	(tag) =	ssettag $0x0;
	lr =	simm.s32 $0x1  }
0x2: {  	[smem:$0x3F96] =	sst lr;
	_ =	strace $0xD0000000  }
0x3: {  	_ = 	snop  }
0x4: {  	_ = 	snop  }
0x5: {  	_ = 	snop  }
0x6: {  	_ = 	snop  }
0x7: {  	_ = 	snop  }
__scs_overlays_trampoline_lowered:
0x8: {  	[smem:$0x3FA5] =	sst s0  }
0x9: {  	[smem:$0x3FA6] =	sst s1  }
0xa: {  	[smem:$0x3FA7] =	sst s2  }
0xb: {  	[smem:$0x3FA8] =	sst s3  }
0xc: {  	[smem:$0x3FA9] =	sst s4  }
0xd: {  	[smem:$0x3FAA] =	sst s5  }
0xe: {  	[smem:$0x3FAB] =	sst s6  }
0xf: {  	[smem:$0x3FAC] =	sst s7  }
0x10: {  	[smem:$0x3FAD] =	sst s8  }
0x11: {  	[smem:$0x3FAE] =	sst s9;
	s0 =	simm.s32 @!p0 $0x0  }
0x12: {  	s1 =	sld [smem:$0x3F94];
	s0 =	simm.s32 @p0 $0x1  }
0x13: {  	[smem:$0x3FAF] =	sst s0;
	s0 =	simm.s32 @!p1 $0x0  }
0x14: {  	s2 =	sld [smem:$0x3F93];
	s0 =	simm.s32 @p1 $0x1  }
0x15: {  	[smem:$0x3FB0] =	sst s0;
	s0 =	simm.s32 @!p2 $0x0  }
0x16: {  	s3 =	sld [smem:$0x3FDB];
	s0 =	simm.s32 @p2 $0x1  }
0x17: {  	s4 =	simm.s32 $0x1BF5;
	[smem:$0x3FB2] =	sst s0  }
0x18: {  	s0 =	sld [smem:$0x3F95];
	_ =	swait.ge [sflag:s4], $0x0  }
0x19: {  	s7 =	sld [smem:$0x3F96]  }
0x1a: {  	s8 =	sadd.s32 $0xFFFFE003, lr  }
0x1b: {  	s9 =	sadd.s32 $0xFFFFFEF7, lr;
	s5 =	simm.s32 $0xFFFFFFFF;
	p2 =	slt.u32 s8, $0xFFFFF086  }
0x1c: {  	p1 =	slt.u32 s9, $0xF7A;
	s5 =	simm.s32 @!p2 $0x0  }
0x1d: {  	s5 =	simm.s32 @p1 $0x1;
	p0 =	seq.s32 s7, s2  }
0x1e: {  	s7 =	smul.u32 @!p0 $0xF7A, s2;
	p2 =	seq.s32 @!p0 s5, $0x0  }
0x1f: {  	s9 =	smul.u32 $0xF7A, s1;
	s8 =	simm.s32 @!p0 $0x1BF5;
	p2 =	por !p2, p0  }
0x20: {  	[sflag:s8] =	ssyncset.s32 @!p0 $0xFFFFF086;
	s6 =	sadd.s32 @!p0 s3, s7;
	s7 =	simm.s32 @!p0 $0x108  }
0x21: {  	s3 =	sadd.s32 s3, s9;
	s6 =	sadd.s32 @!p0 $0x88, s6;
	s7 =	simm.s32 @p2 $0x1082  }
0x22: {  	[simem:s7], [sflag:s8] =	dma.local @!p0 [hbm:s6], $0xF7A  }
0x23: {  	s9 =	sor.u32 $0xD0000000, s2;
	s6 =	simm.s32 $0x108;
	_ =	swait.ge @!p0 [sflag:s8], $0x0  }
0x24: {  	s3 =	sadd.s32 $0x88, s3;
	s6 =	simm.s32 @!p1 $0x1082;
	[sflag:s4] =	ssyncset.s32 $0xFFFFF086  }
0x25: {  	[simem:s6], [sflag:s4] =	dma.local [hbm:s3], $0xF7A  }
0x26: {  	[smem:$0x3F96] =	sst s1;
	(tag) =	ssettag s2;
	_ =	strace s9  }
0x27: {  	s1 =	sld [smem:$0x3FA6]  }
0x28: {  	s2 =	sld [smem:$0x3FA7]  }
0x29: {  	s4 =	sld [smem:$0x3FA9]  }
0x2a: {  	p0 =	seq.s32 s5, $0x0;
	s5 =	sld [smem:$0x3FAA]  }
0x2b: {  	s6 =	sld [smem:$0x3FAB]  }
0x2c: {  	s7 =	sld [smem:$0x3FAC]  }
0x2d: {  	s3 =	simm.s32 $0x108;
	s8 =	sld [smem:$0x3FAD]  }
0x2e: {  	s3 =	simm.s32 @!p0 $0x1082;
	s9 =	sld [smem:$0x3FAE]  }
0x2f: {  	lr =	sadd.s32 s0, s3;
	s0 =	sld [smem:$0x3FA5]  }
0x30: {  	s3 =	sld [smem:$0x3FA8]  }
0x31: {  	[smem:$0x3FB1] =	sst s10  }
0x32: {  	s10 =	sld [smem:$0x3FAF];
	_ =	sdelay $0x3  }
0x33: {  	p0 =	seq.s32 s10, $0x1;
	s10 =	sld [smem:$0x3FB1];
	_ =	sdelay $0x3  }
0x34: {  	[smem:$0x3FB1] =	sst s10  }
0x35: {  	s10 =	sld [smem:$0x3FB0];
	_ =	sdelay $0x3  }
0x36: {  	p1 =	seq.s32 s10, $0x1;
	s10 =	sld [smem:$0x3FB1];
	_ =	sdelay $0x3  }
0x37: {  	[smem:$0x3FB1] =	sst s10  }
0x38: {  	s10 =	sld [smem:$0x3FB2]  }
0x39: {  	_ = 	snop;
	(pc) =	sbr.ind lr, $3  }
0x3a: {  	_ = 	snop  }
0x3b: {  	_ = 	snop  }
0x3c: {  	p2 =	seq.s32 s10, $0x1;
	s10 =	sld [smem:$0x3FB1]  }
0x3d: {  	_ =	shalt  }
0x3e: {  	_ =	shalt  }
0x3f: {  	_ =	shalt  }
0x40: {  	_ =	shalt  }
0x41: {  	_ =	shalt  }
0x42: {  	_ =	shalt  }
0x43: {  	_ =	shalt  }
0x44: {  	_ =	shalt  }
0x45: {  	_ =	shalt  }
0x46: {  	_ =	shalt  }
0x47: {  	_ =	shalt  }
0x48: {  	_ =	shalt  }
0x49: {  	_ =	shalt  }
0x4a: {  	_ =	shalt  }
0x4b: {  	_ =	shalt  }
0x4c: {  	_ =	shalt  }
0x4d: {  	_ =	shalt  }
0x4e: {  	_ =	shalt  }
0x4f: {  	_ =	shalt  }
0x50: {  	_ =	shalt  }
0x51: {  	_ =	shalt  }
0x52: {  	_ =	shalt  }
0x53: {  	_ =	shalt  }
0x54: {  	_ =	shalt  }
0x55: {  	_ =	shalt  }
0x56: {  	_ =	shalt  }
0x57: {  	_ =	shalt  }
0x58: {  	_ =	shalt  }
0x59: {  	_ =	shalt  }
0x5a: {  	_ =	shalt  }
0x5b: {  	_ =	shalt  }
0x5c: {  	_ =	shalt  }
0x5d: {  	_ =	shalt  }
0x5e: {  	_ =	shalt  }
0x5f: {  	_ =	shalt  }
0x60: {  	_ =	shalt  }
0x61: {  	_ =	shalt  }
0x62: {  	_ =	shalt  }
0x63: {  	_ =	shalt  }
0x64: {  	_ =	shalt  }
0x65: {  	_ =	shalt  }
0x66: {  	_ =	shalt  }
0x67: {  	_ =	shalt  }
0x68: {  	_ =	shalt  }
0x69: {  	_ =	shalt  }
0x6a: {  	_ =	shalt  }
0x6b: {  	_ =	shalt  }
0x6c: {  	_ =	shalt  }
0x6d: {  	_ =	shalt  }
0x6e: {  	_ =	shalt  }
0x6f: {  	_ =	shalt  }
0x70: {  	_ =	shalt  }
0x71: {  	_ =	shalt  }
0x72: {  	_ =	shalt  }
0x73: {  	_ =	shalt  }
0x74: {  	_ =	shalt  }
0x75: {  	_ =	shalt  }
0x76: {  	_ =	shalt  }
0x77: {  	_ =	shalt  }
0x78: {  	_ =	shalt  }
0x79: {  	_ =	shalt  }
0x7a: {  	_ =	shalt  }
0x7b: {  	_ =	shalt  }
0x7c: {  	_ =	shalt  }
0x7d: {  	_ =	shalt  }
0x7e: {  	_ =	shalt  }
0x7f: {  	_ =	shalt  }
0x80: {  	_ =	shalt  }
0x81: {  	_ =	shalt  }
0x82: {  	_ =	shalt  }
0x83: {  	_ =	shalt  }
0x84: {  	_ =	shalt  }
0x85: {  	_ =	shalt  }
0x86: {  	_ =	shalt  }
0x87: {  	_ =	shalt  }
.Lfunc_end0:
.L_simem_size_0:
called_computation.4_lowered:
.L_overlay_start_0:
0x88: {  	s2 =	sld [smem:$0x3FD9]  }
0x89: {  	s3 =	sld [smem:$0x3FFE];
	_ =	sdelay $0x1  }
0x8a: {  	s1 =	srdreg.scid  }
0x8b: {  	s0 =	sand.u32 $0x1, s1  }
0x8c: {  	s16 =	sshll.u32 s0, $0xA;
	s2 =	sadd.s32 s3, s2  }
0x8d: {  	s2 =	sadd.s32 s2, s16  }
0x8e: {  	[smem:$0x3FBD] =	sst s2  }
0x8f: {  	_ = 	snop  }
0x90: {  	(tm) =	ssettm $0x1  }
0x91: {  	s17 =	sld [smem:$0x3FFB];
	_ =	sdelay $0x3  }
0x92: {  	_ =	strace s17  }
0x93: {  	s2 =	sld [smem:$0x3FFC];
	_ =	sdelay $0x3  }
0x94: {  	_ =	strace s2  }
0x95: {  	s2 =	sld [smem:$0x3FFD];
	_ =	sdelay $0x3  }
0x96: {  	_ =	strace s2  }
0x97: {  	_ =	strace $0x8FFFFFFF  }
0x98: {  	s18 =	sld [smem:$0x3FDB];
	_ =	sdelay $0x1  }
0x99: {  	s19 =	simm.s32 $_scs_section_size  }
0x9a: {  	s4 =	simm.s32 $_size__tile_overlayer_lowered;
	s5 =	simm.s32 $_tile_overlayer_lowered  }
0x9b: {  	s22 =	simm.s32 $0x1BFF;
	s21 =	sshll.u32 s5, $0x1;
	s2 =	sadd.s32 s19, s18  }
0x9c: {  	s6 =	simm.s32 $0x0;
	s20 =	sshll.u32 s4, $0x1;
	s4 =	sadd.s32 s21, s2  }
0x9d: {  	[timem:s6], [sflag:s22] =	dma.local [hbm:s4], s20  }
0x9e: {  	_ =	swait.ge [sflag:s22], s20  }
0x9f: {  	s3 =	ssub.s32 $0x0, s20;
	[sflag:s22] =	ssyncset.done $0x0  }
0xa0: {  	[sflag:s22] =	ssyncadd.s32 s3;
	_ =	sdelay $0x1  }
0xa1: {  	s23 =	simm.s32 $0x1B8B  }
0xa2: {  	_ =	swait.ge [sflag:s23], $0x1  }
0xa3: {  	[sflag:s23] =	ssyncset.done $0x0  }
0xa4: {  	s25 =	simm.s32 $0x1B8E;
	s24 =	sld [smem:$0x3FFE];
	[sflag:s23] =	ssyncadd.s32 $0xFFFFFFFF  }
0xa5: {  	s26 =	simm.s32 $execute0_lowered;
	[smem:$0x3FD2] =	sst s25  }
0xa6: {  	s4 =	sshll.u32 s26, $0x1;
	_ =	strace $0x80000052;
	[dreg:$0x1] =	wrdreg $0xFFFFFFFF  }
0xa7: {  	s28 =	simm.s32 $_size_execute0_lowered;
	s2 =	sadd.s32 s2, s4;
	[dreg:$0x0] =	wrdreg $0x0  }
0xa8: {  	s4 =	sshll.u32 s28, $0x1;
	[dreg:$0x2] =	wrdreg s2  }
0xa9: {  	[dreg:$0x3] =	wrdreg s4  }
0xaa: {  	[dreg:$0x4] =	wrdreg $0xC0  }
0xab: {  	_ =	task [dreg:s6], $0x5FFFF  }
0xac: {  	[dreg:$0x1] =	wrdreg $0xFFFFFFFF  }
0xad: {  	[dreg:$0x0] =	wrdreg $0x60  }
0xae: {  	[dreg:$0x2] =	wrdreg s24  }
0xaf: {  	[dreg:$0x3] =	wrdreg $0x61000  }
0xb0: {  	[dreg:$0x4] =	wrdreg $0x9  }
0xb1: {  	_ =	task.clear_ibuf [dreg:s6], $0x5FFFF;
	_ =	strace $0x90000052  }
0xb2: {  	s29 =	simm.s32 $0x9;
	_ =	strace $0x80000054  }
0xb3: {  	_ =	swait.ge [sflag:s29], $0x1  }
0xb4: {  	[sflag:s29] =	ssyncadd.s32 $0xFFFFFFFF  }
0xb5: {  	_ =	strace $0x90000054  }
0xb6: {  	_ =	sfence  }
0xb7: {  	s30 =	sld [smem:$0x0];
	_ =	sdelay $0x2  }
0xb8: {  	s31 =	sshll.u32 s1, $0xD;
	s1 =	sshrl.u32 s1, $0x2  }
0xb9: {  	s3 =	sand.u32 $0x4000, s31;
	s1 =	sadd.s32 s1, s30  }
0xba: {  	s0 =	sor.u32 s3, s0;
	s1 =	sshll.u32 s1, $0x11  }
0xbb: {  	s0 =	sor.u32 s1, s0  }
0xbc: {  	s0 =	sadd.s32 $0x8F2B, s0  }
0xbd: {  	[sflag:s0] =	ssyncadd.remote.s32 $0x1  }
0xbe: {  	_ =	sfence.sel $0xFFFF  }
0xbf: {  	[dreg:$0x0] =	wrdreg $0xFFFFFFFF;
	(pc) =	sbr.abs _section_cstart, $3  }
0xc0: {  	[dreg:$0x1] =	wrdreg $0xFFFFFFFF  }
0xc1: {  	_ =	task.clear_ibuf [dreg:s6], $0x2FFFF;
	_ =	strace $0x9FFFFFFF  }
0xc2: {  	(tm) =	ssettm $0x7FFFFFFF  }
0xc3: {  	_ =	shalt  }
tec
execute0_lowered:
.L_overlay_start_1:
0x0: {  	(tag) =	ssettag $0x1  }
0x1: {  	s0 =	rddreg [dreg:$0x0]  }
0x2: {  	s1 =	rddreg [dreg:$0x1];
	s3 =	simm.s32 $0x0;
	s2 =	srdreg.scid  }
0x3: {  	s15 =	stileid.u32;
	s21 =	simm.s32 $0x4100;
	s22 =	simm.s32 $0x3  }
0x4: {  	s23 =	simm.s32 $0x80;
	s28 =	simm.s32 $0x1;
	s29 =	simm.s32 $0x2  }
0x5: {  	s30 =	simm.s32 $0x0;
	s31 =	simm.s32 $0x0;
	s9 =	smul.u32 $0x14000, s15  }
0x6: {  	[smem:$0x7FF] =	sst s3;
	s2 =	sand.u32 $0x1, s2;
	s10 =	smul.u32 $0x50000, s15  }
0x7: {  	s4 =	sadd.s32 $0x7BE00, s0;
	s6 =	sadd.s32 $0x19E400, s0;
	s26 =	smul.u32 $0x5000, s15  }
0x8: {  	s5 =	sadd.s32 $0x53E00, s0;
	s7 =	sadd.s32 $0x18A400, s0;
	s8 =	smul.u32 $0x140000, s2  }
0x9: {  	_ =	strace $0x80000053;
	s24 =	ssub.s32 $0x2, s2;
	s2 =	smul.u32 $0x50000, s2  }
0xa: {  	s10 =	sshrl.u32 s10, $0x2;
	s11 =	sshrl.u32 s24, $0x1;
	s8 =	sadd.s32 s9, s8  }
0xb: {  	s9 =	ssub.s32 s24, s11;
	s18 =	sadd.s32 s26, s2;
	s8 =	sshrl.u32 s8, $0x3  }
0xc: {  	s24 =	simm.s32 $0x40;
	s0 =	sadd.s32 s8, s0;
	s8 =	sadd.s32 s10, s1  }
0xd: {  	s26 =	simm.s32 $0x2100;
	s20 =	smax.u32 s9, $0x1;
	s10 =	sadd.s32 $0x2000, s8  }
0xe: {  	s25 =	sadd.s32 $0x4000, s8;
	s11 =	sadd.s32 $0x6000, s8;
	s12 =	sadd.s32 $0x8000, s8  }
0xf: {  	s13 =	sadd.s32 $0xA000, s8;
	s14 =	sadd.s32 $0xC000, s8;
	s15 =	sadd.s32 $0xE000, s8  }
0x10: {  	s16 =	sadd.s32 $0x10000, s8;
	s17 =	sadd.s32 $0x12000, s8;
	[dreg:$0x3] =	wrdreg s10  }
0x11: {  	v0 =	vimm.f32 $0.0e+00;
	s19 =	sadd.s32 $0xCBE00, s0;
	[dreg:$0x4] =	wrdreg s25;
	s25 =	simm.s32 $0x100  }
.LBB2_1:
0x12: {  	s0 =	simm.s32 $0x0;
	s2 =	simm.s32 $0x200  }
.LBB2_2:
0x13: {  	p0 =	sne.s32 s2, $0x7E00;
	[tilespmem:s0+$0x4170] =	vst v0  }
0x14: {  	[tilespmem:s0+$0x4100] =	vst v0  }
0x15: {  	[tilespmem:s0+$0x4110] =	vst v0  }
.Ltmp0:
0x16: {  	[tilespmem:s0+$0x4120] =	vst v0;
	(pc) =	sbr.rel @p0 .LBB2_2-.Ltmp0, $4  }
0x17: {  	[tilespmem:s0+$0x4130] =	vst v0  }
0x18: {  	[tilespmem:s0+$0x4140] =	vst v0  }
0x19: {  	[tilespmem:s0+$0x4150] =	vst v0  }
0x1a: {  	[tilespmem:s0+$0x4160] =	vst v0;
	s0 =	sshra.s32 s2, $0x2;
	s2 =	sadd.s32 $0x200, s2  }
0x1b: {  	[tilespmem:s0+$0x4170] =	vst v0  }
0x1c: {  	[tilespmem:s0+$0x4100] =	vst v0  }
0x1d: {  	[tilespmem:s0+$0x4110] =	vst v0  }
0x1e: {  	[tilespmem:s0+$0x4120] =	vst v0  }
0x1f: {  	[tilespmem:s0+$0x4130] =	vst v0  }
0x20: {  	[tilespmem:s0+$0x4140] =	vst v0  }
0x21: {  	[tilespmem:s0+$0x4150] =	vst v0  }
0x22: {  	[tilespmem:s0+$0x4160] =	vst v0  }
0x23: {  	[spmem:s8] =	stream.linear.scatter [tilespmem:s21], [sflag:$0x3], $0x2000, $0x38;
	[tilespmem:$0x1A100] =	vst v63  }
0x24: {  	_ =	swait.ge [sflag:s22], $0x2000  }
0x25: {  	[sflag:s22] =	ssyncset.done $0x0  }
0x26: {  	s9 =	rddreg [dreg:$0x3];
	[sflag:s22] =	ssyncadd.s32 $0xFFFFE000  }
0x27: {  	[spmem:s9] =	stream.linear.scatter [tilespmem:s21], [sflag:$0x3], $0x2000, $0x38;
	[tilespmem:$0x1A100] =	vst v63  }
0x28: {  	_ =	swait.ge [sflag:s22], $0x2000  }
0x29: {  	[sflag:s22] =	ssyncset.done $0x0  }
0x2a: {  	s10 =	rddreg [dreg:$0x4];
	[sflag:s22] =	ssyncadd.s32 $0xFFFFE000  }
0x2b: {  	[spmem:s10] =	stream.linear.scatter [tilespmem:s21], [sflag:$0x3], $0x2000, $0x38;
	[tilespmem:$0x1A100] =	vst v63  }
0x2c: {  	_ =	swait.ge [sflag:s22], $0x2000  }
0x2d: {  	[sflag:s22] =	ssyncset.done $0x0  }
0x2e: {  	[sflag:s22] =	ssyncadd.s32 $0xFFFFE000  }
0x2f: {  	[spmem:s11] =	stream.linear.scatter [tilespmem:s21], [sflag:$0x3], $0x2000, $0x38;
	[tilespmem:$0x1A100] =	vst v63  }
0x30: {  	_ =	swait.ge [sflag:s22], $0x2000  }
0x31: {  	[sflag:s22] =	ssyncset.done $0x0  }
0x32: {  	[sflag:s22] =	ssyncadd.s32 $0xFFFFE000  }
0x33: {  	[spmem:s12] =	stream.linear.scatter [tilespmem:s21], [sflag:$0x3], $0x2000, $0x38;
	[tilespmem:$0x1A100] =	vst v63  }
0x34: {  	_ =	swait.ge [sflag:s22], $0x2000  }
0x35: {  	[sflag:s22] =	ssyncset.done $0x0  }
0x36: {  	[sflag:s22] =	ssyncadd.s32 $0xFFFFE000  }
0x37: {  	[spmem:s13] =	stream.linear.scatter [tilespmem:s21], [sflag:$0x3], $0x2000, $0x38;
	[tilespmem:$0x1A100] =	vst v63  }
0x38: {  	_ =	swait.ge [sflag:s22], $0x2000  }
0x39: {  	[sflag:s22] =	ssyncset.done $0x0  }
0x3a: {  	[sflag:s22] =	ssyncadd.s32 $0xFFFFE000  }
0x3b: {  	[spmem:s14] =	stream.linear.scatter [tilespmem:s21], [sflag:$0x3], $0x2000, $0x38;
	[tilespmem:$0x1A100] =	vst v63  }
0x3c: {  	_ =	swait.ge [sflag:s22], $0x2000  }
0x3d: {  	[sflag:s22] =	ssyncset.done $0x0  }
0x3e: {  	[sflag:s22] =	ssyncadd.s32 $0xFFFFE000  }
0x3f: {  	[spmem:s15] =	stream.linear.scatter [tilespmem:s21], [sflag:$0x3], $0x2000, $0x38;
	[tilespmem:$0x1A100] =	vst v63  }
0x40: {  	_ =	swait.ge [sflag:s22], $0x2000  }
0x41: {  	[sflag:s22] =	ssyncset.done $0x0  }
0x42: {  	[sflag:s22] =	ssyncadd.s32 $0xFFFFE000  }
0x43: {  	[spmem:s16] =	stream.linear.scatter [tilespmem:s21], [sflag:$0x3], $0x2000, $0x38;
	[tilespmem:$0x1A100] =	vst v63  }
0x44: {  	_ =	swait.ge [sflag:s22], $0x2000  }
0x45: {  	[sflag:s22] =	ssyncset.done $0x0  }
0x46: {  	[sflag:s22] =	ssyncadd.s32 $0xFFFFE000  }
0x47: {  	[spmem:s17] =	stream.linear.scatter [tilespmem:s21], [sflag:$0x3], $0x2000, $0x38;
	[tilespmem:$0x1A100] =	vst v63  }
0x48: {  	_ =	swait.ge [sflag:s22], $0x2000  }
0x49: {  	[sflag:s22] =	ssyncset.done $0x0  }
0x4a: {  	[sflag:s22] =	ssyncadd.s32 $0xFFFFE000  }
0x4b: {  	s0 =	simm.s32 $0x0;
	[bflag:$0x0] =	sbarrier.arrive $0xFFFF  }
.LBB2_4:
0x4c: {  	s2 =	sshll.u32 s0, $0x7  }
0x4d: {  	s9 =	sand.u32 $0x7C00, s2  }
0x4e: {  	s2 =	sand.u32 $0x380, s2;
	s9 =	sadd.s32 s9, s18  }
0x4f: {  	s2 =	sor.u32 s2, s9  }
0x50: {  	s2 =	sshrl.u32 s2, $0x3  }
0x51: {  	s10 =	sadd.s32 s6, s2  }
0x52: {  	[tilespmem:s31], [sflag:$0x3] =	stream.linear.gather [hbm4b:s10+s31], $0x80, $0x38;
	[tilespmem:$0x1A100] =	vst v63  }
0x53: {  	_ =	swait.ge [sflag:s22], $0x80  }
0x54: {  	[sflag:s22] =	ssyncset.done $0x0  }
0x55: {  	s2 =	sadd.s32 s7, s2;
	[sflag:s22] =	ssyncadd.s32 $0xFFFFFF80  }
0x56: {  	[tilespmem:s23], [sflag:$0x3] =	stream.linear.gather [hbm4b:s2+s31], $0x80, $0x38;
	[tilespmem:$0x1A100] =	vst v63  }
0x57: {  	_ =	swait.ge [sflag:s22], $0x80  }
0x58: {  	[sflag:s22] =	ssyncset.done $0x0  }
0x59: {  	[sflag:s22] =	ssyncadd.s32 $0xFFFFFF80  }
0x5a: {  	[tilespmem:s25], [sflag:$0x1] =	stream.indirect.gather [hbm4b:s4+s24], $0x80, s31, s24, $0xb8;
	[tilespmem:$0x1A100] =	vst v63  }
0x5b: {  	_ = 	snop  }
0x5c: {  	[tilespmem:s26], [sflag:$0x2] =	stream.indirect.gather [hbm4b:s5+s24], $0x80, s23, s24, $0xb8;
	[tilespmem:$0x1A100] =	vst v63  }
0x5d: {  	_ =	swait.ge [sflag:s28], $0x2000  }
0x5e: {  	[sflag:s28] =	ssyncset.done $0x0  }
0x5f: {  	[sflag:s28] =	ssyncadd.s32 $0xFFFFE000  }
0x60: {  	_ =	swait.ge [sflag:s29], $0x2000  }
0x61: {  	[sflag:s29] =	ssyncset.done $0x0  }
0x62: {  	s2 =	simm.s32 $0x0;
	[sflag:s29] =	ssyncadd.s32 $0xFFFFE000  }
0x63: {  	v1 =	vld [tilespmem:s2+$0x170]  }
0x64: {  	v2 =	vld [tilespmem:s2+$0x2170]  }
0x65: {  	v3 =	vld [tilespmem:s2+$0x100]  }
0x66: {  	v4 =	vld [tilespmem:s2+$0x2100]  }
0x67: {  	v5 =	vld [tilespmem:s2+$0x110]  }
0x68: {  	v6 =	vld [tilespmem:s2+$0x2110]  }
0x69: {  	v7 =	vld [tilespmem:s2+$0x120]  }
0x6a: {  	v1 =	vsub.f32 v1, v2;
	v2 =	vld [tilespmem:s2+$0x2120]  }
0x6b: {  	v8 =	vld [tilespmem:s2+$0x130]  }
0x6c: {  	v9 =	vld [tilespmem:s2+$0x2130];
	v3 =	vsub.f32 v3, v4  }
0x6d: {  	v10 =	vld [tilespmem:s2+$0x140];
	v1 =	vand.u32 $0x7FFFFFFF, v1  }
0x6e: {  	[tilespmem:s2+$0x4170] =	vst v1;
	v1 =	vand.u32 $0x7FFFFFFF, v3;
	v3 =	vsub.f32 v5, v6;
	v6 =	vld [tilespmem:s2+$0x2140]  }
0x6f: {  	v4 =	vld [tilespmem:s2+$0x2150];
	v2 =	vsub.f32 v7, v2  }
0x70: {  	[tilespmem:s2+$0x4100] =	vst v1;
	v1 =	vld [tilespmem:s2+$0x150];
	v3 =	vand.u32 $0x7FFFFFFF, v3  }
0x71: {  	v5 =	vld [tilespmem:s2+$0x2160];
	v7 =	vsub.f32 v8, v9;
	[tilespmem:s2+$0x4110] =	vst v3;
	v3 =	vand.u32 $0x7FFFFFFF, v2  }
0x72: {  	s9 =	simm.s32 $0x80;
	v2 =	vld [tilespmem:s2+$0x160];
	[tilespmem:s2+$0x4120] =	vst v3  }
0x73: {  	s10 =	simm.s32 $0x400;
	v7 =	vand.u32 $0x7FFFFFFF, v7;
	v6 =	vsub.f32 v10, v6;
	v3 =	vld [tilespmem:s9+$0x170]  }
.LBB2_5:
0x74: {  	p0 =	sne.s32 s10, $0x7E00;
	v8 =	vld [tilespmem:s9+$0x2170];
	[tilespmem:s2+$0x4130] =	vst v7  }
0x75: {  	v7 =	vld [tilespmem:s9+$0x100];
	v6 =	vand.u32 $0x7FFFFFFF, v6;
	v1 =	vsub.f32 v1, v4  }
0x76: {  	v4 =	vld [tilespmem:s9+$0x2100];
	[tilespmem:s2+$0x4140] =	vst v6  }
0x77: {  	v6 =	vld [tilespmem:s9+$0x110];
	v1 =	vand.u32 $0x7FFFFFFF, v1;
	v2 =	vsub.f32 v2, v5  }
0x78: {  	v5 =	vld [tilespmem:s9+$0x2110];
	[tilespmem:s2+$0x4150] =	vst v1  }
0x79: {  	v1 =	vld [tilespmem:s9+$0x120];
	v3 =	vsub.f32 v3, v8;
	v2 =	vand.u32 $0x7FFFFFFF, v2  }
0x7a: {  	v8 =	vld [tilespmem:s9+$0x2120];
	[tilespmem:s2+$0x4160] =	vst v2;
	s2 =	smov.u32 s9  }
0x7b: {  	v2 =	vsub.f32 v7, v4;
	v7 =	vld [tilespmem:s2+$0x130];
	v3 =	vand.u32 $0x7FFFFFFF, v3  }
0x7c: {  	v9 =	vld [tilespmem:s2+$0x2130];
	[tilespmem:s2+$0x4170] =	vst v3  }
0x7d: {  	v2 =	vand.u32 $0x7FFFFFFF, v2;
	v3 =	vsub.f32 v6, v5;
	v6 =	vld [tilespmem:s2+$0x140]  }
0x7e: {  	[tilespmem:s2+$0x4100] =	vst v2;
	v10 =	vld [tilespmem:s2+$0x2140]  }
.Ltmp1:
0x7f: {  	v2 =	vand.u32 $0x7FFFFFFF, v3;
	v3 =	vsub.f32 v1, v8;
	v1 =	vld [tilespmem:s2+$0x150];
	(pc) =	sbr.rel @p0 .LBB2_5-.Ltmp1, $4  }
0x80: {  	[tilespmem:s2+$0x4110] =	vst v2;
	v4 =	vld [tilespmem:s2+$0x2150]  }
0x81: {  	v3 =	vand.u32 $0x7FFFFFFF, v3;
	v7 =	vsub.f32 v7, v9;
	v2 =	vld [tilespmem:s2+$0x160]  }
0x82: {  	s9 =	sshra.s32 s10, $0x2;
	[tilespmem:s2+$0x4120] =	vst v3;
	v5 =	vld [tilespmem:s2+$0x2160]  }
0x83: {  	s10 =	sadd.s32 $0x200, s10;
	v3 =	vld [tilespmem:s9+$0x170];
	v7 =	vand.u32 $0x7FFFFFFF, v7;
	v6 =	vsub.f32 v6, v10  }
0x84: {  	v8 =	vld [tilespmem:s9+$0x2170];
	[tilespmem:s2+$0x4130] =	vst v7  }
0x85: {  	v7 =	vld [tilespmem:s9+$0x100];
	v6 =	vand.u32 $0x7FFFFFFF, v6;
	v1 =	vsub.f32 v1, v4  }
0x86: {  	v9 =	vld [tilespmem:s9+$0x2100];
	[tilespmem:s2+$0x4140] =	vst v6  }
0x87: {  	v57 =	vld [tilespmem:s9+$0x110];
	v1 =	vand.u32 $0x7FFFFFFF, v1;
	v2 =	vsub.f32 v2, v5  }
0x88: {  	v6 =	vld [tilespmem:s9+$0x2110];
	[tilespmem:s2+$0x4150] =	vst v1  }
0x89: {  	v1 =	vld [tilespmem:s9+$0x120];
	v2 =	vand.u32 $0x7FFFFFFF, v2  }
0x8a: {  	v58 =	vld [tilespmem:s9+$0x2120];
	[tilespmem:s2+$0x4160] =	vst v2  }
0x8b: {  	v2 =	vld [tilespmem:s9+$0x130]  }
0x8c: {  	v3 =	vsub.f32 v3, v8;
	v59 =	vld [tilespmem:s9+$0x2130]  }
0x8d: {  	v7 =	vsub.f32 v7, v9;
	v60 =	vld [tilespmem:s9+$0x140]  }
0x8e: {  	v3 =	vand.u32 $0x7FFFFFFF, v3;
	v61 =	vld [tilespmem:s9+$0x150]  }
0x8f: {  	v62 =	vld [tilespmem:s9+$0x2150];
	[tilespmem:s9+$0x4170] =	vst v3;
	v3 =	vand.u32 $0x7FFFFFFF, v7;
	v1 =	vsub.f32 v1, v58  }
0x90: {  	[tilespmem:s9+$0x4100] =	vst v3;
	v3 =	vld [tilespmem:s9+$0x2140]  }
0x91: {  	v63 =	vld [tilespmem:s9+$0x160];
	v1 =	vand.u32 $0x7FFFFFFF, v1  }
0x92: {  	[tilespmem:s9+$0x4120] =	vst v1;
	v1 =	vld [tilespmem:s9+$0x2160]  }
0x93: {  	v4 =	vsub.f32 v57, v6  }
0x94: {  	v2 =	vsub.f32 v2, v59  }
0x95: {  	v4 =	vand.u32 $0x7FFFFFFF, v4;
	v3 =	vsub.f32 v60, v3  }
0x96: {  	[tilespmem:s9+$0x4110] =	vst v4;
	v4 =	vsub.f32 v61, v62;
	v2 =	vand.u32 $0x7FFFFFFF, v2  }
0x97: {  	[tilespmem:s9+$0x4130] =	vst v2;
	v2 =	vand.u32 $0x7FFFFFFF, v3;
	v1 =	vsub.f32 v63, v1  }
0x98: {  	s0 =	sadd.s32 $0x1, s0;
	[tilespmem:s9+$0x4140] =	vst v2;
	v2 =	vand.u32 $0x7FFFFFFF, v4  }
0x99: {  	p0 =	sne.s32 s0, $0x9E;
	[tilespmem:s9+$0x4150] =	vst v2;
	v1 =	vand.u32 $0x7FFFFFFF, v1  }
.Ltmp2:
0x9a: {  	[tilespmem:s9+$0x4160] =	vst v1;
	(pc) =	sbr.rel @p0 .LBB2_4-.Ltmp2, $4  }
0x9b: {  	[spmem:s1] =	stream.indirect.scatter.add.f32 [tilespmem:s21], [sflag:$0x3], $0x80, s3, s24, $0xb8;
	[tilespmem:$0x1A100] =	vst v63  }
0x9c: {  	_ =	swait.ge [sflag:s22], $0x2000  }
0x9d: {  	[sflag:s22] =	ssyncset.done $0x0  }
0x9e: {  	[sflag:s22] =	ssyncadd.s32 $0xFFFFE000  }
0x9f: {  	s0 =	stileid.u32;
	s30 =	sadd.s32 $0x1, s30  }
0xa0: {  	[bflag:$0x0] =	sbarrier.arrive $0xFFFF;
	s0 =	sshll.u32 s0, $0x6;
	p0 =	sne.s32 s30, s20  }
.Ltmp3:
0xa1: {  	s2 =	sshrl.u32 s8, $0x3;
	s0 =	sor.u32 $0x1C03, s0;
	(pc) =	sbr.rel @p0 .LBB2_1-.Ltmp3, $4  }
0xa2: {  	[hbm:s19], [sflag:s0] =	dma.local [spmem:s2], $0x2800  }
0xa3: {  	_ =	swait.ge [sflag:s22], $0x2800  }
0xa4: {  	[sflag:s22] =	ssyncset.done $0x0  }
0xa5: {  	[sflag:s22] =	ssyncadd.s32 $0xFFFFD800  }
0xa6: {  	_ =	sfence.sel $0x180000  }
0xa7: {  	[bflag:$0x0] =	sbarrier.arrive $0xFFFF  }
0xa8: {  	_ =	strace $0x90000053  }
0xa9: {  	s0 =	stileid.u32;
	[bflag:$0x2] =	sbarrier.arrive $0xFFFF  }
0xaa: {  	p0 =	sne.s32 s0, $0x0;
	s0 =	rddreg [dreg:$0x2]  }
0xab: {  	s0 =	sadd.s32 @!p0 $0x100000, s0  }
0xac: {  	[sflag:s0] =	ssyncadd.tile.s32 @!p0 $0x1;
	_ =	shalt  }
.Lfunc_end2:
_tile_overlayer_lowered:
.L_overlay_start_2:
0xad: {  	(tag) =	ssettag $0x2  }
0xae: {  	s0 =	rddreg [dreg:$0x0];
	s2 =	stileid.u32  }
0xaf: {  	s1 =	rddreg [dreg:$0x1];
	p0 =	sne.s32 s2, $0x0  }
0xb0: {  	s3 =	rddreg [dreg:$0x2];
	[bflag:$0x3] =	sbarrier.arrive $0xFFFF;
	s2 =	simm.s32 @!p0 $0x1C03  }
0xb1: {  	[timem:s3], [sflag:s2] =	dma.local @!p0 [hbm:s0], s1  }
0xb2: {  	s0 =	simm.s32 @!p0 $0x3  }
0xb3: {  	_ =	swait.ge @!p0 [sflag:s0], s1  }
0xb4: {  	s1 =	ssub.s32 @!p0 $0x0, s1;
	[sflag:s0] =	ssyncset.done @!p0 $0x0  }
0xb5: {  	[sflag:s0] =	ssyncadd.s32 @!p0 s1  }
0xb6: {  	[bflag:$0x3] =	sbarrier.arrive $0xFFFF  }
0xb7: {  	_ =	shalt  }

</sc_bundles>
